<compile_context>
chip_gen: v7x
topology: tpu7x:2x2x1
jax: 0.10.2.dev20260603
libtpu: 0.0.44.dev20260713+nightly
codegen_flags: <defaults>
</compile_context>

<pallas_src>
import jax
import jax.numpy as jnp
from jax import lax
from jax.experimental import pallas as pl
from jax.experimental.pallas import tpu as pltpu
from jax.experimental.pallas import tpu_sc as plsc

B = 16384
D = 64
NC = 2
NS = 16
NW = NC * NS
BPW = B // NW
CHUNK = 128
NCHUNK = BPW // CHUNK
GROUPS = BPW // 16


def _rsqrt(x):
    i = plsc.bitcast(x, jnp.int32)
    i = jnp.int32(0x5F3759DF) - (i >> 1)
    y = plsc.bitcast(i, jnp.float32)
    for _ in range(3):
        y = y * (jnp.float32(1.5) - jnp.float32(0.5) * x * y * y)
    return y


def _scale(sq):
    return jnp.minimum(jnp.float32(1.0),
                       _rsqrt(jnp.maximum(sq, jnp.float32(1e-14))))


def _body(uid_hbm, iid_hbm, users_hbm, items_hbm, out_hbm,
          uidx_v, iidx_v, urows_v, irows_v, out_v, sem):
    w = lax.axis_index("s") * NC + lax.axis_index("c")
    crow = w * NCHUNK
    pltpu.sync_copy(uid_hbm.at[pl.ds(crow, NCHUNK)], uidx_v)
    pltpu.sync_copy(iid_hbm.at[pl.ds(crow, NCHUNK)], iidx_v)
    copies = []
    for j in range(NCHUNK):
        copies.append(pltpu.async_copy(
            users_hbm.at[uidx_v.at[j]],
            urows_v.at[pl.ds(j * CHUNK, CHUNK)], sem))
        copies.append(pltpu.async_copy(
            items_hbm.at[iidx_v.at[j]],
            irows_v.at[pl.ds(j * CHUNK, CHUNK)], sem))
    for c in copies:
        c.wait()

    lanes = lax.iota(jnp.int32, 16)

    def group(g, carry):
        row_vec = g * 16 + lanes
        zero = jnp.zeros((16,), jnp.float32)
        uu, ii, ui = zero, zero, zero
        for d in range(D):
            d_vec = jnp.full((16,), d, jnp.int32)
            u = plsc.load_gather(urows_v, [row_vec, d_vec])
            v = plsc.load_gather(irows_v, [row_vec, d_vec])
            uu = uu + u * u
            ii = ii + v * v
            ui = ui + u * v
        p = ui * _scale(uu) * _scale(ii)
        out_v[pl.ds(g * 16, 16)] = (
            jnp.float32(1.0) / (jnp.float32(1.0) + jnp.exp(-p)))
        return carry

    lax.fori_loop(0, GROUPS, group, 0)
    pltpu.sync_copy(out_v, out_hbm.at[pl.ds(w * BPW, BPW)])


def kernel(user_ids, item_ids, users, items):
    uid2 = user_ids.reshape(B // CHUNK, CHUNK).astype(jnp.int32)
    iid2 = item_ids.reshape(B // CHUNK, CHUNK).astype(jnp.int32)
    run = pl.kernel(
        _body,
        out_type=jax.ShapeDtypeStruct((B,), jnp.float32),
        mesh=plsc.VectorSubcoreMesh(core_axis_name="c", subcore_axis_name="s"),
        compiler_params=pltpu.CompilerParams(
            needs_layout_passes=False, use_tc_tiling_on_sc=False),
        scratch_types=[
            pltpu.VMEM((NCHUNK, CHUNK), jnp.int32),
            pltpu.VMEM((NCHUNK, CHUNK), jnp.int32),
            pltpu.VMEM((BPW, D), jnp.float32),
            pltpu.VMEM((BPW, D), jnp.float32),
            pltpu.VMEM((BPW,), jnp.float32),
            pltpu.SemaphoreType.DMA,
        ],
    )
    return run(uid2, iid2, users, items)

# --- scband reference (transcript-rebuilt; emitter-appended) ---
"""Pipeline reference for scband-als-16776142258258 (READ-ONLY COPY).

The authoritative reference and input builder live on the scoring server;
editing this copy changes nothing except your own understanding.
"""

import jax, jax.numpy as jnp
import numpy as np

N_USERS = 1000000
N_ITEMS = 1000000
DIM = 64
BATCH = 16384
MAX_NORM = 1.0

def _renorm(emb, max_norm=MAX_NORM, eps=1e-7):
    # Emulates torch nn.Embedding(max_norm=1): rows are renormed to have norm <= max_norm
    norm = jnp.linalg.norm(emb, axis=-1, keepdims=True)
    scale = jnp.minimum(1.0, max_norm / jnp.maximum(norm, eps))
    return emb * scale

def setup_inputs(seed: int = 0) -> dict:
    key = jax.random.key(seed)
    k1, k2, k3, k4 = jax.random.split(key, 4)
    user_ids = jax.random.randint(k1, (BATCH,), 0, N_USERS, dtype=jnp.int64 if jax.config.jax_enable_x64 else jnp.int32)
    item_ids = jax.random.randint(k2, (BATCH,), 0, N_ITEMS, dtype=jnp.int64 if jax.config.jax_enable_x64 else jnp.int32)
    users = jax.random.normal(k3, (N_USERS, DIM), dtype=jnp.float32)
    items = jax.random.normal(k4, (N_ITEMS, DIM), dtype=jnp.float32)
    return {"user_ids": user_ids, "item_ids": item_ids, "users": users, "items": items}

def reference(user_ids, item_ids, users, items):
    user_embeddings = _renorm(jnp.take(users, user_ids, axis=0))
    item_embeddings = _renorm(jnp.take(items, item_ids, axis=0))
    dot_product_similarity = jnp.sum(user_embeddings * item_embeddings, axis=1)
    similarity_scores = jax.nn.sigmoid(dot_product_similarity)
    return similarity_scores

if __name__ == "__main__":
    import jax
    _d = setup_inputs()
    print(jax.jit(kernel)(*tuple(_d.values())))

</pallas_src>

<mosaic_0001>
#map = affine_map<(d0, d1) -> (0, 0)>
#map1 = affine_map<(d0, d1) -> (0)>
module attributes {stable_mosaic.version = 14 : i64} {
  func.func @_body(%arg0: i32, %arg1: i32, %arg2: memref<128x128xi32, #tpu.memory_space<hbm>>, %arg3: memref<128x128xi32, #tpu.memory_space<hbm>>, %arg4: memref<1000000x64xf32, #tpu.memory_space<hbm>>, %arg5: memref<1000000x64xf32, #tpu.memory_space<hbm>>, %arg6: memref<16384xf32, #tpu.memory_space<hbm>>, %arg7: memref<4x128xi32, #tpu.memory_space<vmem>>, %arg8: memref<4x128xi32, #tpu.memory_space<vmem>>, %arg9: memref<512x64xf32, #tpu.memory_space<vmem>>, %arg10: memref<512x64xf32, #tpu.memory_space<vmem>>, %arg11: memref<512xf32, #tpu.memory_space<vmem>>, %arg12: memref<!tpu.dma_semaphore, #tpu.memory_space<semaphore_mem>>) attributes {dimension_semantics = [#tpu.dimension_semantics<core_parallel>, #tpu.dimension_semantics<subcore_parallel>], iteration_bounds = array<i64: 2, 16>, scalar_prefetch = 0 : i64, scratch_operands = 6 : i64, tpu.core_type = #tpu.core_type<sc_vector_subcore>, window_params = [{transform_indices = #map}, {transform_indices = #map}, {transform_indices = #map}, {transform_indices = #map}, {transform_indices = #map1}]} {
    %mul3A = arith.constant 2 : i32
    %mul3A_0 = arith.muli %arg1, %mul3A : i32
    %add3A = arith.addi %mul3A_0, %arg0 : i32
    %mul3A_1 = arith.constant 4 : i32
    %mul3A_2 = arith.muli %add3A, %mul3A_1 : i32
    "tpu.region"() ({
      %run_scoped3A = tpu.sem_alloc : memref<!tpu.dma_semaphore, #tpu.memory_space<semaphore_mem>>
      %dma_start3A_168 = arith.constant 0 : i32
      %dma_start3A_169 = tpu.memref_slice %arg2[%mul3A_2, %dma_start3A_168] : memref<128x128xi32, #tpu.memory_space<hbm>> -> memref<4x128xi32, #tpu.memory_space<hbm>>
      %dma_start3A_170 = arith.constant 0 : i32
      %dma_start3A_171 = tpu.memref_slice %arg2[%mul3A_2, %dma_start3A_170] : memref<128x128xi32, #tpu.memory_space<hbm>> -> memref<4x128xi32, #tpu.memory_space<hbm>>
      tpu.enqueue_dma source(%dma_start3A_171 : memref<4x128xi32, #tpu.memory_space<hbm>>) target(%arg7 : memref<4x128xi32, #tpu.memory_space<vmem>>) target_semaphore(%run_scoped3A : memref<!tpu.dma_semaphore, #tpu.memory_space<semaphore_mem>>)
      %dma_wait3A_172 = arith.constant 0 : i32
      %dma_wait3A_173 = tpu.memref_slice %arg2[%mul3A_2, %dma_wait3A_172] : memref<128x128xi32, #tpu.memory_space<hbm>> -> memref<4x128xi32, #tpu.memory_space<hbm>>
      %dma_wait3A_174 = arith.constant 0 : i32
      %dma_wait3A_175 = tpu.memref_slice %arg2[%mul3A_2, %dma_wait3A_174] : memref<128x128xi32, #tpu.memory_space<hbm>> -> memref<4x128xi32, #tpu.memory_space<hbm>>
      tpu.wait_dma2 semaphore(%run_scoped3A : memref<!tpu.dma_semaphore, #tpu.memory_space<semaphore_mem>>) src(%dma_wait3A_175 : memref<4x128xi32, #tpu.memory_space<hbm>>) dst(%arg7 : memref<4x128xi32, #tpu.memory_space<vmem>>)
      tpu.yield
    }) : () -> ()
    "tpu.region"() ({
      %run_scoped3A = tpu.sem_alloc : memref<!tpu.dma_semaphore, #tpu.memory_space<semaphore_mem>>
      %dma_start3A_168 = arith.constant 0 : i32
      %dma_start3A_169 = tpu.memref_slice %arg3[%mul3A_2, %dma_start3A_168] : memref<128x128xi32, #tpu.memory_space<hbm>> -> memref<4x128xi32, #tpu.memory_space<hbm>>
      %dma_start3A_170 = arith.constant 0 : i32
      %dma_start3A_171 = tpu.memref_slice %arg3[%mul3A_2, %dma_start3A_170] : memref<128x128xi32, #tpu.memory_space<hbm>> -> memref<4x128xi32, #tpu.memory_space<hbm>>
      tpu.enqueue_dma source(%dma_start3A_171 : memref<4x128xi32, #tpu.memory_space<hbm>>) target(%arg8 : memref<4x128xi32, #tpu.memory_space<vmem>>) target_semaphore(%run_scoped3A : memref<!tpu.dma_semaphore, #tpu.memory_space<semaphore_mem>>)
      %dma_wait3A_172 = arith.constant 0 : i32
      %dma_wait3A_173 = tpu.memref_slice %arg3[%mul3A_2, %dma_wait3A_172] : memref<128x128xi32, #tpu.memory_space<hbm>> -> memref<4x128xi32, #tpu.memory_space<hbm>>
      %dma_wait3A_174 = arith.constant 0 : i32
      %dma_wait3A_175 = tpu.memref_slice %arg3[%mul3A_2, %dma_wait3A_174] : memref<128x128xi32, #tpu.memory_space<hbm>> -> memref<4x128xi32, #tpu.memory_space<hbm>>
      tpu.wait_dma2 semaphore(%run_scoped3A : memref<!tpu.dma_semaphore, #tpu.memory_space<semaphore_mem>>) src(%dma_wait3A_175 : memref<4x128xi32, #tpu.memory_space<hbm>>) dst(%arg8 : memref<4x128xi32, #tpu.memory_space<vmem>>)
      tpu.yield
    }) : () -> ()
    %dma_start3A = arith.constant 0 : i32
    %dma_start3A_3 = arith.constant 0 : i32
    %dma_start3A_4 = arith.constant 0 : i32
    %dma_start3A_5 = tpu.memref_slice %arg9[%dma_start3A_3, %dma_start3A_4] : memref<512x64xf32, #tpu.memory_space<vmem>> -> memref<128x64xf32, #tpu.memory_space<vmem>>
    %dma_start3A_6 = arith.constant 0 : i32
    %dma_start3A_7 = tpu.memref_slice %arg7[%dma_start3A, %dma_start3A_6] : memref<4x128xi32, #tpu.memory_space<vmem>> -> memref<1x128xi32, #tpu.memory_space<vmem>>
    %dma_start3A_8 = tpu.memref_squeeze %dma_start3A_7 : memref<1x128xi32, #tpu.memory_space<vmem>> -> memref<128xi32, #tpu.memory_space<vmem>>
    %dma_start3A_9 = arith.constant 0 : i32
    %dma_start3A_10 = arith.constant 0 : i32
    %dma_start3A_11 = tpu.memref_slice %arg4[%dma_start3A_9, %dma_start3A_10] : memref<1000000x64xf32, #tpu.memory_space<hbm>> -> memref<1000000x64xf32, #tpu.memory_space<hbm>>
    tpu.enqueue_indirect_dma source(%dma_start3A_11 : memref<1000000x64xf32, #tpu.memory_space<hbm>>) target(%dma_start3A_5 : memref<128x64xf32, #tpu.memory_space<vmem>>) offsets(%dma_start3A_8 : memref<128xi32, #tpu.memory_space<vmem>>) semaphore(%arg12 : memref<!tpu.dma_semaphore, #tpu.memory_space<semaphore_mem>>)
    %dma_start3A_12 = arith.constant 0 : i32
    %dma_start3A_13 = arith.constant 0 : i32
    %dma_start3A_14 = arith.constant 0 : i32
    %dma_start3A_15 = tpu.memref_slice %arg10[%dma_start3A_13, %dma_start3A_14] : memref<512x64xf32, #tpu.memory_space<vmem>> -> memref<128x64xf32, #tpu.memory_space<vmem>>
    %dma_start3A_16 = arith.constant 0 : i32
    %dma_start3A_17 = tpu.memref_slice %arg8[%dma_start3A_12, %dma_start3A_16] : memref<4x128xi32, #tpu.memory_space<vmem>> -> memref<1x128xi32, #tpu.memory_space<vmem>>
    %dma_start3A_18 = tpu.memref_squeeze %dma_start3A_17 : memref<1x128xi32, #tpu.memory_space<vmem>> -> memref<128xi32, #tpu.memory_space<vmem>>
    %dma_start3A_19 = arith.constant 0 : i32
    %dma_start3A_20 = arith.constant 0 : i32
    %dma_start3A_21 = tpu.memref_slice %arg5[%dma_start3A_19, %dma_start3A_20] : memref<1000000x64xf32, #tpu.memory_space<hbm>> -> memref<1000000x64xf32, #tpu.memory_space<hbm>>
    tpu.enqueue_indirect_dma source(%dma_start3A_21 : memref<1000000x64xf32, #tpu.memory_space<hbm>>) target(%dma_start3A_15 : memref<128x64xf32, #tpu.memory_space<vmem>>) offsets(%dma_start3A_18 : memref<128xi32, #tpu.memory_space<vmem>>) semaphore(%arg12 : memref<!tpu.dma_semaphore, #tpu.memory_space<semaphore_mem>>)
    %dma_start3A_22 = arith.constant 1 : i32
    %dma_start3A_23 = arith.constant 128 : i32
    %dma_start3A_24 = arith.constant 0 : i32
    %dma_start3A_25 = tpu.memref_slice %arg9[%dma_start3A_23, %dma_start3A_24] : memref<512x64xf32, #tpu.memory_space<vmem>> -> memref<128x64xf32, #tpu.memory_space<vmem>>
    %dma_start3A_26 = arith.constant 0 : i32
    %dma_start3A_27 = tpu.memref_slice %arg7[%dma_start3A_22, %dma_start3A_26] : memref<4x128xi32, #tpu.memory_space<vmem>> -> memref<1x128xi32, #tpu.memory_space<vmem>>
    %dma_start3A_28 = tpu.memref_squeeze %dma_start3A_27 : memref<1x128xi32, #tpu.memory_space<vmem>> -> memref<128xi32, #tpu.memory_space<vmem>>
    %dma_start3A_29 = arith.constant 0 : i32
    %dma_start3A_30 = arith.constant 0 : i32
    %dma_start3A_31 = tpu.memref_slice %arg4[%dma_start3A_29, %dma_start3A_30] : memref<1000000x64xf32, #tpu.memory_space<hbm>> -> memref<1000000x64xf32, #tpu.memory_space<hbm>>
    tpu.enqueue_indirect_dma source(%dma_start3A_31 : memref<1000000x64xf32, #tpu.memory_space<hbm>>) target(%dma_start3A_25 : memref<128x64xf32, #tpu.memory_space<vmem>>) offsets(%dma_start3A_28 : memref<128xi32, #tpu.memory_space<vmem>>) semaphore(%arg12 : memref<!tpu.dma_semaphore, #tpu.memory_space<semaphore_mem>>)
    %dma_start3A_32 = arith.constant 1 : i32
    %dma_start3A_33 = arith.constant 128 : i32
    %dma_start3A_34 = arith.constant 0 : i32
    %dma_start3A_35 = tpu.memref_slice %arg10[%dma_start3A_33, %dma_start3A_34] : memref<512x64xf32, #tpu.memory_space<vmem>> -> memref<128x64xf32, #tpu.memory_space<vmem>>
    %dma_start3A_36 = arith.constant 0 : i32
    %dma_start3A_37 = tpu.memref_slice %arg8[%dma_start3A_32, %dma_start3A_36] : memref<4x128xi32, #tpu.memory_space<vmem>> -> memref<1x128xi32, #tpu.memory_space<vmem>>
    %dma_start3A_38 = tpu.memref_squeeze %dma_start3A_37 : memref<1x128xi32, #tpu.memory_space<vmem>> -> memref<128xi32, #tpu.memory_space<vmem>>
    %dma_start3A_39 = arith.constant 0 : i32
    %dma_start3A_40 = arith.constant 0 : i32
    %dma_start3A_41 = tpu.memref_slice %arg5[%dma_start3A_39, %dma_start3A_40] : memref<1000000x64xf32, #tpu.memory_space<hbm>> -> memref<1000000x64xf32, #tpu.memory_space<hbm>>
    tpu.enqueue_indirect_dma source(%dma_start3A_41 : memref<1000000x64xf32, #tpu.memory_space<hbm>>) target(%dma_start3A_35 : memref<128x64xf32, #tpu.memory_space<vmem>>) offsets(%dma_start3A_38 : memref<128xi32, #tpu.memory_space<vmem>>) semaphore(%arg12 : memref<!tpu.dma_semaphore, #tpu.memory_space<semaphore_mem>>)
    %dma_start3A_42 = arith.constant 2 : i32
    %dma_start3A_43 = arith.constant 256 : i32
    %dma_start3A_44 = arith.constant 0 : i32
    %dma_start3A_45 = tpu.memref_slice %arg9[%dma_start3A_43, %dma_start3A_44] : memref<512x64xf32, #tpu.memory_space<vmem>> -> memref<128x64xf32, #tpu.memory_space<vmem>>
    %dma_start3A_46 = arith.constant 0 : i32
    %dma_start3A_47 = tpu.memref_slice %arg7[%dma_start3A_42, %dma_start3A_46] : memref<4x128xi32, #tpu.memory_space<vmem>> -> memref<1x128xi32, #tpu.memory_space<vmem>>
    %dma_start3A_48 = tpu.memref_squeeze %dma_start3A_47 : memref<1x128xi32, #tpu.memory_space<vmem>> -> memref<128xi32, #tpu.memory_space<vmem>>
    %dma_start3A_49 = arith.constant 0 : i32
    %dma_start3A_50 = arith.constant 0 : i32
    %dma_start3A_51 = tpu.memref_slice %arg4[%dma_start3A_49, %dma_start3A_50] : memref<1000000x64xf32, #tpu.memory_space<hbm>> -> memref<1000000x64xf32, #tpu.memory_space<hbm>>
    tpu.enqueue_indirect_dma source(%dma_start3A_51 : memref<1000000x64xf32, #tpu.memory_space<hbm>>) target(%dma_start3A_45 : memref<128x64xf32, #tpu.memory_space<vmem>>) offsets(%dma_start3A_48 : memref<128xi32, #tpu.memory_space<vmem>>) semaphore(%arg12 : memref<!tpu.dma_semaphore, #tpu.memory_space<semaphore_mem>>)
    %dma_start3A_52 = arith.constant 2 : i32
    %dma_start3A_53 = arith.constant 256 : i32
    %dma_start3A_54 = arith.constant 0 : i32
    %dma_start3A_55 = tpu.memref_slice %arg10[%dma_start3A_53, %dma_start3A_54] : memref<512x64xf32, #tpu.memory_space<vmem>> -> memref<128x64xf32, #tpu.memory_space<vmem>>
    %dma_start3A_56 = arith.constant 0 : i32
    %dma_start3A_57 = tpu.memref_slice %arg8[%dma_start3A_52, %dma_start3A_56] : memref<4x128xi32, #tpu.memory_space<vmem>> -> memref<1x128xi32, #tpu.memory_space<vmem>>
    %dma_start3A_58 = tpu.memref_squeeze %dma_start3A_57 : memref<1x128xi32, #tpu.memory_space<vmem>> -> memref<128xi32, #tpu.memory_space<vmem>>
    %dma_start3A_59 = arith.constant 0 : i32
    %dma_start3A_60 = arith.constant 0 : i32
    %dma_start3A_61 = tpu.memref_slice %arg5[%dma_start3A_59, %dma_start3A_60] : memref<1000000x64xf32, #tpu.memory_space<hbm>> -> memref<1000000x64xf32, #tpu.memory_space<hbm>>
    tpu.enqueue_indirect_dma source(%dma_start3A_61 : memref<1000000x64xf32, #tpu.memory_space<hbm>>) target(%dma_start3A_55 : memref<128x64xf32, #tpu.memory_space<vmem>>) offsets(%dma_start3A_58 : memref<128xi32, #tpu.memory_space<vmem>>) semaphore(%arg12 : memref<!tpu.dma_semaphore, #tpu.memory_space<semaphore_mem>>)
    %dma_start3A_62 = arith.constant 3 : i32
    %dma_start3A_63 = arith.constant 384 : i32
    %dma_start3A_64 = arith.constant 0 : i32
    %dma_start3A_65 = tpu.memref_slice %arg9[%dma_start3A_63, %dma_start3A_64] : memref<512x64xf32, #tpu.memory_space<vmem>> -> memref<128x64xf32, #tpu.memory_space<vmem>>
    %dma_start3A_66 = arith.constant 0 : i32
    %dma_start3A_67 = tpu.memref_slice %arg7[%dma_start3A_62, %dma_start3A_66] : memref<4x128xi32, #tpu.memory_space<vmem>> -> memref<1x128xi32, #tpu.memory_space<vmem>>
    %dma_start3A_68 = tpu.memref_squeeze %dma_start3A_67 : memref<1x128xi32, #tpu.memory_space<vmem>> -> memref<128xi32, #tpu.memory_space<vmem>>
    %dma_start3A_69 = arith.constant 0 : i32
    %dma_start3A_70 = arith.constant 0 : i32
    %dma_start3A_71 = tpu.memref_slice %arg4[%dma_start3A_69, %dma_start3A_70] : memref<1000000x64xf32, #tpu.memory_space<hbm>> -> memref<1000000x64xf32, #tpu.memory_space<hbm>>
    tpu.enqueue_indirect_dma source(%dma_start3A_71 : memref<1000000x64xf32, #tpu.memory_space<hbm>>) target(%dma_start3A_65 : memref<128x64xf32, #tpu.memory_space<vmem>>) offsets(%dma_start3A_68 : memref<128xi32, #tpu.memory_space<vmem>>) semaphore(%arg12 : memref<!tpu.dma_semaphore, #tpu.memory_space<semaphore_mem>>)
    %dma_start3A_72 = arith.constant 3 : i32
    %dma_start3A_73 = arith.constant 384 : i32
    %dma_start3A_74 = arith.constant 0 : i32
    %dma_start3A_75 = tpu.memref_slice %arg10[%dma_start3A_73, %dma_start3A_74] : memref<512x64xf32, #tpu.memory_space<vmem>> -> memref<128x64xf32, #tpu.memory_space<vmem>>
    %dma_start3A_76 = arith.constant 0 : i32
    %dma_start3A_77 = tpu.memref_slice %arg8[%dma_start3A_72, %dma_start3A_76] : memref<4x128xi32, #tpu.memory_space<vmem>> -> memref<1x128xi32, #tpu.memory_space<vmem>>
    %dma_start3A_78 = tpu.memref_squeeze %dma_start3A_77 : memref<1x128xi32, #tpu.memory_space<vmem>> -> memref<128xi32, #tpu.memory_space<vmem>>
    %dma_start3A_79 = arith.constant 0 : i32
    %dma_start3A_80 = arith.constant 0 : i32
    %dma_start3A_81 = tpu.memref_slice %arg5[%dma_start3A_79, %dma_start3A_80] : memref<1000000x64xf32, #tpu.memory_space<hbm>> -> memref<1000000x64xf32, #tpu.memory_space<hbm>>
    tpu.enqueue_indirect_dma source(%dma_start3A_81 : memref<1000000x64xf32, #tpu.memory_space<hbm>>) target(%dma_start3A_75 : memref<128x64xf32, #tpu.memory_space<vmem>>) offsets(%dma_start3A_78 : memref<128xi32, #tpu.memory_space<vmem>>) semaphore(%arg12 : memref<!tpu.dma_semaphore, #tpu.memory_space<semaphore_mem>>)
    %dma_wait3A = arith.constant 0 : i32
    %dma_wait3A_82 = arith.constant 0 : i32
    %dma_wait3A_83 = arith.constant 0 : i32
    %dma_wait3A_84 = tpu.memref_slice %arg9[%dma_wait3A_82, %dma_wait3A_83] : memref<512x64xf32, #tpu.memory_space<vmem>> -> memref<128x64xf32, #tpu.memory_space<vmem>>
    %dma_wait3A_85 = arith.constant 0 : i32
    %dma_wait3A_86 = tpu.memref_slice %arg7[%dma_wait3A, %dma_wait3A_85] : memref<4x128xi32, #tpu.memory_space<vmem>> -> memref<1x128xi32, #tpu.memory_space<vmem>>
    %dma_wait3A_87 = tpu.memref_squeeze %dma_wait3A_86 : memref<1x128xi32, #tpu.memory_space<vmem>> -> memref<128xi32, #tpu.memory_space<vmem>>
    %dma_wait3A_88 = arith.constant 0 : i32
    %dma_wait3A_89 = arith.constant 0 : i32
    %dma_wait3A_90 = tpu.memref_slice %arg4[%dma_wait3A_88, %dma_wait3A_89] : memref<1000000x64xf32, #tpu.memory_space<hbm>> -> memref<1000000x64xf32, #tpu.memory_space<hbm>>
    tpu.wait_indirect_dma semaphore(%arg12 : memref<!tpu.dma_semaphore, #tpu.memory_space<semaphore_mem>>) src(%dma_wait3A_90 : memref<1000000x64xf32, #tpu.memory_space<hbm>>) dst(%dma_wait3A_84 : memref<128x64xf32, #tpu.memory_space<vmem>>)
    %dma_wait3A_91 = arith.constant 0 : i32
    %dma_wait3A_92 = arith.constant 0 : i32
    %dma_wait3A_93 = arith.constant 0 : i32
    %dma_wait3A_94 = tpu.memref_slice %arg10[%dma_wait3A_92, %dma_wait3A_93] : memref<512x64xf32, #tpu.memory_space<vmem>> -> memref<128x64xf32, #tpu.memory_space<vmem>>
    %dma_wait3A_95 = arith.constant 0 : i32
    %dma_wait3A_96 = tpu.memref_slice %arg8[%dma_wait3A_91, %dma_wait3A_95] : memref<4x128xi32, #tpu.memory_space<vmem>> -> memref<1x128xi32, #tpu.memory_space<vmem>>
    %dma_wait3A_97 = tpu.memref_squeeze %dma_wait3A_96 : memref<1x128xi32, #tpu.memory_space<vmem>> -> memref<128xi32, #tpu.memory_space<vmem>>
    %dma_wait3A_98 = arith.constant 0 : i32
    %dma_wait3A_99 = arith.constant 0 : i32
    %dma_wait3A_100 = tpu.memref_slice %arg5[%dma_wait3A_98, %dma_wait3A_99] : memref<1000000x64xf32, #tpu.memory_space<hbm>> -> memref<1000000x64xf32, #tpu.memory_space<hbm>>
    tpu.wait_indirect_dma semaphore(%arg12 : memref<!tpu.dma_semaphore, #tpu.memory_space<semaphore_mem>>) src(%dma_wait3A_100 : memref<1000000x64xf32, #tpu.memory_space<hbm>>) dst(%dma_wait3A_94 : memref<128x64xf32, #tpu.memory_space<vmem>>)
    %dma_wait3A_101 = arith.constant 1 : i32
    %dma_wait3A_102 = arith.constant 128 : i32
    %dma_wait3A_103 = arith.constant 0 : i32
    %dma_wait3A_104 = tpu.memref_slice %arg9[%dma_wait3A_102, %dma_wait3A_103] : memref<512x64xf32, #tpu.memory_space<vmem>> -> memref<128x64xf32, #tpu.memory_space<vmem>>
    %dma_wait3A_105 = arith.constant 0 : i32
    %dma_wait3A_106 = tpu.memref_slice %arg7[%dma_wait3A_101, %dma_wait3A_105] : memref<4x128xi32, #tpu.memory_space<vmem>> -> memref<1x128xi32, #tpu.memory_space<vmem>>
    %dma_wait3A_107 = tpu.memref_squeeze %dma_wait3A_106 : memref<1x128xi32, #tpu.memory_space<vmem>> -> memref<128xi32, #tpu.memory_space<vmem>>
    %dma_wait3A_108 = arith.constant 0 : i32
    %dma_wait3A_109 = arith.constant 0 : i32
    %dma_wait3A_110 = tpu.memref_slice %arg4[%dma_wait3A_108, %dma_wait3A_109] : memref<1000000x64xf32, #tpu.memory_space<hbm>> -> memref<1000000x64xf32, #tpu.memory_space<hbm>>
    tpu.wait_indirect_dma semaphore(%arg12 : memref<!tpu.dma_semaphore, #tpu.memory_space<semaphore_mem>>) src(%dma_wait3A_110 : memref<1000000x64xf32, #tpu.memory_space<hbm>>) dst(%dma_wait3A_104 : memref<128x64xf32, #tpu.memory_space<vmem>>)
    %dma_wait3A_111 = arith.constant 1 : i32
    %dma_wait3A_112 = arith.constant 128 : i32
    %dma_wait3A_113 = arith.constant 0 : i32
    %dma_wait3A_114 = tpu.memref_slice %arg10[%dma_wait3A_112, %dma_wait3A_113] : memref<512x64xf32, #tpu.memory_space<vmem>> -> memref<128x64xf32, #tpu.memory_space<vmem>>
    %dma_wait3A_115 = arith.constant 0 : i32
    %dma_wait3A_116 = tpu.memref_slice %arg8[%dma_wait3A_111, %dma_wait3A_115] : memref<4x128xi32, #tpu.memory_space<vmem>> -> memref<1x128xi32, #tpu.memory_space<vmem>>
    %dma_wait3A_117 = tpu.memref_squeeze %dma_wait3A_116 : memref<1x128xi32, #tpu.memory_space<vmem>> -> memref<128xi32, #tpu.memory_space<vmem>>
    %dma_wait3A_118 = arith.constant 0 : i32
    %dma_wait3A_119 = arith.constant 0 : i32
    %dma_wait3A_120 = tpu.memref_slice %arg5[%dma_wait3A_118, %dma_wait3A_119] : memref<1000000x64xf32, #tpu.memory_space<hbm>> -> memref<1000000x64xf32, #tpu.memory_space<hbm>>
    tpu.wait_indirect_dma semaphore(%arg12 : memref<!tpu.dma_semaphore, #tpu.memory_space<semaphore_mem>>) src(%dma_wait3A_120 : memref<1000000x64xf32, #tpu.memory_space<hbm>>) dst(%dma_wait3A_114 : memref<128x64xf32, #tpu.memory_space<vmem>>)
    %dma_wait3A_121 = arith.constant 2 : i32
    %dma_wait3A_122 = arith.constant 256 : i32
    %dma_wait3A_123 = arith.constant 0 : i32
    %dma_wait3A_124 = tpu.memref_slice %arg9[%dma_wait3A_122, %dma_wait3A_123] : memref<512x64xf32, #tpu.memory_space<vmem>> -> memref<128x64xf32, #tpu.memory_space<vmem>>
    %dma_wait3A_125 = arith.constant 0 : i32
    %dma_wait3A_126 = tpu.memref_slice %arg7[%dma_wait3A_121, %dma_wait3A_125] : memref<4x128xi32, #tpu.memory_space<vmem>> -> memref<1x128xi32, #tpu.memory_space<vmem>>
    %dma_wait3A_127 = tpu.memref_squeeze %dma_wait3A_126 : memref<1x128xi32, #tpu.memory_space<vmem>> -> memref<128xi32, #tpu.memory_space<vmem>>
    %dma_wait3A_128 = arith.constant 0 : i32
    %dma_wait3A_129 = arith.constant 0 : i32
    %dma_wait3A_130 = tpu.memref_slice %arg4[%dma_wait3A_128, %dma_wait3A_129] : memref<1000000x64xf32, #tpu.memory_space<hbm>> -> memref<1000000x64xf32, #tpu.memory_space<hbm>>
    tpu.wait_indirect_dma semaphore(%arg12 : memref<!tpu.dma_semaphore, #tpu.memory_space<semaphore_mem>>) src(%dma_wait3A_130 : memref<1000000x64xf32, #tpu.memory_space<hbm>>) dst(%dma_wait3A_124 : memref<128x64xf32, #tpu.memory_space<vmem>>)
    %dma_wait3A_131 = arith.constant 2 : i32
    %dma_wait3A_132 = arith.constant 256 : i32
    %dma_wait3A_133 = arith.constant 0 : i32
    %dma_wait3A_134 = tpu.memref_slice %arg10[%dma_wait3A_132, %dma_wait3A_133] : memref<512x64xf32, #tpu.memory_space<vmem>> -> memref<128x64xf32, #tpu.memory_space<vmem>>
    %dma_wait3A_135 = arith.constant 0 : i32
    %dma_wait3A_136 = tpu.memref_slice %arg8[%dma_wait3A_131, %dma_wait3A_135] : memref<4x128xi32, #tpu.memory_space<vmem>> -> memref<1x128xi32, #tpu.memory_space<vmem>>
    %dma_wait3A_137 = tpu.memref_squeeze %dma_wait3A_136 : memref<1x128xi32, #tpu.memory_space<vmem>> -> memref<128xi32, #tpu.memory_space<vmem>>
    %dma_wait3A_138 = arith.constant 0 : i32
    %dma_wait3A_139 = arith.constant 0 : i32
    %dma_wait3A_140 = tpu.memref_slice %arg5[%dma_wait3A_138, %dma_wait3A_139] : memref<1000000x64xf32, #tpu.memory_space<hbm>> -> memref<1000000x64xf32, #tpu.memory_space<hbm>>
    tpu.wait_indirect_dma semaphore(%arg12 : memref<!tpu.dma_semaphore, #tpu.memory_space<semaphore_mem>>) src(%dma_wait3A_140 : memref<1000000x64xf32, #tpu.memory_space<hbm>>) dst(%dma_wait3A_134 : memref<128x64xf32, #tpu.memory_space<vmem>>)
    %dma_wait3A_141 = arith.constant 3 : i32
    %dma_wait3A_142 = arith.constant 384 : i32
    %dma_wait3A_143 = arith.constant 0 : i32
    %dma_wait3A_144 = tpu.memref_slice %arg9[%dma_wait3A_142, %dma_wait3A_143] : memref<512x64xf32, #tpu.memory_space<vmem>> -> memref<128x64xf32, #tpu.memory_space<vmem>>
    %dma_wait3A_145 = arith.constant 0 : i32
    %dma_wait3A_146 = tpu.memref_slice %arg7[%dma_wait3A_141, %dma_wait3A_145] : memref<4x128xi32, #tpu.memory_space<vmem>> -> memref<1x128xi32, #tpu.memory_space<vmem>>
    %dma_wait3A_147 = tpu.memref_squeeze %dma_wait3A_146 : memref<1x128xi32, #tpu.memory_space<vmem>> -> memref<128xi32, #tpu.memory_space<vmem>>
    %dma_wait3A_148 = arith.constant 0 : i32
    %dma_wait3A_149 = arith.constant 0 : i32
    %dma_wait3A_150 = tpu.memref_slice %arg4[%dma_wait3A_148, %dma_wait3A_149] : memref<1000000x64xf32, #tpu.memory_space<hbm>> -> memref<1000000x64xf32, #tpu.memory_space<hbm>>
    tpu.wait_indirect_dma semaphore(%arg12 : memref<!tpu.dma_semaphore, #tpu.memory_space<semaphore_mem>>) src(%dma_wait3A_150 : memref<1000000x64xf32, #tpu.memory_space<hbm>>) dst(%dma_wait3A_144 : memref<128x64xf32, #tpu.memory_space<vmem>>)
    %dma_wait3A_151 = arith.constant 3 : i32
    %dma_wait3A_152 = arith.constant 384 : i32
    %dma_wait3A_153 = arith.constant 0 : i32
    %dma_wait3A_154 = tpu.memref_slice %arg10[%dma_wait3A_152, %dma_wait3A_153] : memref<512x64xf32, #tpu.memory_space<vmem>> -> memref<128x64xf32, #tpu.memory_space<vmem>>
    %dma_wait3A_155 = arith.constant 0 : i32
    %dma_wait3A_156 = tpu.memref_slice %arg8[%dma_wait3A_151, %dma_wait3A_155] : memref<4x128xi32, #tpu.memory_space<vmem>> -> memref<1x128xi32, #tpu.memory_space<vmem>>
    %dma_wait3A_157 = tpu.memref_squeeze %dma_wait3A_156 : memref<1x128xi32, #tpu.memory_space<vmem>> -> memref<128xi32, #tpu.memory_space<vmem>>
    %dma_wait3A_158 = arith.constant 0 : i32
    %dma_wait3A_159 = arith.constant 0 : i32
    %dma_wait3A_160 = tpu.memref_slice %arg5[%dma_wait3A_158, %dma_wait3A_159] : memref<1000000x64xf32, #tpu.memory_space<hbm>> -> memref<1000000x64xf32, #tpu.memory_space<hbm>>
    tpu.wait_indirect_dma semaphore(%arg12 : memref<!tpu.dma_semaphore, #tpu.memory_space<semaphore_mem>>) src(%dma_wait3A_160 : memref<1000000x64xf32, #tpu.memory_space<hbm>>) dst(%dma_wait3A_154 : memref<128x64xf32, #tpu.memory_space<vmem>>)
    %iota3A = tpu.iota {dimensions = array<i32: 0>} : vector<16xi32>
    %scan3A = arith.constant 0 : i32
    %scan3A_161 = arith.constant 0 : i32
    %scan3A_162 = arith.constant 32 : i32
    %scan3A_163 = arith.addi %scan3A_161, %scan3A_162 : i32
    %scan3A_164 = arith.constant 1 : i32
    scf.for %scan3A_168 = %scan3A_161 to %scan3A_163 step %scan3A_164  : i32 {
      %mul3A_169 = arith.constant 16 : i32
      %mul3A_170 = arith.muli %scan3A_168, %mul3A_169 : i32
      %add3A_171 = vector.broadcast %mul3A_170 : i32 to vector<16xi32>
      %add3A_172 = arith.addi %add3A_171, %iota3A : vector<16xi32>
      %broadcast_in_dim3A = arith.constant 0.000000e+00 : f32
      %broadcast_in_dim3A_173 = vector.broadcast %broadcast_in_dim3A : f32 to vector<16xf32>
      %broadcast_in_dim3A_174 = arith.constant 0 : i32
      %broadcast_in_dim3A_175 = vector.broadcast %broadcast_in_dim3A_174 : i32 to vector<16xi32>
      %gather3A = tpu.vector_load_idx %arg9[%add3A_172, %broadcast_in_dim3A_175] : memref<512x64xf32, #tpu.memory_space<vmem>>[vector<16xi32>, vector<16xi32>], vector<16xf32>,
      %gather3A_176 = tpu.vector_load_idx %arg10[%add3A_172, %broadcast_in_dim3A_175] : memref<512x64xf32, #tpu.memory_space<vmem>>[vector<16xi32>, vector<16xi32>], vector<16xf32>,
      %mul3A_177 = arith.mulf %gather3A, %gather3A : vector<16xf32>
      %add3A_178 = arith.addf %broadcast_in_dim3A_173, %mul3A_177 : vector<16xf32>
      %mul3A_179 = arith.mulf %gather3A_176, %gather3A_176 : vector<16xf32>
      %add3A_180 = arith.addf %broadcast_in_dim3A_173, %mul3A_179 : vector<16xf32>
      %mul3A_181 = arith.mulf %gather3A, %gather3A_176 : vector<16xf32>
      %add3A_182 = arith.addf %broadcast_in_dim3A_173, %mul3A_181 : vector<16xf32>
      %broadcast_in_dim3A_183 = arith.constant 1 : i32
      %broadcast_in_dim3A_184 = vector.broadcast %broadcast_in_dim3A_183 : i32 to vector<16xi32>
      %gather3A_185 = tpu.vector_load_idx %arg9[%add3A_172, %broadcast_in_dim3A_184] : memref<512x64xf32, #tpu.memory_space<vmem>>[vector<16xi32>, vector<16xi32>], vector<16xf32>,
      %gather3A_186 = tpu.vector_load_idx %arg10[%add3A_172, %broadcast_in_dim3A_184] : memref<512x64xf32, #tpu.memory_space<vmem>>[vector<16xi32>, vector<16xi32>], vector<16xf32>,
      %mul3A_187 = arith.mulf %gather3A_185, %gather3A_185 : vector<16xf32>
      %add3A_188 = arith.addf %add3A_178, %mul3A_187 : vector<16xf32>
      %mul3A_189 = arith.mulf %gather3A_186, %gather3A_186 : vector<16xf32>
      %add3A_190 = arith.addf %add3A_180, %mul3A_189 : vector<16xf32>
      %mul3A_191 = arith.mulf %gather3A_185, %gather3A_186 : vector<16xf32>
      %add3A_192 = arith.addf %add3A_182, %mul3A_191 : vector<16xf32>
      %broadcast_in_dim3A_193 = arith.constant 2 : i32
      %broadcast_in_dim3A_194 = vector.broadcast %broadcast_in_dim3A_193 : i32 to vector<16xi32>
      %gather3A_195 = tpu.vector_load_idx %arg9[%add3A_172, %broadcast_in_dim3A_194] : memref<512x64xf32, #tpu.memory_space<vmem>>[vector<16xi32>, vector<16xi32>], vector<16xf32>,
      %gather3A_196 = tpu.vector_load_idx %arg10[%add3A_172, %broadcast_in_dim3A_194] : memref<512x64xf32, #tpu.memory_space<vmem>>[vector<16xi32>, vector<16xi32>], vector<16xf32>,
      %mul3A_197 = arith.mulf %gather3A_195, %gather3A_195 : vector<16xf32>
      %add3A_198 = arith.addf %add3A_188, %mul3A_197 : vector<16xf32>
      %mul3A_199 = arith.mulf %gather3A_196, %gather3A_196 : vector<16xf32>
      %add3A_200 = arith.addf %add3A_190, %mul3A_199 : vector<16xf32>
      %mul3A_201 = arith.mulf %gather3A_195, %gather3A_196 : vector<16xf32>
      %add3A_202 = arith.addf %add3A_192, %mul3A_201 : vector<16xf32>
      %broadcast_in_dim3A_203 = arith.constant 3 : i32
      %broadcast_in_dim3A_204 = vector.broadcast %broadcast_in_dim3A_203 : i32 to vector<16xi32>
      %gather3A_205 = tpu.vector_load_idx %arg9[%add3A_172, %broadcast_in_dim3A_204] : memref<512x64xf32, #tpu.memory_space<vmem>>[vector<16xi32>, vector<16xi32>], vector<16xf32>,
      %gather3A_206 = tpu.vector_load_idx %arg10[%add3A_172, %broadcast_in_dim3A_204] : memref<512x64xf32, #tpu.memory_space<vmem>>[vector<16xi32>, vector<16xi32>], vector<16xf32>,
      %mul3A_207 = arith.mulf %gather3A_205, %gather3A_205 : vector<16xf32>
      %add3A_208 = arith.addf %add3A_198, %mul3A_207 : vector<16xf32>
      %mul3A_209 = arith.mulf %gather3A_206, %gather3A_206 : vector<16xf32>
      %add3A_210 = arith.addf %add3A_200, %mul3A_209 : vector<16xf32>
      %mul3A_211 = arith.mulf %gather3A_205, %gather3A_206 : vector<16xf32>
      %add3A_212 = arith.addf %add3A_202, %mul3A_211 : vector<16xf32>
      %broadcast_in_dim3A_213 = arith.constant 4 : i32
      %broadcast_in_dim3A_214 = vector.broadcast %broadcast_in_dim3A_213 : i32 to vector<16xi32>
      %gather3A_215 = tpu.vector_load_idx %arg9[%add3A_172, %broadcast_in_dim3A_214] : memref<512x64xf32, #tpu.memory_space<vmem>>[vector<16xi32>, vector<16xi32>], vector<16xf32>,
      %gather3A_216 = tpu.vector_load_idx %arg10[%add3A_172, %broadcast_in_dim3A_214] : memref<512x64xf32, #tpu.memory_space<vmem>>[vector<16xi32>, vector<16xi32>], vector<16xf32>,
      %mul3A_217 = arith.mulf %gather3A_215, %gather3A_215 : vector<16xf32>
      %add3A_218 = arith.addf %add3A_208, %mul3A_217 : vector<16xf32>
      %mul3A_219 = arith.mulf %gather3A_216, %gather3A_216 : vector<16xf32>
      %add3A_220 = arith.addf %add3A_210, %mul3A_219 : vector<16xf32>
      %mul3A_221 = arith.mulf %gather3A_215, %gather3A_216 : vector<16xf32>
      %add3A_222 = arith.addf %add3A_212, %mul3A_221 : vector<16xf32>
      %broadcast_in_dim3A_223 = arith.constant 5 : i32
      %broadcast_in_dim3A_224 = vector.broadcast %broadcast_in_dim3A_223 : i32 to vector<16xi32>
      %gather3A_225 = tpu.vector_load_idx %arg9[%add3A_172, %broadcast_in_dim3A_224] : memref<512x64xf32, #tpu.memory_space<vmem>>[vector<16xi32>, vector<16xi32>], vector<16xf32>,
      %gather3A_226 = tpu.vector_load_idx %arg10[%add3A_172, %broadcast_in_dim3A_224] : memref<512x64xf32, #tpu.memory_space<vmem>>[vector<16xi32>, vector<16xi32>], vector<16xf32>,
      %mul3A_227 = arith.mulf %gather3A_225, %gather3A_225 : vector<16xf32>
      %add3A_228 = arith.addf %add3A_218, %mul3A_227 : vector<16xf32>
      %mul3A_229 = arith.mulf %gather3A_226, %gather3A_226 : vector<16xf32>
      %add3A_230 = arith.addf %add3A_220, %mul3A_229 : vector<16xf32>
      %mul3A_231 = arith.mulf %gather3A_225, %gather3A_226 : vector<16xf32>
      %add3A_232 = arith.addf %add3A_222, %mul3A_231 : vector<16xf32>
      %broadcast_in_dim3A_233 = arith.constant 6 : i32
      %broadcast_in_dim3A_234 = vector.broadcast %broadcast_in_dim3A_233 : i32 to vector<16xi32>
      %gather3A_235 = tpu.vector_load_idx %arg9[%add3A_172, %broadcast_in_dim3A_234] : memref<512x64xf32, #tpu.memory_space<vmem>>[vector<16xi32>, vector<16xi32>], vector<16xf32>,
      %gather3A_236 = tpu.vector_load_idx %arg10[%add3A_172, %broadcast_in_dim3A_234] : memref<512x64xf32, #tpu.memory_space<vmem>>[vector<16xi32>, vector<16xi32>], vector<16xf32>,
      %mul3A_237 = arith.mulf %gather3A_235, %gather3A_235 : vector<16xf32>
      %add3A_238 = arith.addf %add3A_228, %mul3A_237 : vector<16xf32>
      %mul3A_239 = arith.mulf %gather3A_236, %gather3A_236 : vector<16xf32>
      %add3A_240 = arith.addf %add3A_230, %mul3A_239 : vector<16xf32>
      %mul3A_241 = arith.mulf %gather3A_235, %gather3A_236 : vector<16xf32>
      %add3A_242 = arith.addf %add3A_232, %mul3A_241 : vector<16xf32>
      %broadcast_in_dim3A_243 = arith.constant 7 : i32
      %broadcast_in_dim3A_244 = vector.broadcast %broadcast_in_dim3A_243 : i32 to vector<16xi32>
      %gather3A_245 = tpu.vector_load_idx %arg9[%add3A_172, %broadcast_in_dim3A_244] : memref<512x64xf32, #tpu.memory_space<vmem>>[vector<16xi32>, vector<16xi32>], vector<16xf32>,
      %gather3A_246 = tpu.vector_load_idx %arg10[%add3A_172, %broadcast_in_dim3A_244] : memref<512x64xf32, #tpu.memory_space<vmem>>[vector<16xi32>, vector<16xi32>], vector<16xf32>,
      %mul3A_247 = arith.mulf %gather3A_245, %gather3A_245 : vector<16xf32>
      %add3A_248 = arith.addf %add3A_238, %mul3A_247 : vector<16xf32>
      %mul3A_249 = arith.mulf %gather3A_246, %gather3A_246 : vector<16xf32>
      %add3A_250 = arith.addf %add3A_240, %mul3A_249 : vector<16xf32>
      %mul3A_251 = arith.mulf %gather3A_245, %gather3A_246 : vector<16xf32>
      %add3A_252 = arith.addf %add3A_242, %mul3A_251 : vector<16xf32>
      %broadcast_in_dim3A_253 = arith.constant 8 : i32
      %broadcast_in_dim3A_254 = vector.broadcast %broadcast_in_dim3A_253 : i32 to vector<16xi32>
      %gather3A_255 = tpu.vector_load_idx %arg9[%add3A_172, %broadcast_in_dim3A_254] : memref<512x64xf32, #tpu.memory_space<vmem>>[vector<16xi32>, vector<16xi32>], vector<16xf32>,
      %gather3A_256 = tpu.vector_load_idx %arg10[%add3A_172, %broadcast_in_dim3A_254] : memref<512x64xf32, #tpu.memory_space<vmem>>[vector<16xi32>, vector<16xi32>], vector<16xf32>,
      %mul3A_257 = arith.mulf %gather3A_255, %gather3A_255 : vector<16xf32>
      %add3A_258 = arith.addf %add3A_248, %mul3A_257 : vector<16xf32>
      %mul3A_259 = arith.mulf %gather3A_256, %gather3A_256 : vector<16xf32>
      %add3A_260 = arith.addf %add3A_250, %mul3A_259 : vector<16xf32>
      %mul3A_261 = arith.mulf %gather3A_255, %gather3A_256 : vector<16xf32>
      %add3A_262 = arith.addf %add3A_252, %mul3A_261 : vector<16xf32>
      %broadcast_in_dim3A_263 = arith.constant 9 : i32
      %broadcast_in_dim3A_264 = vector.broadcast %broadcast_in_dim3A_263 : i32 to vector<16xi32>
      %gather3A_265 = tpu.vector_load_idx %arg9[%add3A_172, %broadcast_in_dim3A_264] : memref<512x64xf32, #tpu.memory_space<vmem>>[vector<16xi32>, vector<16xi32>], vector<16xf32>,
      %gather3A_266 = tpu.vector_load_idx %arg10[%add3A_172, %broadcast_in_dim3A_264] : memref<512x64xf32, #tpu.memory_space<vmem>>[vector<16xi32>, vector<16xi32>], vector<16xf32>,
      %mul3A_267 = arith.mulf %gather3A_265, %gather3A_265 : vector<16xf32>
      %add3A_268 = arith.addf %add3A_258, %mul3A_267 : vector<16xf32>
      %mul3A_269 = arith.mulf %gather3A_266, %gather3A_266 : vector<16xf32>
      %add3A_270 = arith.addf %add3A_260, %mul3A_269 : vector<16xf32>
      %mul3A_271 = arith.mulf %gather3A_265, %gather3A_266 : vector<16xf32>
      %add3A_272 = arith.addf %add3A_262, %mul3A_271 : vector<16xf32>
      %broadcast_in_dim3A_273 = arith.constant 10 : i32
      %broadcast_in_dim3A_274 = vector.broadcast %broadcast_in_dim3A_273 : i32 to vector<16xi32>
      %gather3A_275 = tpu.vector_load_idx %arg9[%add3A_172, %broadcast_in_dim3A_274] : memref<512x64xf32, #tpu.memory_space<vmem>>[vector<16xi32>, vector<16xi32>], vector<16xf32>,
      %gather3A_276 = tpu.vector_load_idx %arg10[%add3A_172, %broadcast_in_dim3A_274] : memref<512x64xf32, #tpu.memory_space<vmem>>[vector<16xi32>, vector<16xi32>], vector<16xf32>,
      %mul3A_277 = arith.mulf %gather3A_275, %gather3A_275 : vector<16xf32>
      %add3A_278 = arith.addf %add3A_268, %mul3A_277 : vector<16xf32>
      %mul3A_279 = arith.mulf %gather3A_276, %gather3A_276 : vector<16xf32>
      %add3A_280 = arith.addf %add3A_270, %mul3A_279 : vector<16xf32>
      %mul3A_281 = arith.mulf %gather3A_275, %gather3A_276 : vector<16xf32>
      %add3A_282 = arith.addf %add3A_272, %mul3A_281 : vector<16xf32>
      %broadcast_in_dim3A_283 = arith.constant 11 : i32
      %broadcast_in_dim3A_284 = vector.broadcast %broadcast_in_dim3A_283 : i32 to vector<16xi32>
      %gather3A_285 = tpu.vector_load_idx %arg9[%add3A_172, %broadcast_in_dim3A_284] : memref<512x64xf32, #tpu.memory_space<vmem>>[vector<16xi32>, vector<16xi32>], vector<16xf32>,
      %gather3A_286 = tpu.vector_load_idx %arg10[%add3A_172, %broadcast_in_dim3A_284] : memref<512x64xf32, #tpu.memory_space<vmem>>[vector<16xi32>, vector<16xi32>], vector<16xf32>,
      %mul3A_287 = arith.mulf %gather3A_285, %gather3A_285 : vector<16xf32>
      %add3A_288 = arith.addf %add3A_278, %mul3A_287 : vector<16xf32>
      %mul3A_289 = arith.mulf %gather3A_286, %gather3A_286 : vector<16xf32>
      %add3A_290 = arith.addf %add3A_280, %mul3A_289 : vector<16xf32>
      %mul3A_291 = arith.mulf %gather3A_285, %gather3A_286 : vector<16xf32>
      %add3A_292 = arith.addf %add3A_282, %mul3A_291 : vector<16xf32>
      %broadcast_in_dim3A_293 = arith.constant 12 : i32
      %broadcast_in_dim3A_294 = vector.broadcast %broadcast_in_dim3A_293 : i32 to vector<16xi32>
      %gather3A_295 = tpu.vector_load_idx %arg9[%add3A_172, %broadcast_in_dim3A_294] : memref<512x64xf32, #tpu.memory_space<vmem>>[vector<16xi32>, vector<16xi32>], vector<16xf32>,
      %gather3A_296 = tpu.vector_load_idx %arg10[%add3A_172, %broadcast_in_dim3A_294] : memref<512x64xf32, #tpu.memory_space<vmem>>[vector<16xi32>, vector<16xi32>], vector<16xf32>,
      %mul3A_297 = arith.mulf %gather3A_295, %gather3A_295 : vector<16xf32>
      %add3A_298 = arith.addf %add3A_288, %mul3A_297 : vector<16xf32>
      %mul3A_299 = arith.mulf %gather3A_296, %gather3A_296 : vector<16xf32>
      %add3A_300 = arith.addf %add3A_290, %mul3A_299 : vector<16xf32>
      %mul3A_301 = arith.mulf %gather3A_295, %gather3A_296 : vector<16xf32>
      %add3A_302 = arith.addf %add3A_292, %mul3A_301 : vector<16xf32>
      %broadcast_in_dim3A_303 = arith.constant 13 : i32
      %broadcast_in_dim3A_304 = vector.broadcast %broadcast_in_dim3A_303 : i32 to vector<16xi32>
      %gather3A_305 = tpu.vector_load_idx %arg9[%add3A_172, %broadcast_in_dim3A_304] : memref<512x64xf32, #tpu.memory_space<vmem>>[vector<16xi32>, vector<16xi32>], vector<16xf32>,
      %gather3A_306 = tpu.vector_load_idx %arg10[%add3A_172, %broadcast_in_dim3A_304] : memref<512x64xf32, #tpu.memory_space<vmem>>[vector<16xi32>, vector<16xi32>], vector<16xf32>,
      %mul3A_307 = arith.mulf %gather3A_305, %gather3A_305 : vector<16xf32>
      %add3A_308 = arith.addf %add3A_298, %mul3A_307 : vector<16xf32>
      %mul3A_309 = arith.mulf %gather3A_306, %gather3A_306 : vector<16xf32>
      %add3A_310 = arith.addf %add3A_300, %mul3A_309 : vector<16xf32>
      %mul3A_311 = arith.mulf %gather3A_305, %gather3A_306 : vector<16xf32>
      %add3A_312 = arith.addf %add3A_302, %mul3A_311 : vector<16xf32>
      %broadcast_in_dim3A_313 = arith.constant 14 : i32
      %broadcast_in_dim3A_314 = vector.broadcast %broadcast_in_dim3A_313 : i32 to vector<16xi32>
      %gather3A_315 = tpu.vector_load_idx %arg9[%add3A_172, %broadcast_in_dim3A_314] : memref<512x64xf32, #tpu.memory_space<vmem>>[vector<16xi32>, vector<16xi32>], vector<16xf32>,
      %gather3A_316 = tpu.vector_load_idx %arg10[%add3A_172, %broadcast_in_dim3A_314] : memref<512x64xf32, #tpu.memory_space<vmem>>[vector<16xi32>, vector<16xi32>], vector<16xf32>,
      %mul3A_317 = arith.mulf %gather3A_315, %gather3A_315 : vector<16xf32>
      %add3A_318 = arith.addf %add3A_308, %mul3A_317 : vector<16xf32>
      %mul3A_319 = arith.mulf %gather3A_316, %gather3A_316 : vector<16xf32>
      %add3A_320 = arith.addf %add3A_310, %mul3A_319 : vector<16xf32>
      %mul3A_321 = arith.mulf %gather3A_315, %gather3A_316 : vector<16xf32>
      %add3A_322 = arith.addf %add3A_312, %mul3A_321 : vector<16xf32>
      %broadcast_in_dim3A_323 = arith.constant 15 : i32
      %broadcast_in_dim3A_324 = vector.broadcast %broadcast_in_dim3A_323 : i32 to vector<16xi32>
      %gather3A_325 = tpu.vector_load_idx %arg9[%add3A_172, %broadcast_in_dim3A_324] : memref<512x64xf32, #tpu.memory_space<vmem>>[vector<16xi32>, vector<16xi32>], vector<16xf32>,
      %gather3A_326 = tpu.vector_load_idx %arg10[%add3A_172, %broadcast_in_dim3A_324] : memref<512x64xf32, #tpu.memory_space<vmem>>[vector<16xi32>, vector<16xi32>], vector<16xf32>,
      %mul3A_327 = arith.mulf %gather3A_325, %gather3A_325 : vector<16xf32>
      %add3A_328 = arith.addf %add3A_318, %mul3A_327 : vector<16xf32>
      %mul3A_329 = arith.mulf %gather3A_326, %gather3A_326 : vector<16xf32>
      %add3A_330 = arith.addf %add3A_320, %mul3A_329 : vector<16xf32>
      %mul3A_331 = arith.mulf %gather3A_325, %gather3A_326 : vector<16xf32>
      %add3A_332 = arith.addf %add3A_322, %mul3A_331 : vector<16xf32>
      %broadcast_in_dim3A_333 = arith.constant 16 : i32
      %broadcast_in_dim3A_334 = vector.broadcast %broadcast_in_dim3A_333 : i32 to vector<16xi32>
      %gather3A_335 = tpu.vector_load_idx %arg9[%add3A_172, %broadcast_in_dim3A_334] : memref<512x64xf32, #tpu.memory_space<vmem>>[vector<16xi32>, vector<16xi32>], vector<16xf32>,
      %gather3A_336 = tpu.vector_load_idx %arg10[%add3A_172, %broadcast_in_dim3A_334] : memref<512x64xf32, #tpu.memory_space<vmem>>[vector<16xi32>, vector<16xi32>], vector<16xf32>,
      %mul3A_337 = arith.mulf %gather3A_335, %gather3A_335 : vector<16xf32>
      %add3A_338 = arith.addf %add3A_328, %mul3A_337 : vector<16xf32>
      %mul3A_339 = arith.mulf %gather3A_336, %gather3A_336 : vector<16xf32>
      %add3A_340 = arith.addf %add3A_330, %mul3A_339 : vector<16xf32>
      %mul3A_341 = arith.mulf %gather3A_335, %gather3A_336 : vector<16xf32>
      %add3A_342 = arith.addf %add3A_332, %mul3A_341 : vector<16xf32>
      %broadcast_in_dim3A_343 = arith.constant 17 : i32
      %broadcast_in_dim3A_344 = vector.broadcast %broadcast_in_dim3A_343 : i32 to vector<16xi32>
      %gather3A_345 = tpu.vector_load_idx %arg9[%add3A_172, %broadcast_in_dim3A_344] : memref<512x64xf32, #tpu.memory_space<vmem>>[vector<16xi32>, vector<16xi32>], vector<16xf32>,
      %gather3A_346 = tpu.vector_load_idx %arg10[%add3A_172, %broadcast_in_dim3A_344] : memref<512x64xf32, #tpu.memory_space<vmem>>[vector<16xi32>, vector<16xi32>], vector<16xf32>,
      %mul3A_347 = arith.mulf %gather3A_345, %gather3A_345 : vector<16xf32>
      %add3A_348 = arith.addf %add3A_338, %mul3A_347 : vector<16xf32>
      %mul3A_349 = arith.mulf %gather3A_346, %gather3A_346 : vector<16xf32>
      %add3A_350 = arith.addf %add3A_340, %mul3A_349 : vector<16xf32>
      %mul3A_351 = arith.mulf %gather3A_345, %gather3A_346 : vector<16xf32>
      %add3A_352 = arith.addf %add3A_342, %mul3A_351 : vector<16xf32>
      %broadcast_in_dim3A_353 = arith.constant 18 : i32
      %broadcast_in_dim3A_354 = vector.broadcast %broadcast_in_dim3A_353 : i32 to vector<16xi32>
      %gather3A_355 = tpu.vector_load_idx %arg9[%add3A_172, %broadcast_in_dim3A_354] : memref<512x64xf32, #tpu.memory_space<vmem>>[vector<16xi32>, vector<16xi32>], vector<16xf32>,
      %gather3A_356 = tpu.vector_load_idx %arg10[%add3A_172, %broadcast_in_dim3A_354] : memref<512x64xf32, #tpu.memory_space<vmem>>[vector<16xi32>, vector<16xi32>], vector<16xf32>,
      %mul3A_357 = arith.mulf %gather3A_355, %gather3A_355 : vector<16xf32>
      %add3A_358 = arith.addf %add3A_348, %mul3A_357 : vector<16xf32>
      %mul3A_359 = arith.mulf %gather3A_356, %gather3A_356 : vector<16xf32>
      %add3A_360 = arith.addf %add3A_350, %mul3A_359 : vector<16xf32>
      %mul3A_361 = arith.mulf %gather3A_355, %gather3A_356 : vector<16xf32>
      %add3A_362 = arith.addf %add3A_352, %mul3A_361 : vector<16xf32>
      %broadcast_in_dim3A_363 = arith.constant 19 : i32
      %broadcast_in_dim3A_364 = vector.broadcast %broadcast_in_dim3A_363 : i32 to vector<16xi32>
      %gather3A_365 = tpu.vector_load_idx %arg9[%add3A_172, %broadcast_in_dim3A_364] : memref<512x64xf32, #tpu.memory_space<vmem>>[vector<16xi32>, vector<16xi32>], vector<16xf32>,
      %gather3A_366 = tpu.vector_load_idx %arg10[%add3A_172, %broadcast_in_dim3A_364] : memref<512x64xf32, #tpu.memory_space<vmem>>[vector<16xi32>, vector<16xi32>], vector<16xf32>,
      %mul3A_367 = arith.mulf %gather3A_365, %gather3A_365 : vector<16xf32>
      %add3A_368 = arith.addf %add3A_358, %mul3A_367 : vector<16xf32>
      %mul3A_369 = arith.mulf %gather3A_366, %gather3A_366 : vector<16xf32>
      %add3A_370 = arith.addf %add3A_360, %mul3A_369 : vector<16xf32>
      %mul3A_371 = arith.mulf %gather3A_365, %gather3A_366 : vector<16xf32>
      %add3A_372 = arith.addf %add3A_362, %mul3A_371 : vector<16xf32>
      %broadcast_in_dim3A_373 = arith.constant 20 : i32
      %broadcast_in_dim3A_374 = vector.broadcast %broadcast_in_dim3A_373 : i32 to vector<16xi32>
      %gather3A_375 = tpu.vector_load_idx %arg9[%add3A_172, %broadcast_in_dim3A_374] : memref<512x64xf32, #tpu.memory_space<vmem>>[vector<16xi32>, vector<16xi32>], vector<16xf32>,
      %gather3A_376 = tpu.vector_load_idx %arg10[%add3A_172, %broadcast_in_dim3A_374] : memref<512x64xf32, #tpu.memory_space<vmem>>[vector<16xi32>, vector<16xi32>], vector<16xf32>,
      %mul3A_377 = arith.mulf %gather3A_375, %gather3A_375 : vector<16xf32>
      %add3A_378 = arith.addf %add3A_368, %mul3A_377 : vector<16xf32>
      %mul3A_379 = arith.mulf %gather3A_376, %gather3A_376 : vector<16xf32>
      %add3A_380 = arith.addf %add3A_370, %mul3A_379 : vector<16xf32>
      %mul3A_381 = arith.mulf %gather3A_375, %gather3A_376 : vector<16xf32>
      %add3A_382 = arith.addf %add3A_372, %mul3A_381 : vector<16xf32>
      %broadcast_in_dim3A_383 = arith.constant 21 : i32
      %broadcast_in_dim3A_384 = vector.broadcast %broadcast_in_dim3A_383 : i32 to vector<16xi32>
      %gather3A_385 = tpu.vector_load_idx %arg9[%add3A_172, %broadcast_in_dim3A_384] : memref<512x64xf32, #tpu.memory_space<vmem>>[vector<16xi32>, vector<16xi32>], vector<16xf32>,
      %gather3A_386 = tpu.vector_load_idx %arg10[%add3A_172, %broadcast_in_dim3A_384] : memref<512x64xf32, #tpu.memory_space<vmem>>[vector<16xi32>, vector<16xi32>], vector<16xf32>,
      %mul3A_387 = arith.mulf %gather3A_385, %gather3A_385 : vector<16xf32>
      %add3A_388 = arith.addf %add3A_378, %mul3A_387 : vector<16xf32>
      %mul3A_389 = arith.mulf %gather3A_386, %gather3A_386 : vector<16xf32>
      %add3A_390 = arith.addf %add3A_380, %mul3A_389 : vector<16xf32>
      %mul3A_391 = arith.mulf %gather3A_385, %gather3A_386 : vector<16xf32>
      %add3A_392 = arith.addf %add3A_382, %mul3A_391 : vector<16xf32>
      %broadcast_in_dim3A_393 = arith.constant 22 : i32
      %broadcast_in_dim3A_394 = vector.broadcast %broadcast_in_dim3A_393 : i32 to vector<16xi32>
      %gather3A_395 = tpu.vector_load_idx %arg9[%add3A_172, %broadcast_in_dim3A_394] : memref<512x64xf32, #tpu.memory_space<vmem>>[vector<16xi32>, vector<16xi32>], vector<16xf32>,
      %gather3A_396 = tpu.vector_load_idx %arg10[%add3A_172, %broadcast_in_dim3A_394] : memref<512x64xf32, #tpu.memory_space<vmem>>[vector<16xi32>, vector<16xi32>], vector<16xf32>,
      %mul3A_397 = arith.mulf %gather3A_395, %gather3A_395 : vector<16xf32>
      %add3A_398 = arith.addf %add3A_388, %mul3A_397 : vector<16xf32>
      %mul3A_399 = arith.mulf %gather3A_396, %gather3A_396 : vector<16xf32>
      %add3A_400 = arith.addf %add3A_390, %mul3A_399 : vector<16xf32>
      %mul3A_401 = arith.mulf %gather3A_395, %gather3A_396 : vector<16xf32>
      %add3A_402 = arith.addf %add3A_392, %mul3A_401 : vector<16xf32>
      %broadcast_in_dim3A_403 = arith.constant 23 : i32
      %broadcast_in_dim3A_404 = vector.broadcast %broadcast_in_dim3A_403 : i32 to vector<16xi32>
      %gather3A_405 = tpu.vector_load_idx %arg9[%add3A_172, %broadcast_in_dim3A_404] : memref<512x64xf32, #tpu.memory_space<vmem>>[vector<16xi32>, vector<16xi32>], vector<16xf32>,
      %gather3A_406 = tpu.vector_load_idx %arg10[%add3A_172, %broadcast_in_dim3A_404] : memref<512x64xf32, #tpu.memory_space<vmem>>[vector<16xi32>, vector<16xi32>], vector<16xf32>,
      %mul3A_407 = arith.mulf %gather3A_405, %gather3A_405 : vector<16xf32>
      %add3A_408 = arith.addf %add3A_398, %mul3A_407 : vector<16xf32>
      %mul3A_409 = arith.mulf %gather3A_406, %gather3A_406 : vector<16xf32>
      %add3A_410 = arith.addf %add3A_400, %mul3A_409 : vector<16xf32>
      %mul3A_411 = arith.mulf %gather3A_405, %gather3A_406 : vector<16xf32>
      %add3A_412 = arith.addf %add3A_402, %mul3A_411 : vector<16xf32>
      %broadcast_in_dim3A_413 = arith.constant 24 : i32
      %broadcast_in_dim3A_414 = vector.broadcast %broadcast_in_dim3A_413 : i32 to vector<16xi32>
      %gather3A_415 = tpu.vector_load_idx %arg9[%add3A_172, %broadcast_in_dim3A_414] : memref<512x64xf32, #tpu.memory_space<vmem>>[vector<16xi32>, vector<16xi32>], vector<16xf32>,
      %gather3A_416 = tpu.vector_load_idx %arg10[%add3A_172, %broadcast_in_dim3A_414] : memref<512x64xf32, #tpu.memory_space<vmem>>[vector<16xi32>, vector<16xi32>], vector<16xf32>,
      %mul3A_417 = arith.mulf %gather3A_415, %gather3A_415 : vector<16xf32>
      %add3A_418 = arith.addf %add3A_408, %mul3A_417 : vector<16xf32>
      %mul3A_419 = arith.mulf %gather3A_416, %gather3A_416 : vector<16xf32>
      %add3A_420 = arith.addf %add3A_410, %mul3A_419 : vector<16xf32>
      %mul3A_421 = arith.mulf %gather3A_415, %gather3A_416 : vector<16xf32>
      %add3A_422 = arith.addf %add3A_412, %mul3A_421 : vector<16xf32>
      %broadcast_in_dim3A_423 = arith.constant 25 : i32
      %broadcast_in_dim3A_424 = vector.broadcast %broadcast_in_dim3A_423 : i32 to vector<16xi32>
      %gather3A_425 = tpu.vector_load_idx %arg9[%add3A_172, %broadcast_in_dim3A_424] : memref<512x64xf32, #tpu.memory_space<vmem>>[vector<16xi32>, vector<16xi32>], vector<16xf32>,
      %gather3A_426 = tpu.vector_load_idx %arg10[%add3A_172, %broadcast_in_dim3A_424] : memref<512x64xf32, #tpu.memory_space<vmem>>[vector<16xi32>, vector<16xi32>], vector<16xf32>,
      %mul3A_427 = arith.mulf %gather3A_425, %gather3A_425 : vector<16xf32>
      %add3A_428 = arith.addf %add3A_418, %mul3A_427 : vector<16xf32>
      %mul3A_429 = arith.mulf %gather3A_426, %gather3A_426 : vector<16xf32>
      %add3A_430 = arith.addf %add3A_420, %mul3A_429 : vector<16xf32>
      %mul3A_431 = arith.mulf %gather3A_425, %gather3A_426 : vector<16xf32>
      %add3A_432 = arith.addf %add3A_422, %mul3A_431 : vector<16xf32>
      %broadcast_in_dim3A_433 = arith.constant 26 : i32
      %broadcast_in_dim3A_434 = vector.broadcast %broadcast_in_dim3A_433 : i32 to vector<16xi32>
      %gather3A_435 = tpu.vector_load_idx %arg9[%add3A_172, %broadcast_in_dim3A_434] : memref<512x64xf32, #tpu.memory_space<vmem>>[vector<16xi32>, vector<16xi32>], vector<16xf32>,
      %gather3A_436 = tpu.vector_load_idx %arg10[%add3A_172, %broadcast_in_dim3A_434] : memref<512x64xf32, #tpu.memory_space<vmem>>[vector<16xi32>, vector<16xi32>], vector<16xf32>,
      %mul3A_437 = arith.mulf %gather3A_435, %gather3A_435 : vector<16xf32>
      %add3A_438 = arith.addf %add3A_428, %mul3A_437 : vector<16xf32>
      %mul3A_439 = arith.mulf %gather3A_436, %gather3A_436 : vector<16xf32>
      %add3A_440 = arith.addf %add3A_430, %mul3A_439 : vector<16xf32>
      %mul3A_441 = arith.mulf %gather3A_435, %gather3A_436 : vector<16xf32>
      %add3A_442 = arith.addf %add3A_432, %mul3A_441 : vector<16xf32>
      %broadcast_in_dim3A_443 = arith.constant 27 : i32
      %broadcast_in_dim3A_444 = vector.broadcast %broadcast_in_dim3A_443 : i32 to vector<16xi32>
      %gather3A_445 = tpu.vector_load_idx %arg9[%add3A_172, %broadcast_in_dim3A_444] : memref<512x64xf32, #tpu.memory_space<vmem>>[vector<16xi32>, vector<16xi32>], vector<16xf32>,
      %gather3A_446 = tpu.vector_load_idx %arg10[%add3A_172, %broadcast_in_dim3A_444] : memref<512x64xf32, #tpu.memory_space<vmem>>[vector<16xi32>, vector<16xi32>], vector<16xf32>,
      %mul3A_447 = arith.mulf %gather3A_445, %gather3A_445 : vector<16xf32>
      %add3A_448 = arith.addf %add3A_438, %mul3A_447 : vector<16xf32>
      %mul3A_449 = arith.mulf %gather3A_446, %gather3A_446 : vector<16xf32>
      %add3A_450 = arith.addf %add3A_440, %mul3A_449 : vector<16xf32>
      %mul3A_451 = arith.mulf %gather3A_445, %gather3A_446 : vector<16xf32>
      %add3A_452 = arith.addf %add3A_442, %mul3A_451 : vector<16xf32>
      %broadcast_in_dim3A_453 = arith.constant 28 : i32
      %broadcast_in_dim3A_454 = vector.broadcast %broadcast_in_dim3A_453 : i32 to vector<16xi32>
      %gather3A_455 = tpu.vector_load_idx %arg9[%add3A_172, %broadcast_in_dim3A_454] : memref<512x64xf32, #tpu.memory_space<vmem>>[vector<16xi32>, vector<16xi32>], vector<16xf32>,
      %gather3A_456 = tpu.vector_load_idx %arg10[%add3A_172, %broadcast_in_dim3A_454] : memref<512x64xf32, #tpu.memory_space<vmem>>[vector<16xi32>, vector<16xi32>], vector<16xf32>,
      %mul3A_457 = arith.mulf %gather3A_455, %gather3A_455 : vector<16xf32>
      %add3A_458 = arith.addf %add3A_448, %mul3A_457 : vector<16xf32>
      %mul3A_459 = arith.mulf %gather3A_456, %gather3A_456 : vector<16xf32>
      %add3A_460 = arith.addf %add3A_450, %mul3A_459 : vector<16xf32>
      %mul3A_461 = arith.mulf %gather3A_455, %gather3A_456 : vector<16xf32>
      %add3A_462 = arith.addf %add3A_452, %mul3A_461 : vector<16xf32>
      %broadcast_in_dim3A_463 = arith.constant 29 : i32
      %broadcast_in_dim3A_464 = vector.broadcast %broadcast_in_dim3A_463 : i32 to vector<16xi32>
      %gather3A_465 = tpu.vector_load_idx %arg9[%add3A_172, %broadcast_in_dim3A_464] : memref<512x64xf32, #tpu.memory_space<vmem>>[vector<16xi32>, vector<16xi32>], vector<16xf32>,
      %gather3A_466 = tpu.vector_load_idx %arg10[%add3A_172, %broadcast_in_dim3A_464] : memref<512x64xf32, #tpu.memory_space<vmem>>[vector<16xi32>, vector<16xi32>], vector<16xf32>,
      %mul3A_467 = arith.mulf %gather3A_465, %gather3A_465 : vector<16xf32>
      %add3A_468 = arith.addf %add3A_458, %mul3A_467 : vector<16xf32>
      %mul3A_469 = arith.mulf %gather3A_466, %gather3A_466 : vector<16xf32>
      %add3A_470 = arith.addf %add3A_460, %mul3A_469 : vector<16xf32>
      %mul3A_471 = arith.mulf %gather3A_465, %gather3A_466 : vector<16xf32>
      %add3A_472 = arith.addf %add3A_462, %mul3A_471 : vector<16xf32>
      %broadcast_in_dim3A_473 = arith.constant 30 : i32
      %broadcast_in_dim3A_474 = vector.broadcast %broadcast_in_dim3A_473 : i32 to vector<16xi32>
      %gather3A_475 = tpu.vector_load_idx %arg9[%add3A_172, %broadcast_in_dim3A_474] : memref<512x64xf32, #tpu.memory_space<vmem>>[vector<16xi32>, vector<16xi32>], vector<16xf32>,
      %gather3A_476 = tpu.vector_load_idx %arg10[%add3A_172, %broadcast_in_dim3A_474] : memref<512x64xf32, #tpu.memory_space<vmem>>[vector<16xi32>, vector<16xi32>], vector<16xf32>,
      %mul3A_477 = arith.mulf %gather3A_475, %gather3A_475 : vector<16xf32>
      %add3A_478 = arith.addf %add3A_468, %mul3A_477 : vector<16xf32>
      %mul3A_479 = arith.mulf %gather3A_476, %gather3A_476 : vector<16xf32>
      %add3A_480 = arith.addf %add3A_470, %mul3A_479 : vector<16xf32>
      %mul3A_481 = arith.mulf %gather3A_475, %gather3A_476 : vector<16xf32>
      %add3A_482 = arith.addf %add3A_472, %mul3A_481 : vector<16xf32>
      %broadcast_in_dim3A_483 = arith.constant 31 : i32
      %broadcast_in_dim3A_484 = vector.broadcast %broadcast_in_dim3A_483 : i32 to vector<16xi32>
      %gather3A_485 = tpu.vector_load_idx %arg9[%add3A_172, %broadcast_in_dim3A_484] : memref<512x64xf32, #tpu.memory_space<vmem>>[vector<16xi32>, vector<16xi32>], vector<16xf32>,
      %gather3A_486 = tpu.vector_load_idx %arg10[%add3A_172, %broadcast_in_dim3A_484] : memref<512x64xf32, #tpu.memory_space<vmem>>[vector<16xi32>, vector<16xi32>], vector<16xf32>,
      %mul3A_487 = arith.mulf %gather3A_485, %gather3A_485 : vector<16xf32>
      %add3A_488 = arith.addf %add3A_478, %mul3A_487 : vector<16xf32>
      %mul3A_489 = arith.mulf %gather3A_486, %gather3A_486 : vector<16xf32>
      %add3A_490 = arith.addf %add3A_480, %mul3A_489 : vector<16xf32>
      %mul3A_491 = arith.mulf %gather3A_485, %gather3A_486 : vector<16xf32>
      %add3A_492 = arith.addf %add3A_482, %mul3A_491 : vector<16xf32>
      %broadcast_in_dim3A_493 = arith.constant 32 : i32
      %broadcast_in_dim3A_494 = vector.broadcast %broadcast_in_dim3A_493 : i32 to vector<16xi32>
      %gather3A_495 = tpu.vector_load_idx %arg9[%add3A_172, %broadcast_in_dim3A_494] : memref<512x64xf32, #tpu.memory_space<vmem>>[vector<16xi32>, vector<16xi32>], vector<16xf32>,
      %gather3A_496 = tpu.vector_load_idx %arg10[%add3A_172, %broadcast_in_dim3A_494] : memref<512x64xf32, #tpu.memory_space<vmem>>[vector<16xi32>, vector<16xi32>], vector<16xf32>,
      %mul3A_497 = arith.mulf %gather3A_495, %gather3A_495 : vector<16xf32>
      %add3A_498 = arith.addf %add3A_488, %mul3A_497 : vector<16xf32>
      %mul3A_499 = arith.mulf %gather3A_496, %gather3A_496 : vector<16xf32>
      %add3A_500 = arith.addf %add3A_490, %mul3A_499 : vector<16xf32>
      %mul3A_501 = arith.mulf %gather3A_495, %gather3A_496 : vector<16xf32>
      %add3A_502 = arith.addf %add3A_492, %mul3A_501 : vector<16xf32>
      %broadcast_in_dim3A_503 = arith.constant 33 : i32
      %broadcast_in_dim3A_504 = vector.broadcast %broadcast_in_dim3A_503 : i32 to vector<16xi32>
      %gather3A_505 = tpu.vector_load_idx %arg9[%add3A_172, %broadcast_in_dim3A_504] : memref<512x64xf32, #tpu.memory_space<vmem>>[vector<16xi32>, vector<16xi32>], vector<16xf32>,
      %gather3A_506 = tpu.vector_load_idx %arg10[%add3A_172, %broadcast_in_dim3A_504] : memref<512x64xf32, #tpu.memory_space<vmem>>[vector<16xi32>, vector<16xi32>], vector<16xf32>,
      %mul3A_507 = arith.mulf %gather3A_505, %gather3A_505 : vector<16xf32>
      %add3A_508 = arith.addf %add3A_498, %mul3A_507 : vector<16xf32>
      %mul3A_509 = arith.mulf %gather3A_506, %gather3A_506 : vector<16xf32>
      %add3A_510 = arith.addf %add3A_500, %mul3A_509 : vector<16xf32>
      %mul3A_511 = arith.mulf %gather3A_505, %gather3A_506 : vector<16xf32>
      %add3A_512 = arith.addf %add3A_502, %mul3A_511 : vector<16xf32>
      %broadcast_in_dim3A_513 = arith.constant 34 : i32
      %broadcast_in_dim3A_514 = vector.broadcast %broadcast_in_dim3A_513 : i32 to vector<16xi32>
      %gather3A_515 = tpu.vector_load_idx %arg9[%add3A_172, %broadcast_in_dim3A_514] : memref<512x64xf32, #tpu.memory_space<vmem>>[vector<16xi32>, vector<16xi32>], vector<16xf32>,
      %gather3A_516 = tpu.vector_load_idx %arg10[%add3A_172, %broadcast_in_dim3A_514] : memref<512x64xf32, #tpu.memory_space<vmem>>[vector<16xi32>, vector<16xi32>], vector<16xf32>,
      %mul3A_517 = arith.mulf %gather3A_515, %gather3A_515 : vector<16xf32>
      %add3A_518 = arith.addf %add3A_508, %mul3A_517 : vector<16xf32>
      %mul3A_519 = arith.mulf %gather3A_516, %gather3A_516 : vector<16xf32>
      %add3A_520 = arith.addf %add3A_510, %mul3A_519 : vector<16xf32>
      %mul3A_521 = arith.mulf %gather3A_515, %gather3A_516 : vector<16xf32>
      %add3A_522 = arith.addf %add3A_512, %mul3A_521 : vector<16xf32>
      %broadcast_in_dim3A_523 = arith.constant 35 : i32
      %broadcast_in_dim3A_524 = vector.broadcast %broadcast_in_dim3A_523 : i32 to vector<16xi32>
      %gather3A_525 = tpu.vector_load_idx %arg9[%add3A_172, %broadcast_in_dim3A_524] : memref<512x64xf32, #tpu.memory_space<vmem>>[vector<16xi32>, vector<16xi32>], vector<16xf32>,
      %gather3A_526 = tpu.vector_load_idx %arg10[%add3A_172, %broadcast_in_dim3A_524] : memref<512x64xf32, #tpu.memory_space<vmem>>[vector<16xi32>, vector<16xi32>], vector<16xf32>,
      %mul3A_527 = arith.mulf %gather3A_525, %gather3A_525 : vector<16xf32>
      %add3A_528 = arith.addf %add3A_518, %mul3A_527 : vector<16xf32>
      %mul3A_529 = arith.mulf %gather3A_526, %gather3A_526 : vector<16xf32>
      %add3A_530 = arith.addf %add3A_520, %mul3A_529 : vector<16xf32>
      %mul3A_531 = arith.mulf %gather3A_525, %gather3A_526 : vector<16xf32>
      %add3A_532 = arith.addf %add3A_522, %mul3A_531 : vector<16xf32>
      %broadcast_in_dim3A_533 = arith.constant 36 : i32
      %broadcast_in_dim3A_534 = vector.broadcast %broadcast_in_dim3A_533 : i32 to vector<16xi32>
      %gather3A_535 = tpu.vector_load_idx %arg9[%add3A_172, %broadcast_in_dim3A_534] : memref<512x64xf32, #tpu.memory_space<vmem>>[vector<16xi32>, vector<16xi32>], vector<16xf32>,
      %gather3A_536 = tpu.vector_load_idx %arg10[%add3A_172, %broadcast_in_dim3A_534] : memref<512x64xf32, #tpu.memory_space<vmem>>[vector<16xi32>, vector<16xi32>], vector<16xf32>,
      %mul3A_537 = arith.mulf %gather3A_535, %gather3A_535 : vector<16xf32>
      %add3A_538 = arith.addf %add3A_528, %mul3A_537 : vector<16xf32>
      %mul3A_539 = arith.mulf %gather3A_536, %gather3A_536 : vector<16xf32>
      %add3A_540 = arith.addf %add3A_530, %mul3A_539 : vector<16xf32>
      %mul3A_541 = arith.mulf %gather3A_535, %gather3A_536 : vector<16xf32>
      %add3A_542 = arith.addf %add3A_532, %mul3A_541 : vector<16xf32>
      %broadcast_in_dim3A_543 = arith.constant 37 : i32
      %broadcast_in_dim3A_544 = vector.broadcast %broadcast_in_dim3A_543 : i32 to vector<16xi32>
      %gather3A_545 = tpu.vector_load_idx %arg9[%add3A_172, %broadcast_in_dim3A_544] : memref<512x64xf32, #tpu.memory_space<vmem>>[vector<16xi32>, vector<16xi32>], vector<16xf32>,
      %gather3A_546 = tpu.vector_load_idx %arg10[%add3A_172, %broadcast_in_dim3A_544] : memref<512x64xf32, #tpu.memory_space<vmem>>[vector<16xi32>, vector<16xi32>], vector<16xf32>,
      %mul3A_547 = arith.mulf %gather3A_545, %gather3A_545 : vector<16xf32>
      %add3A_548 = arith.addf %add3A_538, %mul3A_547 : vector<16xf32>
      %mul3A_549 = arith.mulf %gather3A_546, %gather3A_546 : vector<16xf32>
      %add3A_550 = arith.addf %add3A_540, %mul3A_549 : vector<16xf32>
      %mul3A_551 = arith.mulf %gather3A_545, %gather3A_546 : vector<16xf32>
      %add3A_552 = arith.addf %add3A_542, %mul3A_551 : vector<16xf32>
      %broadcast_in_dim3A_553 = arith.constant 38 : i32
      %broadcast_in_dim3A_554 = vector.broadcast %broadcast_in_dim3A_553 : i32 to vector<16xi32>
      %gather3A_555 = tpu.vector_load_idx %arg9[%add3A_172, %broadcast_in_dim3A_554] : memref<512x64xf32, #tpu.memory_space<vmem>>[vector<16xi32>, vector<16xi32>], vector<16xf32>,
      %gather3A_556 = tpu.vector_load_idx %arg10[%add3A_172, %broadcast_in_dim3A_554] : memref<512x64xf32, #tpu.memory_space<vmem>>[vector<16xi32>, vector<16xi32>], vector<16xf32>,
      %mul3A_557 = arith.mulf %gather3A_555, %gather3A_555 : vector<16xf32>
      %add3A_558 = arith.addf %add3A_548, %mul3A_557 : vector<16xf32>
      %mul3A_559 = arith.mulf %gather3A_556, %gather3A_556 : vector<16xf32>
      %add3A_560 = arith.addf %add3A_550, %mul3A_559 : vector<16xf32>
      %mul3A_561 = arith.mulf %gather3A_555, %gather3A_556 : vector<16xf32>
      %add3A_562 = arith.addf %add3A_552, %mul3A_561 : vector<16xf32>
      %broadcast_in_dim3A_563 = arith.constant 39 : i32
      %broadcast_in_dim3A_564 = vector.broadcast %broadcast_in_dim3A_563 : i32 to vector<16xi32>
      %gather3A_565 = tpu.vector_load_idx %arg9[%add3A_172, %broadcast_in_dim3A_564] : memref<512x64xf32, #tpu.memory_space<vmem>>[vector<16xi32>, vector<16xi32>], vector<16xf32>,
      %gather3A_566 = tpu.vector_load_idx %arg10[%add3A_172, %broadcast_in_dim3A_564] : memref<512x64xf32, #tpu.memory_space<vmem>>[vector<16xi32>, vector<16xi32>], vector<16xf32>,
      %mul3A_567 = arith.mulf %gather3A_565, %gather3A_565 : vector<16xf32>
      %add3A_568 = arith.addf %add3A_558, %mul3A_567 : vector<16xf32>
      %mul3A_569 = arith.mulf %gather3A_566, %gather3A_566 : vector<16xf32>
      %add3A_570 = arith.addf %add3A_560, %mul3A_569 : vector<16xf32>
      %mul3A_571 = arith.mulf %gather3A_565, %gather3A_566 : vector<16xf32>
      %add3A_572 = arith.addf %add3A_562, %mul3A_571 : vector<16xf32>
      %broadcast_in_dim3A_573 = arith.constant 40 : i32
      %broadcast_in_dim3A_574 = vector.broadcast %broadcast_in_dim3A_573 : i32 to vector<16xi32>
      %gather3A_575 = tpu.vector_load_idx %arg9[%add3A_172, %broadcast_in_dim3A_574] : memref<512x64xf32, #tpu.memory_space<vmem>>[vector<16xi32>, vector<16xi32>], vector<16xf32>,
      %gather3A_576 = tpu.vector_load_idx %arg10[%add3A_172, %broadcast_in_dim3A_574] : memref<512x64xf32, #tpu.memory_space<vmem>>[vector<16xi32>, vector<16xi32>], vector<16xf32>,
      %mul3A_577 = arith.mulf %gather3A_575, %gather3A_575 : vector<16xf32>
      %add3A_578 = arith.addf %add3A_568, %mul3A_577 : vector<16xf32>
      %mul3A_579 = arith.mulf %gather3A_576, %gather3A_576 : vector<16xf32>
      %add3A_580 = arith.addf %add3A_570, %mul3A_579 : vector<16xf32>
      %mul3A_581 = arith.mulf %gather3A_575, %gather3A_576 : vector<16xf32>
      %add3A_582 = arith.addf %add3A_572, %mul3A_581 : vector<16xf32>
      %broadcast_in_dim3A_583 = arith.constant 41 : i32
      %broadcast_in_dim3A_584 = vector.broadcast %broadcast_in_dim3A_583 : i32 to vector<16xi32>
      %gather3A_585 = tpu.vector_load_idx %arg9[%add3A_172, %broadcast_in_dim3A_584] : memref<512x64xf32, #tpu.memory_space<vmem>>[vector<16xi32>, vector<16xi32>], vector<16xf32>,
      %gather3A_586 = tpu.vector_load_idx %arg10[%add3A_172, %broadcast_in_dim3A_584] : memref<512x64xf32, #tpu.memory_space<vmem>>[vector<16xi32>, vector<16xi32>], vector<16xf32>,
      %mul3A_587 = arith.mulf %gather3A_585, %gather3A_585 : vector<16xf32>
      %add3A_588 = arith.addf %add3A_578, %mul3A_587 : vector<16xf32>
      %mul3A_589 = arith.mulf %gather3A_586, %gather3A_586 : vector<16xf32>
      %add3A_590 = arith.addf %add3A_580, %mul3A_589 : vector<16xf32>
      %mul3A_591 = arith.mulf %gather3A_585, %gather3A_586 : vector<16xf32>
      %add3A_592 = arith.addf %add3A_582, %mul3A_591 : vector<16xf32>
      %broadcast_in_dim3A_593 = arith.constant 42 : i32
      %broadcast_in_dim3A_594 = vector.broadcast %broadcast_in_dim3A_593 : i32 to vector<16xi32>
      %gather3A_595 = tpu.vector_load_idx %arg9[%add3A_172, %broadcast_in_dim3A_594] : memref<512x64xf32, #tpu.memory_space<vmem>>[vector<16xi32>, vector<16xi32>], vector<16xf32>,
      %gather3A_596 = tpu.vector_load_idx %arg10[%add3A_172, %broadcast_in_dim3A_594] : memref<512x64xf32, #tpu.memory_space<vmem>>[vector<16xi32>, vector<16xi32>], vector<16xf32>,
      %mul3A_597 = arith.mulf %gather3A_595, %gather3A_595 : vector<16xf32>
      %add3A_598 = arith.addf %add3A_588, %mul3A_597 : vector<16xf32>
      %mul3A_599 = arith.mulf %gather3A_596, %gather3A_596 : vector<16xf32>
      %add3A_600 = arith.addf %add3A_590, %mul3A_599 : vector<16xf32>
      %mul3A_601 = arith.mulf %gather3A_595, %gather3A_596 : vector<16xf32>
      %add3A_602 = arith.addf %add3A_592, %mul3A_601 : vector<16xf32>
      %broadcast_in_dim3A_603 = arith.constant 43 : i32
      %broadcast_in_dim3A_604 = vector.broadcast %broadcast_in_dim3A_603 : i32 to vector<16xi32>
      %gather3A_605 = tpu.vector_load_idx %arg9[%add3A_172, %broadcast_in_dim3A_604] : memref<512x64xf32, #tpu.memory_space<vmem>>[vector<16xi32>, vector<16xi32>], vector<16xf32>,
      %gather3A_606 = tpu.vector_load_idx %arg10[%add3A_172, %broadcast_in_dim3A_604] : memref<512x64xf32, #tpu.memory_space<vmem>>[vector<16xi32>, vector<16xi32>], vector<16xf32>,
      %mul3A_607 = arith.mulf %gather3A_605, %gather3A_605 : vector<16xf32>
      %add3A_608 = arith.addf %add3A_598, %mul3A_607 : vector<16xf32>
      %mul3A_609 = arith.mulf %gather3A_606, %gather3A_606 : vector<16xf32>
      %add3A_610 = arith.addf %add3A_600, %mul3A_609 : vector<16xf32>
      %mul3A_611 = arith.mulf %gather3A_605, %gather3A_606 : vector<16xf32>
      %add3A_612 = arith.addf %add3A_602, %mul3A_611 : vector<16xf32>
      %broadcast_in_dim3A_613 = arith.constant 44 : i32
      %broadcast_in_dim3A_614 = vector.broadcast %broadcast_in_dim3A_613 : i32 to vector<16xi32>
      %gather3A_615 = tpu.vector_load_idx %arg9[%add3A_172, %broadcast_in_dim3A_614] : memref<512x64xf32, #tpu.memory_space<vmem>>[vector<16xi32>, vector<16xi32>], vector<16xf32>,
      %gather3A_616 = tpu.vector_load_idx %arg10[%add3A_172, %broadcast_in_dim3A_614] : memref<512x64xf32, #tpu.memory_space<vmem>>[vector<16xi32>, vector<16xi32>], vector<16xf32>,
      %mul3A_617 = arith.mulf %gather3A_615, %gather3A_615 : vector<16xf32>
      %add3A_618 = arith.addf %add3A_608, %mul3A_617 : vector<16xf32>
      %mul3A_619 = arith.mulf %gather3A_616, %gather3A_616 : vector<16xf32>
      %add3A_620 = arith.addf %add3A_610, %mul3A_619 : vector<16xf32>
      %mul3A_621 = arith.mulf %gather3A_615, %gather3A_616 : vector<16xf32>
      %add3A_622 = arith.addf %add3A_612, %mul3A_621 : vector<16xf32>
      %broadcast_in_dim3A_623 = arith.constant 45 : i32
      %broadcast_in_dim3A_624 = vector.broadcast %broadcast_in_dim3A_623 : i32 to vector<16xi32>
      %gather3A_625 = tpu.vector_load_idx %arg9[%add3A_172, %broadcast_in_dim3A_624] : memref<512x64xf32, #tpu.memory_space<vmem>>[vector<16xi32>, vector<16xi32>], vector<16xf32>,
      %gather3A_626 = tpu.vector_load_idx %arg10[%add3A_172, %broadcast_in_dim3A_624] : memref<512x64xf32, #tpu.memory_space<vmem>>[vector<16xi32>, vector<16xi32>], vector<16xf32>,
      %mul3A_627 = arith.mulf %gather3A_625, %gather3A_625 : vector<16xf32>
      %add3A_628 = arith.addf %add3A_618, %mul3A_627 : vector<16xf32>
      %mul3A_629 = arith.mulf %gather3A_626, %gather3A_626 : vector<16xf32>
      %add3A_630 = arith.addf %add3A_620, %mul3A_629 : vector<16xf32>
      %mul3A_631 = arith.mulf %gather3A_625, %gather3A_626 : vector<16xf32>
      %add3A_632 = arith.addf %add3A_622, %mul3A_631 : vector<16xf32>
      %broadcast_in_dim3A_633 = arith.constant 46 : i32
      %broadcast_in_dim3A_634 = vector.broadcast %broadcast_in_dim3A_633 : i32 to vector<16xi32>
      %gather3A_635 = tpu.vector_load_idx %arg9[%add3A_172, %broadcast_in_dim3A_634] : memref<512x64xf32, #tpu.memory_space<vmem>>[vector<16xi32>, vector<16xi32>], vector<16xf32>,
      %gather3A_636 = tpu.vector_load_idx %arg10[%add3A_172, %broadcast_in_dim3A_634] : memref<512x64xf32, #tpu.memory_space<vmem>>[vector<16xi32>, vector<16xi32>], vector<16xf32>,
      %mul3A_637 = arith.mulf %gather3A_635, %gather3A_635 : vector<16xf32>
      %add3A_638 = arith.addf %add3A_628, %mul3A_637 : vector<16xf32>
      %mul3A_639 = arith.mulf %gather3A_636, %gather3A_636 : vector<16xf32>
      %add3A_640 = arith.addf %add3A_630, %mul3A_639 : vector<16xf32>
      %mul3A_641 = arith.mulf %gather3A_635, %gather3A_636 : vector<16xf32>
      %add3A_642 = arith.addf %add3A_632, %mul3A_641 : vector<16xf32>
      %broadcast_in_dim3A_643 = arith.constant 47 : i32
      %broadcast_in_dim3A_644 = vector.broadcast %broadcast_in_dim3A_643 : i32 to vector<16xi32>
      %gather3A_645 = tpu.vector_load_idx %arg9[%add3A_172, %broadcast_in_dim3A_644] : memref<512x64xf32, #tpu.memory_space<vmem>>[vector<16xi32>, vector<16xi32>], vector<16xf32>,
      %gather3A_646 = tpu.vector_load_idx %arg10[%add3A_172, %broadcast_in_dim3A_644] : memref<512x64xf32, #tpu.memory_space<vmem>>[vector<16xi32>, vector<16xi32>], vector<16xf32>,
      %mul3A_647 = arith.mulf %gather3A_645, %gather3A_645 : vector<16xf32>
      %add3A_648 = arith.addf %add3A_638, %mul3A_647 : vector<16xf32>
      %mul3A_649 = arith.mulf %gather3A_646, %gather3A_646 : vector<16xf32>
      %add3A_650 = arith.addf %add3A_640, %mul3A_649 : vector<16xf32>
      %mul3A_651 = arith.mulf %gather3A_645, %gather3A_646 : vector<16xf32>
      %add3A_652 = arith.addf %add3A_642, %mul3A_651 : vector<16xf32>
      %broadcast_in_dim3A_653 = arith.constant 48 : i32
      %broadcast_in_dim3A_654 = vector.broadcast %broadcast_in_dim3A_653 : i32 to vector<16xi32>
      %gather3A_655 = tpu.vector_load_idx %arg9[%add3A_172, %broadcast_in_dim3A_654] : memref<512x64xf32, #tpu.memory_space<vmem>>[vector<16xi32>, vector<16xi32>], vector<16xf32>,
      %gather3A_656 = tpu.vector_load_idx %arg10[%add3A_172, %broadcast_in_dim3A_654] : memref<512x64xf32, #tpu.memory_space<vmem>>[vector<16xi32>, vector<16xi32>], vector<16xf32>,
      %mul3A_657 = arith.mulf %gather3A_655, %gather3A_655 : vector<16xf32>
      %add3A_658 = arith.addf %add3A_648, %mul3A_657 : vector<16xf32>
      %mul3A_659 = arith.mulf %gather3A_656, %gather3A_656 : vector<16xf32>
      %add3A_660 = arith.addf %add3A_650, %mul3A_659 : vector<16xf32>
      %mul3A_661 = arith.mulf %gather3A_655, %gather3A_656 : vector<16xf32>
      %add3A_662 = arith.addf %add3A_652, %mul3A_661 : vector<16xf32>
      %broadcast_in_dim3A_663 = arith.constant 49 : i32
      %broadcast_in_dim3A_664 = vector.broadcast %broadcast_in_dim3A_663 : i32 to vector<16xi32>
      %gather3A_665 = tpu.vector_load_idx %arg9[%add3A_172, %broadcast_in_dim3A_664] : memref<512x64xf32, #tpu.memory_space<vmem>>[vector<16xi32>, vector<16xi32>], vector<16xf32>,
      %gather3A_666 = tpu.vector_load_idx %arg10[%add3A_172, %broadcast_in_dim3A_664] : memref<512x64xf32, #tpu.memory_space<vmem>>[vector<16xi32>, vector<16xi32>], vector<16xf32>,
      %mul3A_667 = arith.mulf %gather3A_665, %gather3A_665 : vector<16xf32>
      %add3A_668 = arith.addf %add3A_658, %mul3A_667 : vector<16xf32>
      %mul3A_669 = arith.mulf %gather3A_666, %gather3A_666 : vector<16xf32>
      %add3A_670 = arith.addf %add3A_660, %mul3A_669 : vector<16xf32>
      %mul3A_671 = arith.mulf %gather3A_665, %gather3A_666 : vector<16xf32>
      %add3A_672 = arith.addf %add3A_662, %mul3A_671 : vector<16xf32>
      %broadcast_in_dim3A_673 = arith.constant 50 : i32
      %broadcast_in_dim3A_674 = vector.broadcast %broadcast_in_dim3A_673 : i32 to vector<16xi32>
      %gather3A_675 = tpu.vector_load_idx %arg9[%add3A_172, %broadcast_in_dim3A_674] : memref<512x64xf32, #tpu.memory_space<vmem>>[vector<16xi32>, vector<16xi32>], vector<16xf32>,
      %gather3A_676 = tpu.vector_load_idx %arg10[%add3A_172, %broadcast_in_dim3A_674] : memref<512x64xf32, #tpu.memory_space<vmem>>[vector<16xi32>, vector<16xi32>], vector<16xf32>,
      %mul3A_677 = arith.mulf %gather3A_675, %gather3A_675 : vector<16xf32>
      %add3A_678 = arith.addf %add3A_668, %mul3A_677 : vector<16xf32>
      %mul3A_679 = arith.mulf %gather3A_676, %gather3A_676 : vector<16xf32>
      %add3A_680 = arith.addf %add3A_670, %mul3A_679 : vector<16xf32>
      %mul3A_681 = arith.mulf %gather3A_675, %gather3A_676 : vector<16xf32>
      %add3A_682 = arith.addf %add3A_672, %mul3A_681 : vector<16xf32>
      %broadcast_in_dim3A_683 = arith.constant 51 : i32
      %broadcast_in_dim3A_684 = vector.broadcast %broadcast_in_dim3A_683 : i32 to vector<16xi32>
      %gather3A_685 = tpu.vector_load_idx %arg9[%add3A_172, %broadcast_in_dim3A_684] : memref<512x64xf32, #tpu.memory_space<vmem>>[vector<16xi32>, vector<16xi32>], vector<16xf32>,
      %gather3A_686 = tpu.vector_load_idx %arg10[%add3A_172, %broadcast_in_dim3A_684] : memref<512x64xf32, #tpu.memory_space<vmem>>[vector<16xi32>, vector<16xi32>], vector<16xf32>,
      %mul3A_687 = arith.mulf %gather3A_685, %gather3A_685 : vector<16xf32>
      %add3A_688 = arith.addf %add3A_678, %mul3A_687 : vector<16xf32>
      %mul3A_689 = arith.mulf %gather3A_686, %gather3A_686 : vector<16xf32>
      %add3A_690 = arith.addf %add3A_680, %mul3A_689 : vector<16xf32>
      %mul3A_691 = arith.mulf %gather3A_685, %gather3A_686 : vector<16xf32>
      %add3A_692 = arith.addf %add3A_682, %mul3A_691 : vector<16xf32>
      %broadcast_in_dim3A_693 = arith.constant 52 : i32
      %broadcast_in_dim3A_694 = vector.broadcast %broadcast_in_dim3A_693 : i32 to vector<16xi32>
      %gather3A_695 = tpu.vector_load_idx %arg9[%add3A_172, %broadcast_in_dim3A_694] : memref<512x64xf32, #tpu.memory_space<vmem>>[vector<16xi32>, vector<16xi32>], vector<16xf32>,
      %gather3A_696 = tpu.vector_load_idx %arg10[%add3A_172, %broadcast_in_dim3A_694] : memref<512x64xf32, #tpu.memory_space<vmem>>[vector<16xi32>, vector<16xi32>], vector<16xf32>,
      %mul3A_697 = arith.mulf %gather3A_695, %gather3A_695 : vector<16xf32>
      %add3A_698 = arith.addf %add3A_688, %mul3A_697 : vector<16xf32>
      %mul3A_699 = arith.mulf %gather3A_696, %gather3A_696 : vector<16xf32>
      %add3A_700 = arith.addf %add3A_690, %mul3A_699 : vector<16xf32>
      %mul3A_701 = arith.mulf %gather3A_695, %gather3A_696 : vector<16xf32>
      %add3A_702 = arith.addf %add3A_692, %mul3A_701 : vector<16xf32>
      %broadcast_in_dim3A_703 = arith.constant 53 : i32
      %broadcast_in_dim3A_704 = vector.broadcast %broadcast_in_dim3A_703 : i32 to vector<16xi32>
      %gather3A_705 = tpu.vector_load_idx %arg9[%add3A_172, %broadcast_in_dim3A_704] : memref<512x64xf32, #tpu.memory_space<vmem>>[vector<16xi32>, vector<16xi32>], vector<16xf32>,
      %gather3A_706 = tpu.vector_load_idx %arg10[%add3A_172, %broadcast_in_dim3A_704] : memref<512x64xf32, #tpu.memory_space<vmem>>[vector<16xi32>, vector<16xi32>], vector<16xf32>,
      %mul3A_707 = arith.mulf %gather3A_705, %gather3A_705 : vector<16xf32>
      %add3A_708 = arith.addf %add3A_698, %mul3A_707 : vector<16xf32>
      %mul3A_709 = arith.mulf %gather3A_706, %gather3A_706 : vector<16xf32>
      %add3A_710 = arith.addf %add3A_700, %mul3A_709 : vector<16xf32>
      %mul3A_711 = arith.mulf %gather3A_705, %gather3A_706 : vector<16xf32>
      %add3A_712 = arith.addf %add3A_702, %mul3A_711 : vector<16xf32>
      %broadcast_in_dim3A_713 = arith.constant 54 : i32
      %broadcast_in_dim3A_714 = vector.broadcast %broadcast_in_dim3A_713 : i32 to vector<16xi32>
      %gather3A_715 = tpu.vector_load_idx %arg9[%add3A_172, %broadcast_in_dim3A_714] : memref<512x64xf32, #tpu.memory_space<vmem>>[vector<16xi32>, vector<16xi32>], vector<16xf32>,
      %gather3A_716 = tpu.vector_load_idx %arg10[%add3A_172, %broadcast_in_dim3A_714] : memref<512x64xf32, #tpu.memory_space<vmem>>[vector<16xi32>, vector<16xi32>], vector<16xf32>,
      %mul3A_717 = arith.mulf %gather3A_715, %gather3A_715 : vector<16xf32>
      %add3A_718 = arith.addf %add3A_708, %mul3A_717 : vector<16xf32>
      %mul3A_719 = arith.mulf %gather3A_716, %gather3A_716 : vector<16xf32>
      %add3A_720 = arith.addf %add3A_710, %mul3A_719 : vector<16xf32>
      %mul3A_721 = arith.mulf %gather3A_715, %gather3A_716 : vector<16xf32>
      %add3A_722 = arith.addf %add3A_712, %mul3A_721 : vector<16xf32>
      %broadcast_in_dim3A_723 = arith.constant 55 : i32
      %broadcast_in_dim3A_724 = vector.broadcast %broadcast_in_dim3A_723 : i32 to vector<16xi32>
      %gather3A_725 = tpu.vector_load_idx %arg9[%add3A_172, %broadcast_in_dim3A_724] : memref<512x64xf32, #tpu.memory_space<vmem>>[vector<16xi32>, vector<16xi32>], vector<16xf32>,
      %gather3A_726 = tpu.vector_load_idx %arg10[%add3A_172, %broadcast_in_dim3A_724] : memref<512x64xf32, #tpu.memory_space<vmem>>[vector<16xi32>, vector<16xi32>], vector<16xf32>,
      %mul3A_727 = arith.mulf %gather3A_725, %gather3A_725 : vector<16xf32>
      %add3A_728 = arith.addf %add3A_718, %mul3A_727 : vector<16xf32>
      %mul3A_729 = arith.mulf %gather3A_726, %gather3A_726 : vector<16xf32>
      %add3A_730 = arith.addf %add3A_720, %mul3A_729 : vector<16xf32>
      %mul3A_731 = arith.mulf %gather3A_725, %gather3A_726 : vector<16xf32>
      %add3A_732 = arith.addf %add3A_722, %mul3A_731 : vector<16xf32>
      %broadcast_in_dim3A_733 = arith.constant 56 : i32
      %broadcast_in_dim3A_734 = vector.broadcast %broadcast_in_dim3A_733 : i32 to vector<16xi32>
      %gather3A_735 = tpu.vector_load_idx %arg9[%add3A_172, %broadcast_in_dim3A_734] : memref<512x64xf32, #tpu.memory_space<vmem>>[vector<16xi32>, vector<16xi32>], vector<16xf32>,
      %gather3A_736 = tpu.vector_load_idx %arg10[%add3A_172, %broadcast_in_dim3A_734] : memref<512x64xf32, #tpu.memory_space<vmem>>[vector<16xi32>, vector<16xi32>], vector<16xf32>,
      %mul3A_737 = arith.mulf %gather3A_735, %gather3A_735 : vector<16xf32>
      %add3A_738 = arith.addf %add3A_728, %mul3A_737 : vector<16xf32>
      %mul3A_739 = arith.mulf %gather3A_736, %gather3A_736 : vector<16xf32>
      %add3A_740 = arith.addf %add3A_730, %mul3A_739 : vector<16xf32>
      %mul3A_741 = arith.mulf %gather3A_735, %gather3A_736 : vector<16xf32>
      %add3A_742 = arith.addf %add3A_732, %mul3A_741 : vector<16xf32>
      %broadcast_in_dim3A_743 = arith.constant 57 : i32
      %broadcast_in_dim3A_744 = vector.broadcast %broadcast_in_dim3A_743 : i32 to vector<16xi32>
      %gather3A_745 = tpu.vector_load_idx %arg9[%add3A_172, %broadcast_in_dim3A_744] : memref<512x64xf32, #tpu.memory_space<vmem>>[vector<16xi32>, vector<16xi32>], vector<16xf32>,
      %gather3A_746 = tpu.vector_load_idx %arg10[%add3A_172, %broadcast_in_dim3A_744] : memref<512x64xf32, #tpu.memory_space<vmem>>[vector<16xi32>, vector<16xi32>], vector<16xf32>,
      %mul3A_747 = arith.mulf %gather3A_745, %gather3A_745 : vector<16xf32>
      %add3A_748 = arith.addf %add3A_738, %mul3A_747 : vector<16xf32>
      %mul3A_749 = arith.mulf %gather3A_746, %gather3A_746 : vector<16xf32>
      %add3A_750 = arith.addf %add3A_740, %mul3A_749 : vector<16xf32>
      %mul3A_751 = arith.mulf %gather3A_745, %gather3A_746 : vector<16xf32>
      %add3A_752 = arith.addf %add3A_742, %mul3A_751 : vector<16xf32>
      %broadcast_in_dim3A_753 = arith.constant 58 : i32
      %broadcast_in_dim3A_754 = vector.broadcast %broadcast_in_dim3A_753 : i32 to vector<16xi32>
      %gather3A_755 = tpu.vector_load_idx %arg9[%add3A_172, %broadcast_in_dim3A_754] : memref<512x64xf32, #tpu.memory_space<vmem>>[vector<16xi32>, vector<16xi32>], vector<16xf32>,
      %gather3A_756 = tpu.vector_load_idx %arg10[%add3A_172, %broadcast_in_dim3A_754] : memref<512x64xf32, #tpu.memory_space<vmem>>[vector<16xi32>, vector<16xi32>], vector<16xf32>,
      %mul3A_757 = arith.mulf %gather3A_755, %gather3A_755 : vector<16xf32>
      %add3A_758 = arith.addf %add3A_748, %mul3A_757 : vector<16xf32>
      %mul3A_759 = arith.mulf %gather3A_756, %gather3A_756 : vector<16xf32>
      %add3A_760 = arith.addf %add3A_750, %mul3A_759 : vector<16xf32>
      %mul3A_761 = arith.mulf %gather3A_755, %gather3A_756 : vector<16xf32>
      %add3A_762 = arith.addf %add3A_752, %mul3A_761 : vector<16xf32>
      %broadcast_in_dim3A_763 = arith.constant 59 : i32
      %broadcast_in_dim3A_764 = vector.broadcast %broadcast_in_dim3A_763 : i32 to vector<16xi32>
      %gather3A_765 = tpu.vector_load_idx %arg9[%add3A_172, %broadcast_in_dim3A_764] : memref<512x64xf32, #tpu.memory_space<vmem>>[vector<16xi32>, vector<16xi32>], vector<16xf32>,
      %gather3A_766 = tpu.vector_load_idx %arg10[%add3A_172, %broadcast_in_dim3A_764] : memref<512x64xf32, #tpu.memory_space<vmem>>[vector<16xi32>, vector<16xi32>], vector<16xf32>,
      %mul3A_767 = arith.mulf %gather3A_765, %gather3A_765 : vector<16xf32>
      %add3A_768 = arith.addf %add3A_758, %mul3A_767 : vector<16xf32>
      %mul3A_769 = arith.mulf %gather3A_766, %gather3A_766 : vector<16xf32>
      %add3A_770 = arith.addf %add3A_760, %mul3A_769 : vector<16xf32>
      %mul3A_771 = arith.mulf %gather3A_765, %gather3A_766 : vector<16xf32>
      %add3A_772 = arith.addf %add3A_762, %mul3A_771 : vector<16xf32>
      %broadcast_in_dim3A_773 = arith.constant 60 : i32
      %broadcast_in_dim3A_774 = vector.broadcast %broadcast_in_dim3A_773 : i32 to vector<16xi32>
      %gather3A_775 = tpu.vector_load_idx %arg9[%add3A_172, %broadcast_in_dim3A_774] : memref<512x64xf32, #tpu.memory_space<vmem>>[vector<16xi32>, vector<16xi32>], vector<16xf32>,
      %gather3A_776 = tpu.vector_load_idx %arg10[%add3A_172, %broadcast_in_dim3A_774] : memref<512x64xf32, #tpu.memory_space<vmem>>[vector<16xi32>, vector<16xi32>], vector<16xf32>,
      %mul3A_777 = arith.mulf %gather3A_775, %gather3A_775 : vector<16xf32>
      %add3A_778 = arith.addf %add3A_768, %mul3A_777 : vector<16xf32>
      %mul3A_779 = arith.mulf %gather3A_776, %gather3A_776 : vector<16xf32>
      %add3A_780 = arith.addf %add3A_770, %mul3A_779 : vector<16xf32>
      %mul3A_781 = arith.mulf %gather3A_775, %gather3A_776 : vector<16xf32>
      %add3A_782 = arith.addf %add3A_772, %mul3A_781 : vector<16xf32>
      %broadcast_in_dim3A_783 = arith.constant 61 : i32
      %broadcast_in_dim3A_784 = vector.broadcast %broadcast_in_dim3A_783 : i32 to vector<16xi32>
      %gather3A_785 = tpu.vector_load_idx %arg9[%add3A_172, %broadcast_in_dim3A_784] : memref<512x64xf32, #tpu.memory_space<vmem>>[vector<16xi32>, vector<16xi32>], vector<16xf32>,
      %gather3A_786 = tpu.vector_load_idx %arg10[%add3A_172, %broadcast_in_dim3A_784] : memref<512x64xf32, #tpu.memory_space<vmem>>[vector<16xi32>, vector<16xi32>], vector<16xf32>,
      %mul3A_787 = arith.mulf %gather3A_785, %gather3A_785 : vector<16xf32>
      %add3A_788 = arith.addf %add3A_778, %mul3A_787 : vector<16xf32>
      %mul3A_789 = arith.mulf %gather3A_786, %gather3A_786 : vector<16xf32>
      %add3A_790 = arith.addf %add3A_780, %mul3A_789 : vector<16xf32>
      %mul3A_791 = arith.mulf %gather3A_785, %gather3A_786 : vector<16xf32>
      %add3A_792 = arith.addf %add3A_782, %mul3A_791 : vector<16xf32>
      %broadcast_in_dim3A_793 = arith.constant 62 : i32
      %broadcast_in_dim3A_794 = vector.broadcast %broadcast_in_dim3A_793 : i32 to vector<16xi32>
      %gather3A_795 = tpu.vector_load_idx %arg9[%add3A_172, %broadcast_in_dim3A_794] : memref<512x64xf32, #tpu.memory_space<vmem>>[vector<16xi32>, vector<16xi32>], vector<16xf32>,
      %gather3A_796 = tpu.vector_load_idx %arg10[%add3A_172, %broadcast_in_dim3A_794] : memref<512x64xf32, #tpu.memory_space<vmem>>[vector<16xi32>, vector<16xi32>], vector<16xf32>,
      %mul3A_797 = arith.mulf %gather3A_795, %gather3A_795 : vector<16xf32>
      %add3A_798 = arith.addf %add3A_788, %mul3A_797 : vector<16xf32>
      %mul3A_799 = arith.mulf %gather3A_796, %gather3A_796 : vector<16xf32>
      %add3A_800 = arith.addf %add3A_790, %mul3A_799 : vector<16xf32>
      %mul3A_801 = arith.mulf %gather3A_795, %gather3A_796 : vector<16xf32>
      %add3A_802 = arith.addf %add3A_792, %mul3A_801 : vector<16xf32>
      %broadcast_in_dim3A_803 = arith.constant 63 : i32
      %broadcast_in_dim3A_804 = vector.broadcast %broadcast_in_dim3A_803 : i32 to vector<16xi32>
      %gather3A_805 = tpu.vector_load_idx %arg9[%add3A_172, %broadcast_in_dim3A_804] : memref<512x64xf32, #tpu.memory_space<vmem>>[vector<16xi32>, vector<16xi32>], vector<16xf32>,
      %gather3A_806 = tpu.vector_load_idx %arg10[%add3A_172, %broadcast_in_dim3A_804] : memref<512x64xf32, #tpu.memory_space<vmem>>[vector<16xi32>, vector<16xi32>], vector<16xf32>,
      %mul3A_807 = arith.mulf %gather3A_805, %gather3A_805 : vector<16xf32>
      %add3A_808 = arith.addf %add3A_798, %mul3A_807 : vector<16xf32>
      %mul3A_809 = arith.mulf %gather3A_806, %gather3A_806 : vector<16xf32>
      %add3A_810 = arith.addf %add3A_800, %mul3A_809 : vector<16xf32>
      %mul3A_811 = arith.mulf %gather3A_805, %gather3A_806 : vector<16xf32>
      %add3A_812 = arith.addf %add3A_802, %mul3A_811 : vector<16xf32>
      %max3A = arith.constant 9.99999982E-15 : f32
      %max3A_813 = vector.broadcast %max3A : f32 to vector<16xf32>
      %max3A_814 = arith.maximumf %add3A_808, %max3A_813 : vector<16xf32>
      %bitcast3A = vector.bitcast %max3A_814 : vector<16xf32> to vector<16xi32>
      %shift_right_arithmetic3A = arith.constant 1 : i32
      %shift_right_arithmetic3A_815 = vector.broadcast %shift_right_arithmetic3A : i32 to vector<16xi32>
      %shift_right_arithmetic3A_816 = arith.shrsi %bitcast3A, %shift_right_arithmetic3A_815 : vector<16xi32>
      %sub3A = arith.constant 1597463007 : i32
      %sub3A_817 = vector.broadcast %sub3A : i32 to vector<16xi32>
      %sub3A_818 = arith.subi %sub3A_817, %shift_right_arithmetic3A_816 : vector<16xi32>
      %bitcast3A_819 = vector.bitcast %sub3A_818 : vector<16xi32> to vector<16xf32>
      %mul3A_820 = arith.constant 5.000000e-01 : f32
      %mul3A_821 = vector.broadcast %mul3A_820 : f32 to vector<16xf32>
      %mul3A_822 = arith.mulf %mul3A_821, %max3A_814 : vector<16xf32>
      %mul3A_823 = arith.mulf %mul3A_822, %bitcast3A_819 : vector<16xf32>
      %mul3A_824 = arith.mulf %mul3A_823, %bitcast3A_819 : vector<16xf32>
      %sub3A_825 = arith.constant 1.500000e+00 : f32
      %sub3A_826 = vector.broadcast %sub3A_825 : f32 to vector<16xf32>
      %sub3A_827 = arith.subf %sub3A_826, %mul3A_824 : vector<16xf32>
      %mul3A_828 = arith.mulf %bitcast3A_819, %sub3A_827 : vector<16xf32>
      %mul3A_829 = arith.constant 5.000000e-01 : f32
      %mul3A_830 = vector.broadcast %mul3A_829 : f32 to vector<16xf32>
      %mul3A_831 = arith.mulf %mul3A_830, %max3A_814 : vector<16xf32>
      %mul3A_832 = arith.mulf %mul3A_831, %mul3A_828 : vector<16xf32>
      %mul3A_833 = arith.mulf %mul3A_832, %mul3A_828 : vector<16xf32>
      %sub3A_834 = arith.constant 1.500000e+00 : f32
      %sub3A_835 = vector.broadcast %sub3A_834 : f32 to vector<16xf32>
      %sub3A_836 = arith.subf %sub3A_835, %mul3A_833 : vector<16xf32>
      %mul3A_837 = arith.mulf %mul3A_828, %sub3A_836 : vector<16xf32>
      %mul3A_838 = arith.constant 5.000000e-01 : f32
      %mul3A_839 = vector.broadcast %mul3A_838 : f32 to vector<16xf32>
      %mul3A_840 = arith.mulf %mul3A_839, %max3A_814 : vector<16xf32>
      %mul3A_841 = arith.mulf %mul3A_840, %mul3A_837 : vector<16xf32>
      %mul3A_842 = arith.mulf %mul3A_841, %mul3A_837 : vector<16xf32>
      %sub3A_843 = arith.constant 1.500000e+00 : f32
      %sub3A_844 = vector.broadcast %sub3A_843 : f32 to vector<16xf32>
      %sub3A_845 = arith.subf %sub3A_844, %mul3A_842 : vector<16xf32>
      %mul3A_846 = arith.mulf %mul3A_837, %sub3A_845 : vector<16xf32>
      %min3A = arith.constant 1.000000e+00 : f32
      %min3A_847 = vector.broadcast %min3A : f32 to vector<16xf32>
      %min3A_848 = arith.minimumf %min3A_847, %mul3A_846 : vector<16xf32>
      %mul3A_849 = arith.mulf %add3A_812, %min3A_848 : vector<16xf32>
      %max3A_850 = arith.constant 9.99999982E-15 : f32
      %max3A_851 = vector.broadcast %max3A_850 : f32 to vector<16xf32>
      %max3A_852 = arith.maximumf %add3A_810, %max3A_851 : vector<16xf32>
      %bitcast3A_853 = vector.bitcast %max3A_852 : vector<16xf32> to vector<16xi32>
      %shift_right_arithmetic3A_854 = arith.constant 1 : i32
      %shift_right_arithmetic3A_855 = vector.broadcast %shift_right_arithmetic3A_854 : i32 to vector<16xi32>
      %shift_right_arithmetic3A_856 = arith.shrsi %bitcast3A_853, %shift_right_arithmetic3A_855 : vector<16xi32>
      %sub3A_857 = arith.constant 1597463007 : i32
      %sub3A_858 = vector.broadcast %sub3A_857 : i32 to vector<16xi32>
      %sub3A_859 = arith.subi %sub3A_858, %shift_right_arithmetic3A_856 : vector<16xi32>
      %bitcast3A_860 = vector.bitcast %sub3A_859 : vector<16xi32> to vector<16xf32>
      %mul3A_861 = arith.constant 5.000000e-01 : f32
      %mul3A_862 = vector.broadcast %mul3A_861 : f32 to vector<16xf32>
      %mul3A_863 = arith.mulf %mul3A_862, %max3A_852 : vector<16xf32>
      %mul3A_864 = arith.mulf %mul3A_863, %bitcast3A_860 : vector<16xf32>
      %mul3A_865 = arith.mulf %mul3A_864, %bitcast3A_860 : vector<16xf32>
      %sub3A_866 = arith.constant 1.500000e+00 : f32
      %sub3A_867 = vector.broadcast %sub3A_866 : f32 to vector<16xf32>
      %sub3A_868 = arith.subf %sub3A_867, %mul3A_865 : vector<16xf32>
      %mul3A_869 = arith.mulf %bitcast3A_860, %sub3A_868 : vector<16xf32>
      %mul3A_870 = arith.constant 5.000000e-01 : f32
      %mul3A_871 = vector.broadcast %mul3A_870 : f32 to vector<16xf32>
      %mul3A_872 = arith.mulf %mul3A_871, %max3A_852 : vector<16xf32>
      %mul3A_873 = arith.mulf %mul3A_872, %mul3A_869 : vector<16xf32>
      %mul3A_874 = arith.mulf %mul3A_873, %mul3A_869 : vector<16xf32>
      %sub3A_875 = arith.constant 1.500000e+00 : f32
      %sub3A_876 = vector.broadcast %sub3A_875 : f32 to vector<16xf32>
      %sub3A_877 = arith.subf %sub3A_876, %mul3A_874 : vector<16xf32>
      %mul3A_878 = arith.mulf %mul3A_869, %sub3A_877 : vector<16xf32>
      %mul3A_879 = arith.constant 5.000000e-01 : f32
      %mul3A_880 = vector.broadcast %mul3A_879 : f32 to vector<16xf32>
      %mul3A_881 = arith.mulf %mul3A_880, %max3A_852 : vector<16xf32>
      %mul3A_882 = arith.mulf %mul3A_881, %mul3A_878 : vector<16xf32>
      %mul3A_883 = arith.mulf %mul3A_882, %mul3A_878 : vector<16xf32>
      %sub3A_884 = arith.constant 1.500000e+00 : f32
      %sub3A_885 = vector.broadcast %sub3A_884 : f32 to vector<16xf32>
      %sub3A_886 = arith.subf %sub3A_885, %mul3A_883 : vector<16xf32>
      %mul3A_887 = arith.mulf %mul3A_878, %sub3A_886 : vector<16xf32>
      %min3A_888 = arith.constant 1.000000e+00 : f32
      %min3A_889 = vector.broadcast %min3A_888 : f32 to vector<16xf32>
      %min3A_890 = arith.minimumf %min3A_889, %mul3A_887 : vector<16xf32>
      %mul3A_891 = arith.mulf %mul3A_849, %min3A_890 : vector<16xf32>
      %neg3A = arith.constant 0.000000e+00 : f32
      %neg3A_892 = vector.broadcast %neg3A : f32 to vector<16xf32>
      %neg3A_893 = arith.subf %neg3A_892, %mul3A_891 : vector<16xf32>
      %exp3A = math.exp %neg3A_893 : vector<16xf32>
      %add3A_894 = arith.constant 1.000000e+00 : f32
      %add3A_895 = vector.broadcast %add3A_894 : f32 to vector<16xf32>
      %add3A_896 = arith.addf %add3A_895, %exp3A : vector<16xf32>
      %div3A = arith.constant 1.000000e+00 : f32
      %div3A_897 = vector.broadcast %div3A : f32 to vector<16xf32>
      %div3A_898 = arith.divf %div3A_897, %add3A_896 : vector<16xf32>
      %mul3A_899 = arith.constant 16 : i32
      %mul3A_900 = arith.muli %scan3A_168, %mul3A_899 : i32
      %swap3A = arith.index_cast %mul3A_900 : i32 to index
      %swap3A_901 = tpu.vector_load %arg11[%swap3A] {strides = array<i32>} : memref<512xf32, #tpu.memory_space<vmem>>, vector<16xf32>,
      tpu.vector_store %arg11[%swap3A], %div3A_898 {strides = array<i32>} : memref<512xf32, #tpu.memory_space<vmem>>, vector<16xf32>,
    }
    %scan3A_165 = arith.constant 32 : i32
    %mul3A_166 = arith.constant 512 : i32
    %mul3A_167 = arith.muli %add3A, %mul3A_166 : i32
    "tpu.region"() ({
      %run_scoped3A = tpu.sem_alloc : memref<!tpu.dma_semaphore, #tpu.memory_space<semaphore_mem>>
      %dma_start3A_168 = tpu.memref_slice %arg6[%mul3A_167] : memref<16384xf32, #tpu.memory_space<hbm>> -> memref<512xf32, #tpu.memory_space<hbm>>
      %dma_start3A_169 = tpu.memref_slice %arg6[%mul3A_167] : memref<16384xf32, #tpu.memory_space<hbm>> -> memref<512xf32, #tpu.memory_space<hbm>>
      tpu.enqueue_dma source(%arg11 : memref<512xf32, #tpu.memory_space<vmem>>) target(%dma_start3A_169 : memref<512xf32, #tpu.memory_space<hbm>>) target_semaphore(%run_scoped3A : memref<!tpu.dma_semaphore, #tpu.memory_space<semaphore_mem>>)
      %dma_wait3A_170 = tpu.memref_slice %arg6[%mul3A_167] : memref<16384xf32, #tpu.memory_space<hbm>> -> memref<512xf32, #tpu.memory_space<hbm>>
      %dma_wait3A_171 = tpu.memref_slice %arg6[%mul3A_167] : memref<16384xf32, #tpu.memory_space<hbm>> -> memref<512xf32, #tpu.memory_space<hbm>>
      tpu.wait_dma2 semaphore(%run_scoped3A : memref<!tpu.dma_semaphore, #tpu.memory_space<semaphore_mem>>) src(%arg11 : memref<512xf32, #tpu.memory_space<vmem>>) dst(%dma_wait3A_171 : memref<512xf32, #tpu.memory_space<hbm>>)
      tpu.yield
    }) : () -> ()
    return
  }
}

</mosaic_0001>

<sc_bundles>
// kernel: kernel.3.cloned.1.call-start
scs
__scs_entry_jumppad:
0x0: {  	(pc) =	sbr.rel $0x88, $3  }
0x1: {  	(tag) =	ssettag $0x0;
	lr =	simm.s32 $0x1  }
0x2: {  	[smem:$0x3F9D] =	sst lr;
	_ =	strace $0xD0000000  }
0x3: {  	_ = 	snop  }
0x4: {  	_ = 	snop  }
0x5: {  	_ = 	snop  }
0x6: {  	_ = 	snop  }
0x7: {  	_ = 	snop  }
__scs_overlays_trampoline_lowered:
0x8: {  	[smem:$0x3FAC] =	sst s0  }
0x9: {  	[smem:$0x3FAD] =	sst s1  }
0xa: {  	[smem:$0x3FAE] =	sst s2  }
0xb: {  	[smem:$0x3FAF] =	sst s3  }
0xc: {  	[smem:$0x3FB0] =	sst s4  }
0xd: {  	[smem:$0x3FB1] =	sst s5  }
0xe: {  	[smem:$0x3FB2] =	sst s6  }
0xf: {  	[smem:$0x3FB3] =	sst s7  }
0x10: {  	[smem:$0x3FB4] =	sst s8  }
0x11: {  	[smem:$0x3FB5] =	sst s9;
	s0 =	simm.s32 @!p0 $0x0  }
0x12: {  	s1 =	sld [smem:$0x3F9B];
	s0 =	simm.s32 @p0 $0x1  }
0x13: {  	[smem:$0x3FB6] =	sst s0;
	s0 =	simm.s32 @!p1 $0x0  }
0x14: {  	s2 =	sld [smem:$0x3F9A];
	s0 =	simm.s32 @p1 $0x1  }
0x15: {  	[smem:$0x3FB7] =	sst s0;
	s0 =	simm.s32 @!p2 $0x0  }
0x16: {  	s3 =	sld [smem:$0x3FDB];
	s0 =	simm.s32 @p2 $0x1  }
0x17: {  	s4 =	simm.s32 $0x1BF5;
	[smem:$0x3FB9] =	sst s0  }
0x18: {  	s0 =	sld [smem:$0x3F9C];
	_ =	swait.ge [sflag:s4], $0x0  }
0x19: {  	s7 =	sld [smem:$0x3F9D]  }
0x1a: {  	s8 =	sadd.s32 $0xFFFFE003, lr  }
0x1b: {  	s9 =	sadd.s32 $0xFFFFFEF7, lr;
	s5 =	simm.s32 $0xFFFFFFFF;
	p2 =	slt.u32 s8, $0xFFFFF086  }
0x1c: {  	p1 =	slt.u32 s9, $0xF7A;
	s5 =	simm.s32 @!p2 $0x0  }
0x1d: {  	s5 =	simm.s32 @p1 $0x1;
	p0 =	seq.s32 s7, s2  }
0x1e: {  	s7 =	smul.u32 @!p0 $0xF7A, s2;
	p2 =	seq.s32 @!p0 s5, $0x0  }
0x1f: {  	s9 =	smul.u32 $0xF7A, s1;
	s8 =	simm.s32 @!p0 $0x1BF5;
	p2 =	por !p2, p0  }
0x20: {  	[sflag:s8] =	ssyncset.s32 @!p0 $0xFFFFF086;
	s6 =	sadd.s32 @!p0 s3, s7;
	s7 =	simm.s32 @!p0 $0x108  }
0x21: {  	s3 =	sadd.s32 s3, s9;
	s6 =	sadd.s32 @!p0 $0x88, s6;
	s7 =	simm.s32 @p2 $0x1082  }
0x22: {  	[simem:s7], [sflag:s8] =	dma.local @!p0 [hbm:s6], $0xF7A  }
0x23: {  	s9 =	sor.u32 $0xD0000000, s2;
	s6 =	simm.s32 $0x108;
	_ =	swait.ge @!p0 [sflag:s8], $0x0  }
0x24: {  	s3 =	sadd.s32 $0x88, s3;
	s6 =	simm.s32 @!p1 $0x1082;
	[sflag:s4] =	ssyncset.s32 $0xFFFFF086  }
0x25: {  	[simem:s6], [sflag:s4] =	dma.local [hbm:s3], $0xF7A  }
0x26: {  	[smem:$0x3F9D] =	sst s1;
	(tag) =	ssettag s2;
	_ =	strace s9  }
0x27: {  	s1 =	sld [smem:$0x3FAD]  }
0x28: {  	s2 =	sld [smem:$0x3FAE]  }
0x29: {  	s4 =	sld [smem:$0x3FB0]  }
0x2a: {  	p0 =	seq.s32 s5, $0x0;
	s5 =	sld [smem:$0x3FB1]  }
0x2b: {  	s6 =	sld [smem:$0x3FB2]  }
0x2c: {  	s7 =	sld [smem:$0x3FB3]  }
0x2d: {  	s3 =	simm.s32 $0x108;
	s8 =	sld [smem:$0x3FB4]  }
0x2e: {  	s3 =	simm.s32 @!p0 $0x1082;
	s9 =	sld [smem:$0x3FB5]  }
0x2f: {  	lr =	sadd.s32 s0, s3;
	s0 =	sld [smem:$0x3FAC]  }
0x30: {  	s3 =	sld [smem:$0x3FAF]  }
0x31: {  	[smem:$0x3FB8] =	sst s10  }
0x32: {  	s10 =	sld [smem:$0x3FB6];
	_ =	sdelay $0x3  }
0x33: {  	p0 =	seq.s32 s10, $0x1;
	s10 =	sld [smem:$0x3FB8];
	_ =	sdelay $0x3  }
0x34: {  	[smem:$0x3FB8] =	sst s10  }
0x35: {  	s10 =	sld [smem:$0x3FB7];
	_ =	sdelay $0x3  }
0x36: {  	p1 =	seq.s32 s10, $0x1;
	s10 =	sld [smem:$0x3FB8];
	_ =	sdelay $0x3  }
0x37: {  	[smem:$0x3FB8] =	sst s10  }
0x38: {  	s10 =	sld [smem:$0x3FB9]  }
0x39: {  	_ = 	snop;
	(pc) =	sbr.ind lr, $3  }
0x3a: {  	_ = 	snop  }
0x3b: {  	_ = 	snop  }
0x3c: {  	p2 =	seq.s32 s10, $0x1;
	s10 =	sld [smem:$0x3FB8]  }
0x3d: {  	_ =	shalt  }
0x3e: {  	_ =	shalt  }
0x3f: {  	_ =	shalt  }
0x40: {  	_ =	shalt  }
0x41: {  	_ =	shalt  }
0x42: {  	_ =	shalt  }
0x43: {  	_ =	shalt  }
0x44: {  	_ =	shalt  }
0x45: {  	_ =	shalt  }
0x46: {  	_ =	shalt  }
0x47: {  	_ =	shalt  }
0x48: {  	_ =	shalt  }
0x49: {  	_ =	shalt  }
0x4a: {  	_ =	shalt  }
0x4b: {  	_ =	shalt  }
0x4c: {  	_ =	shalt  }
0x4d: {  	_ =	shalt  }
0x4e: {  	_ =	shalt  }
0x4f: {  	_ =	shalt  }
0x50: {  	_ =	shalt  }
0x51: {  	_ =	shalt  }
0x52: {  	_ =	shalt  }
0x53: {  	_ =	shalt  }
0x54: {  	_ =	shalt  }
0x55: {  	_ =	shalt  }
0x56: {  	_ =	shalt  }
0x57: {  	_ =	shalt  }
0x58: {  	_ =	shalt  }
0x59: {  	_ =	shalt  }
0x5a: {  	_ =	shalt  }
0x5b: {  	_ =	shalt  }
0x5c: {  	_ =	shalt  }
0x5d: {  	_ =	shalt  }
0x5e: {  	_ =	shalt  }
0x5f: {  	_ =	shalt  }
0x60: {  	_ =	shalt  }
0x61: {  	_ =	shalt  }
0x62: {  	_ =	shalt  }
0x63: {  	_ =	shalt  }
0x64: {  	_ =	shalt  }
0x65: {  	_ =	shalt  }
0x66: {  	_ =	shalt  }
0x67: {  	_ =	shalt  }
0x68: {  	_ =	shalt  }
0x69: {  	_ =	shalt  }
0x6a: {  	_ =	shalt  }
0x6b: {  	_ =	shalt  }
0x6c: {  	_ =	shalt  }
0x6d: {  	_ =	shalt  }
0x6e: {  	_ =	shalt  }
0x6f: {  	_ =	shalt  }
0x70: {  	_ =	shalt  }
0x71: {  	_ =	shalt  }
0x72: {  	_ =	shalt  }
0x73: {  	_ =	shalt  }
0x74: {  	_ =	shalt  }
0x75: {  	_ =	shalt  }
0x76: {  	_ =	shalt  }
0x77: {  	_ =	shalt  }
0x78: {  	_ =	shalt  }
0x79: {  	_ =	shalt  }
0x7a: {  	_ =	shalt  }
0x7b: {  	_ =	shalt  }
0x7c: {  	_ =	shalt  }
0x7d: {  	_ =	shalt  }
0x7e: {  	_ =	shalt  }
0x7f: {  	_ =	shalt  }
0x80: {  	_ =	shalt  }
0x81: {  	_ =	shalt  }
0x82: {  	_ =	shalt  }
0x83: {  	_ =	shalt  }
0x84: {  	_ =	shalt  }
0x85: {  	_ =	shalt  }
0x86: {  	_ =	shalt  }
0x87: {  	_ =	shalt  }
.Lfunc_end0:
.L_simem_size_0:
called_computation_lowered:
.L_overlay_start_0:
0x88: {  	s2 =	sld [smem:$0x3FD9]  }
0x89: {  	s3 =	sld [smem:$0x3FFE];
	_ =	sdelay $0x1  }
0x8a: {  	s1 =	srdreg.scid  }
0x8b: {  	s0 =	sand.u32 $0x1, s1  }
0x8c: {  	s17 =	sshll.u32 s0, $0xA;
	s2 =	sadd.s32 s3, s2  }
0x8d: {  	s2 =	sadd.s32 s2, s17  }
0x8e: {  	[smem:$0x3FC4] =	sst s2  }
0x8f: {  	_ = 	snop  }
0x90: {  	s2 =	sld [smem:$0x3FC9]  }
0x91: {  	s18 =	sld [smem:$0x3FC8]  }
0x92: {  	s4 =	sld [smem:$0x3FD0];
	(tm) =	ssettm $0x1  }
0x93: {  	s5 =	sld [smem:$0x3FFB];
	_ =	sdelay $0x3  }
0x94: {  	_ =	strace s5  }
0x95: {  	s5 =	sld [smem:$0x3FFC];
	_ =	sdelay $0x3  }
0x96: {  	_ =	strace s5  }
0x97: {  	s5 =	sld [smem:$0x3FFD];
	_ =	sdelay $0x3  }
0x98: {  	_ =	strace s5  }
0x99: {  	_ =	strace $0x8FFFFFFF  }
0x9a: {  	s19 =	sld [smem:$0x3FDB];
	_ =	sdelay $0x1  }
0x9b: {  	s6 =	simm.s32 $_scs_section_size  }
0x9c: {  	s7 =	simm.s32 $_size__tile_overlayer_lowered;
	s8 =	simm.s32 $_tile_overlayer_lowered  }
0x9d: {  	s22 =	simm.s32 $0x1BFF;
	s21 =	sshll.u32 s8, $0x1;
	s5 =	sadd.s32 s6, s19  }
0x9e: {  	s9 =	simm.s32 $0x0;
	s20 =	sshll.u32 s7, $0x1;
	s7 =	sadd.s32 s21, s5  }
0x9f: {  	[timem:s9], [sflag:s22] =	dma.local [hbm:s7], s20  }
0xa0: {  	_ =	swait.ge [sflag:s22], s20  }
0xa1: {  	s6 =	ssub.s32 $0x0, s20;
	[sflag:s22] =	ssyncset.done $0x0  }
0xa2: {  	[sflag:s22] =	ssyncadd.s32 s6;
	_ =	sdelay $0x1  }
0xa3: {  	s23 =	simm.s32 $0x1B8B  }
0xa4: {  	_ =	swait.ge [sflag:s23], $0x1  }
0xa5: {  	[sflag:s23] =	ssyncset.done $0x0  }
0xa6: {  	s25 =	simm.s32 $0x1B8E;
	s24 =	sld [smem:$0x3FFE];
	[sflag:s23] =	ssyncadd.s32 $0xFFFFFFFF  }
0xa7: {  	s26 =	simm.s32 $execute0_lowered;
	[smem:$0x3FD2] =	sst s25  }
0xa8: {  	s7 =	sshll.u32 s26, $0x1;
	_ =	strace $0x80000046;
	[dreg:$0x1] =	wrdreg $0xFFFFFFFF  }
0xa9: {  	s28 =	simm.s32 $_size_execute0_lowered;
	s5 =	sadd.s32 s5, s7;
	[dreg:$0x0] =	wrdreg $0x0  }
0xaa: {  	s7 =	sshll.u32 s28, $0x1;
	[dreg:$0x2] =	wrdreg s5  }
0xab: {  	[dreg:$0x3] =	wrdreg s7  }
0xac: {  	[dreg:$0x4] =	wrdreg $0xC0  }
0xad: {  	_ =	task [dreg:s9], $0x5FFFF  }
0xae: {  	[dreg:$0x1] =	wrdreg $0xFFFFFFFF  }
0xaf: {  	[dreg:$0x0] =	wrdreg $0x60  }
0xb0: {  	[dreg:$0x2] =	wrdreg s2  }
0xb1: {  	[dreg:$0x3] =	wrdreg s18  }
0xb2: {  	[dreg:$0x4] =	wrdreg s24  }
0xb3: {  	[dreg:$0x5] =	wrdreg s4  }
0xb4: {  	[dreg:$0x6] =	wrdreg $0x9  }
0xb5: {  	_ =	task.clear_ibuf [dreg:s9], $0x7FFFF;
	_ =	strace $0x90000046  }
0xb6: {  	s29 =	simm.s32 $0x9;
	_ =	strace $0x80000048  }
0xb7: {  	_ =	swait.ge [sflag:s29], $0x1  }
0xb8: {  	[sflag:s29] =	ssyncadd.s32 $0xFFFFFFFF  }
0xb9: {  	_ =	strace $0x90000048  }
0xba: {  	_ =	sfence  }
0xbb: {  	s30 =	sld [smem:$0x0];
	_ =	sdelay $0x2  }
0xbc: {  	s31 =	sshll.u32 s1, $0xD;
	s1 =	sshrl.u32 s1, $0x2  }
0xbd: {  	s3 =	sand.u32 $0x4000, s31;
	s1 =	sadd.s32 s1, s30  }
0xbe: {  	s0 =	sor.u32 s3, s0;
	s1 =	sshll.u32 s1, $0x11  }
0xbf: {  	s0 =	sor.u32 s1, s0  }
0xc0: {  	s0 =	sadd.s32 $0x8F2B, s0  }
0xc1: {  	[sflag:s0] =	ssyncadd.remote.s32 $0x1  }
0xc2: {  	_ =	sfence.sel $0xFFFF  }
0xc3: {  	[dreg:$0x0] =	wrdreg $0xFFFFFFFF;
	(pc) =	sbr.abs _section_cstart, $3  }
0xc4: {  	[dreg:$0x1] =	wrdreg $0xFFFFFFFF  }
0xc5: {  	_ =	task.clear_ibuf [dreg:s9], $0x2FFFF;
	_ =	strace $0x9FFFFFFF  }
0xc6: {  	(tm) =	ssettm $0x7FFFFFFF  }
0xc7: {  	_ =	shalt  }
tec
execute0_lowered:
.L_overlay_start_1:
0x0: {  	(tag) =	ssettag $0x1  }
0x1: {  	s5 =	rddreg [dreg:$0x0]  }
0x2: {  	s6 =	rddreg [dreg:$0x1]  }
0x3: {  	s4 =	rddreg [dreg:$0x2]  }
0x4: {  	s7 =	rddreg [dreg:$0x3]  }
0x5: {  	s0 =	rddreg [dreg:$0x4];
	s1 =	simm.s32 $0x0  }
0x6: {  	s8 =	srdreg.scid;
	s2 =	stileid.u32;
	s12 =	simm.s32 $0x400  }
0x7: {  	s13 =	simm.s32 $0x8400;
	s14 =	simm.s32 $0x2400;
	s15 =	simm.s32 $0x280  }
0x8: {  	s16 =	simm.s32 $0xA400;
	s17 =	simm.s32 $0x100;
	s18 =	simm.s32 $0x4400  }
0x9: {  	s19 =	simm.s32 $0x300;
	s20 =	simm.s32 $0xC400;
	s21 =	simm.s32 $0x180  }
0xa: {  	s22 =	simm.s32 $0x6400;
	s23 =	simm.s32 $0x380;
	s24 =	simm.s32 $0xE400  }
0xb: {  	s25 =	simm.s32 $0x1;
	s26 =	simm.s32 $0x10400;
	s28 =	simm.s32 $0x0  }
0xc: {  	[smem:$0x7FF] =	sst s1;
	s3 =	sadd.s32 $0xF42800, s4;
	s8 =	sand.u32 $0x1, s8  }
0xd: {  	s10 =	sshll.u32 s2, $0x7;
	s4 =	sadd.s32 $0x16E3A00, s4;
	s9 =	ssub.s32 $0x2, s8  }
0xe: {  	v0 =	vlaneseq.u32;
	_ =	strace $0x80000047;
	s8 =	sshll.u32 s8, $0x6;
	s11 =	sshrl.u32 s9, $0x1  }
0xf: {  	v45 =	vmul.u32 $0x40, v0;
	s8 =	sor.u32 s8, s10;
	s10 =	simm.s32 $0x200;
	s9 =	ssub.s32 s9, s11  }
0x10: {  	s5 =	sadd.s32 s5, s8;
	s6 =	sadd.s32 s6, s8;
	s7 =	sadd.s32 s7, s8  }
0x11: {  	[tilespmem:$0x1FFF0] =	vst v45;
	s11 =	simm.s32 $0x80;
	s8 =	smax.u32 s9, $0x1;
	s9 =	simm.s32 $0x2  }
.LBB2_1:
0x12: {  	[tilespmem:s1], [sflag:$0x2] =	stream.linear.gather [hbm4b:s5+s1], $0x200, $0x38;
	[tilespmem:$0x10600] =	vst v63  }
0x13: {  	_ =	swait.ge [sflag:s9], $0x200  }
0x14: {  	[sflag:s9] =	ssyncset.done $0x0  }
0x15: {  	[sflag:s9] =	ssyncadd.s32 $0xFFFFFE00  }
0x16: {  	[tilespmem:s10], [sflag:$0x2] =	stream.linear.gather [hbm4b:s6+s1], $0x200, $0x38;
	[tilespmem:$0x10600] =	vst v63  }
0x17: {  	_ =	swait.ge [sflag:s9], $0x200  }
0x18: {  	[sflag:s9] =	ssyncset.done $0x0  }
0x19: {  	[sflag:s9] =	ssyncadd.s32 $0xFFFFFE00  }
0x1a: {  	[tilespmem:s12], [sflag:$0x1] =	stream.indirect.gather [hbm4b:s3+s11], $0x40, s1, s11, $0xb8;
	[tilespmem:$0x10600] =	vst v63  }
0x1b: {  	_ = 	snop  }
0x1c: {  	[tilespmem:s13], [sflag:$0x1] =	stream.indirect.gather [hbm4b:s4+s11], $0x40, s10, s11, $0xb8;
	[tilespmem:$0x10600] =	vst v63  }
0x1d: {  	_ = 	snop  }
0x1e: {  	[tilespmem:s14], [sflag:$0x1] =	stream.indirect.gather [hbm4b:s3+s11], $0x40, s11, s11, $0xb8;
	[tilespmem:$0x10600] =	vst v63  }
0x1f: {  	_ = 	snop  }
0x20: {  	[tilespmem:s16], [sflag:$0x1] =	stream.indirect.gather [hbm4b:s4+s11], $0x40, s15, s11, $0xb8;
	[tilespmem:$0x10600] =	vst v63  }
0x21: {  	_ = 	snop  }
0x22: {  	[tilespmem:s18], [sflag:$0x1] =	stream.indirect.gather [hbm4b:s3+s11], $0x40, s17, s11, $0xb8;
	[tilespmem:$0x10600] =	vst v63  }
0x23: {  	_ = 	snop  }
0x24: {  	[tilespmem:s20], [sflag:$0x1] =	stream.indirect.gather [hbm4b:s4+s11], $0x40, s19, s11, $0xb8;
	[tilespmem:$0x10600] =	vst v63  }
0x25: {  	_ = 	snop  }
0x26: {  	[tilespmem:s22], [sflag:$0x1] =	stream.indirect.gather [hbm4b:s3+s11], $0x40, s21, s11, $0xb8;
	[tilespmem:$0x10600] =	vst v63  }
0x27: {  	_ = 	snop  }
0x28: {  	[tilespmem:s24], [sflag:$0x1] =	stream.indirect.gather [hbm4b:s4+s11], $0x40, s23, s11, $0xb8;
	[tilespmem:$0x10600] =	vst v63  }
0x29: {  	_ =	swait.ge [sflag:s25], $0x2000  }
0x2a: {  	[sflag:s25] =	ssyncset.done $0x0  }
0x2b: {  	[sflag:s25] =	ssyncadd.s32 $0xFFFFE000  }
0x2c: {  	_ =	swait.ge [sflag:s25], $0x2000  }
0x2d: {  	[sflag:s25] =	ssyncset.done $0x0  }
0x2e: {  	[sflag:s25] =	ssyncadd.s32 $0xFFFFE000  }
0x2f: {  	_ =	swait.ge [sflag:s25], $0x2000  }
0x30: {  	[sflag:s25] =	ssyncset.done $0x0  }
0x31: {  	[sflag:s25] =	ssyncadd.s32 $0xFFFFE000  }
0x32: {  	_ =	swait.ge [sflag:s25], $0x2000  }
0x33: {  	[sflag:s25] =	ssyncset.done $0x0  }
0x34: {  	[sflag:s25] =	ssyncadd.s32 $0xFFFFE000  }
0x35: {  	_ =	swait.ge [sflag:s25], $0x2000  }
0x36: {  	[sflag:s25] =	ssyncset.done $0x0  }
0x37: {  	[sflag:s25] =	ssyncadd.s32 $0xFFFFE000  }
0x38: {  	_ =	swait.ge [sflag:s25], $0x2000  }
0x39: {  	v0 =	vmov s1;
	[sflag:s25] =	ssyncset.done $0x0  }
0x3a: {  	v0 =	vshll.u32 v0, $0x6;
	[sflag:s25] =	ssyncadd.s32 $0xFFFFE000  }
0x3b: {  	v1 =	vor.u32 v45, v0;
	_ =	swait.ge [sflag:s25], $0x2000  }
0x3c: {  	v0 =	vor.u32 $0x1, v1;
	[sflag:s25] =	ssyncset.done $0x0  }
0x3d: {  	[sflag:s25] =	ssyncadd.s32 $0xFFFFE000  }
0x3e: {  	_ =	swait.ge [sflag:s25], $0x2000  }
0x3f: {  	[sflag:s25] =	ssyncset.done $0x0  }
0x40: {  	v2 =	vor.u32 $0x2, v1;
	[sflag:s25] =	ssyncadd.s32 $0xFFFFE000  }
0x41: {  	v3 =	vld.idx.msk [tilespmem:v0+s13+$0x0], $0xffff  }
0x42: {  	v4 =	vor.u32 $0x4, v1;
	v6 =	vld.idx.msk [tilespmem:v0+s12+$0x0], $0xffff  }
0x43: {  	v7 =	vld.idx.msk [tilespmem:v1+s12+$0x0], $0xffff  }
0x44: {  	v48 =	vor.u32 $0x7, v1;
	v8 =	vld.idx.msk [tilespmem:v1+s13+$0x0], $0xffff  }
0x45: {  	v54 =	vor.u32 $0xA, v1;
	v14 =	vld.idx.msk [tilespmem:v2+s12+$0x0], $0xffff  }
0x46: {  	v58 =	vor.u32 $0xD, v1;
	v15 =	vld.idx.msk [tilespmem:v2+s13+$0x0], $0xffff  }
0x47: {  	v0 =	vor.u32 $0x3, v1;
	v24 =	vld.idx.msk [tilespmem:v4+s12+$0x0], $0xffff  }
0x48: {  	v25 =	vld.idx.msk [tilespmem:v4+s13+$0x0], $0xffff  }
0x49: {  	v2 =	vor.u32 $0x5, v1;
	v37 =	vld.idx.msk [tilespmem:v48+s13+$0x0], $0xffff  }
0x4a: {  	v19 =	vor.u32 $0xE, v1;
	v21 =	vor.u32 $0xF, v1;
	v27 =	vld.idx.msk [tilespmem:v54+s13+$0x0], $0xffff  }
0x4b: {  	v40 =	vor.u32 $0x11, v1;
	v29 =	vld.idx.msk [tilespmem:v58+s13+$0x0], $0xffff;
	v5 =	vmul.f32 v7, v7;
	v9 =	vmul.f32 v6, v6  }
0x4c: {  	v41 =	vor.u32 $0x12, v1;
	v22 =	vld.idx.msk [tilespmem:v0+s12+$0x0], $0xffff;
	v10 =	vmul.f32 v8, v8;
	v11 =	vmul.f32 v3, v3  }
0x4d: {  	v23 =	vld.idx.msk [tilespmem:v0+s13+$0x0], $0xffff;
	v0 =	vor.u32 $0x6, v1;
	v49 =	vmul.f32 v14, v14;
	v50 =	vmul.f32 v15, v15  }
0x4e: {  	v63 =	vor.u32 $0x13, v1;
	v33 =	vld.idx.msk [tilespmem:v2+s12+$0x0], $0xffff;
	v12 =	vmul.f32 v24, v24;
	v53 =	vmul.f32 v25, v25  }
0x4f: {  	v34 =	vld.idx.msk [tilespmem:v2+s13+$0x0], $0xffff;
	v2 =	vor.u32 $0x8, v1;
	v18 =	vmul.f32 v37, v37;
	v7 =	vmul.f32 v8, v7  }
0x50: {  	v6 =	vmul.f32 v3, v6;
	v3 =	vld.idx.msk [tilespmem:v40+s12+$0x0], $0xffff;
	v5 =	vadd.f32 v9, v5;
	v10 =	vadd.f32 v11, v10  }
0x51: {  	v42 =	vmul.f32 v29, v29;
	v24 =	vmul.f32 v25, v24;
	v9 =	vld.idx.msk [tilespmem:v48+s12+$0x0], $0xffff;
	v7 =	vadd.f32 $0.0e+00, v7  }
0x52: {  	v5 =	vadd.f32 v49, v5;
	v10 =	vadd.f32 v50, v10;
	v51 =	vmul.f32 v22, v22;
	v35 =	vld.idx.msk [tilespmem:v0+s12+$0x0], $0xffff  }
0x53: {  	v6 =	vadd.f32 v6, v7;
	v52 =	vmul.f32 v23, v23;
	v36 =	vld.idx.msk [tilespmem:v0+s13+$0x0], $0xffff;
	v0 =	vor.u32 $0x9, v1  }
0x54: {  	v55 =	vmul.f32 v33, v33;
	v16 =	vld.idx.msk [tilespmem:v2+s12+$0x0], $0xffff;
	v13 =	vmul.f32 v34, v34;
	v5 =	vadd.f32 v51, v5  }
0x55: {  	v31 =	vld.idx.msk [tilespmem:v2+s13+$0x0], $0xffff;
	v2 =	vor.u32 $0xB, v1;
	v10 =	vadd.f32 v52, v10;
	v52 =	vmul.f32 v15, v14  }
0x56: {  	v23 =	vmul.f32 v23, v22;
	v22 =	vld.idx.msk [tilespmem:v63+s13+$0x0], $0xffff;
	v34 =	vmul.f32 v34, v33;
	v5 =	vadd.f32 v12, v5  }
0x57: {  	v57 =	vmul.f32 v9, v9;
	v11 =	vadd.f32 v53, v10;
	v7 =	vadd.f32 v52, v6;
	v6 =	vld.idx.msk [tilespmem:v63+s12+$0x0], $0xffff  }
0x58: {  	v32 =	vor.u32 $0x10, v1;
	v56 =	vmul.f32 v35, v35;
	v10 =	vld.idx.msk [tilespmem:v0+s12+$0x0], $0xffff;
	v17 =	vmul.f32 v36, v36  }
0x59: {  	v26 =	vld.idx.msk [tilespmem:v0+s13+$0x0], $0xffff;
	v0 =	vor.u32 $0xC, v1;
	v5 =	vadd.f32 v55, v5;
	v13 =	vadd.f32 v13, v11  }
0x5a: {  	v44 =	vor.u32 $0x14, v1;
	v37 =	vmul.f32 v37, v9;
	v59 =	vmul.f32 v16, v16;
	v28 =	vld.idx.msk [tilespmem:v2+s13+$0x0], $0xffff  }
0x5b: {  	v14 =	vld.idx.msk [tilespmem:v41+s12+$0x0], $0xffff;
	v35 =	vmul.f32 v36, v35;
	v5 =	vadd.f32 v56, v5;
	v13 =	vadd.f32 v17, v13  }
0x5c: {  	v50 =	vor.u32 $0x15, v1;
	v11 =	vld.idx.msk [tilespmem:v54+s12+$0x0], $0xffff;
	v56 =	vmul.f32 v3, v3;
	v63 =	vmul.f32 v6, v6  }
0x5d: {  	v17 =	vld.idx.msk [tilespmem:v2+s12+$0x0], $0xffff;
	v5 =	vadd.f32 v57, v5;
	v13 =	vadd.f32 v18, v13;
	v18 =	vmul.f32 v31, v31  }
0x5e: {  	v55 =	vor.u32 $0x18, v1;
	v60 =	vmul.f32 v10, v10;
	v12 =	vld.idx.msk [tilespmem:v0+s12+$0x0], $0xffff;
	v20 =	vmul.f32 v26, v26  }
0x5f: {  	v30 =	vld.idx.msk [tilespmem:v0+s13+$0x0], $0xffff;
	v38 =	vmul.f32 v28, v28;
	v2 =	vadd.f32 v59, v5;
	v18 =	vadd.f32 v18, v13  }
0x60: {  	v31 =	vmul.f32 v31, v16;
	v46 =	vmul.f32 v26, v10;
	v13 =	vld.idx.msk [tilespmem:v58+s12+$0x0], $0xffff;
	v58 =	vadd.f32 v23, v7  }
0x61: {  	v0 =	vadd.f32 v60, v2;
	v2 =	vmul.f32 v11, v11;
	v61 =	vadd.f32 v20, v18  }
0x62: {  	v4 =	vld.idx.msk [tilespmem:v19+s12+$0x0], $0xffff;
	v18 =	vmul.f32 v27, v27;
	v24 =	vadd.f32 v24, v58;
	v58 =	vor.u32 $0x19, v1  }
0x63: {  	v16 =	vld.idx.msk [tilespmem:v55+s12+$0x0], $0xffff;
	v59 =	vor.u32 $0x16, v1;
	v28 =	vmul.f32 v28, v17;
	v20 =	vmul.f32 v17, v17  }
0x64: {  	v60 =	vmul.f32 v14, v14;
	v0 =	vadd.f32 v2, v0;
	v5 =	vadd.f32 v18, v61;
	v18 =	vld.idx.msk [tilespmem:v19+s13+$0x0], $0xffff  }
0x65: {  	v39 =	vmul.f32 v12, v12;
	v62 =	vmul.f32 v30, v30;
	v19 =	vld.idx.msk [tilespmem:v21+s13+$0x0], $0xffff;
	v34 =	vadd.f32 v34, v24  }
0x66: {  	v30 =	vmul.f32 v30, v12;
	v20 =	vadd.f32 v20, v0;
	v0 =	vld.idx.msk [tilespmem:v21+s12+$0x0], $0xffff;
	v5 =	vadd.f32 v38, v5  }
0x67: {  	v2 =	vor.u32 $0x3B, v1;
	v21 =	vmul.f32 v13, v13;
	v34 =	vadd.f32 v35, v34;
	v10 =	vld.idx.msk [tilespmem:v58+s12+$0x0], $0xffff  }
0x68: {  	v20 =	vadd.f32 v39, v20;
	v38 =	vadd.f32 v62, v5;
	v5 =	vld.idx.msk [tilespmem:v32+s12+$0x0], $0xffff;
	v62 =	vor.u32 $0x17, v1  }
0x69: {  	v37 =	vadd.f32 v37, v34;
	v34 =	vld.idx.msk [tilespmem:v55+s13+$0x0], $0xffff;
	v55 =	vmul.f32 v16, v16;
	v49 =	vmul.f32 v18, v18  }
0x6a: {  	v51 =	vmul.f32 v19, v19;
	v47 =	vadd.f32 v21, v20;
	v21 =	vmul.f32 v4, v4;
	v20 =	vld.idx.msk [tilespmem:v32+s13+$0x0], $0xffff  }
0x6b: {  	v48 =	vadd.f32 v42, v38;
	v32 =	vld.idx.msk [tilespmem:v41+s13+$0x0], $0xffff;
	v31 =	vadd.f32 v31, v37;
	v4 =	vmul.f32 v18, v4  }
0x6c: {  	v7 =	vld.idx.msk [tilespmem:v44+s12+$0x0], $0xffff;
	v43 =	vmul.f32 v0, v0;
	v0 =	vmul.f32 v19, v0;
	v8 =	vadd.f32 v21, v47  }
0x6d: {  	v26 =	vld.idx.msk [tilespmem:v58+s13+$0x0], $0xffff;
	v38 =	vadd.f32 v49, v48;
	v48 =	vmul.f32 v22, v22;
	v49 =	vor.u32 $0x1B, v1  }
0x6e: {  	v21 =	vld.idx.msk [tilespmem:v40+s13+$0x0], $0xffff;
	v47 =	vor.u32 $0x1E, v1;
	v31 =	vadd.f32 v46, v31;
	v58 =	vmul.f32 v10, v10  }
0x6f: {  	v23 =	vld.idx.msk [tilespmem:v44+s13+$0x0], $0xffff;
	v40 =	vor.u32 $0x21, v1;
	v53 =	vmul.f32 v5, v5;
	v16 =	vmul.f32 v34, v16  }
0x70: {  	v9 =	vld.idx.msk [tilespmem:v62+s12+$0x0], $0xffff;
	v8 =	vadd.f32 v43, v8;
	v54 =	vmul.f32 v20, v20;
	v61 =	vmul.f32 v32, v32  }
0x71: {  	v15 =	vld.idx.msk [tilespmem:v50+s12+$0x0], $0xffff;
	v38 =	vadd.f32 v51, v38;
	v20 =	vmul.f32 v20, v5;
	v14 =	vmul.f32 v32, v14  }
0x72: {  	v33 =	vld.idx.msk [tilespmem:v50+s13+$0x0], $0xffff;
	v32 =	vor.u32 $0x27, v1;
	v8 =	vadd.f32 v53, v8;
	v53 =	vor.u32 $0x1C, v1  }
0x73: {  	v38 =	vadd.f32 v54, v38;
	v57 =	vmul.f32 v21, v21;
	v54 =	vmul.f32 v27, v11  }
0x74: {  	v24 =	vld.idx.msk [tilespmem:v59+s13+$0x0], $0xffff;
	v3 =	vmul.f32 v21, v3;
	v8 =	vadd.f32 v56, v8;
	v56 =	vmul.f32 v7, v7  }
0x75: {  	v17 =	vld.idx.msk [tilespmem:v49+s12+$0x0], $0xffff;
	v50 =	vmul.f32 v9, v9;
	v7 =	vmul.f32 v23, v7;
	v38 =	vadd.f32 v57, v38  }
0x76: {  	v57 =	vmul.f32 v23, v23;
	v31 =	vadd.f32 v54, v31;
	v25 =	vadd.f32 v60, v8  }
0x77: {  	v8 =	vld.idx.msk [tilespmem:v59+s12+$0x0], $0xffff;
	v59 =	vmul.f32 v15, v15;
	v60 =	vmul.f32 v33, v33;
	v38 =	vadd.f32 v61, v38  }
0x78: {  	v35 =	vld.idx.msk [tilespmem:v49+s13+$0x0], $0xffff;
	v15 =	vmul.f32 v33, v15;
	v61 =	vor.u32 $0x1A, v1;
	v25 =	vadd.f32 v63, v25  }
0x79: {  	v33 =	vor.u32 $0x29, v1;
	v31 =	vadd.f32 v28, v31;
	v28 =	vld.idx.msk [tilespmem:v53+s13+$0x0], $0xffff;
	v38 =	vadd.f32 v48, v38  }
0x7a: {  	v63 =	vmul.f32 v24, v24;
	v49 =	vmul.f32 v17, v17;
	v42 =	vadd.f32 v56, v25;
	v25 =	vld.idx.msk [tilespmem:v62+s13+$0x0], $0xffff  }
0x7b: {  	v12 =	vld.idx.msk [tilespmem:v53+s12+$0x0], $0xffff;
	v30 =	vadd.f32 v30, v31;
	v48 =	vmul.f32 v29, v13;
	v38 =	vadd.f32 v57, v38  }
0x7c: {  	v62 =	vmul.f32 v8, v8;
	v57 =	vor.u32 $0x1D, v1;
	v42 =	vadd.f32 v59, v42  }
0x7d: {  	v17 =	vmul.f32 v35, v17;
	v56 =	vmul.f32 v34, v34;
	v11 =	vld.idx.msk [tilespmem:v61+s12+$0x0], $0xffff;
	v38 =	vadd.f32 v60, v38  }
0x7e: {  	v30 =	vadd.f32 v48, v30;
	v27 =	vld.idx.msk [tilespmem:v61+s13+$0x0], $0xffff;
	v53 =	vmul.f32 v28, v28;
	v42 =	vadd.f32 v62, v42  }
0x7f: {  	v51 =	vadd.f32 v63, v38;
	v52 =	vmul.f32 v25, v25;
	v63 =	vor.u32 $0x1F, v1  }
0x80: {  	v28 =	vmul.f32 v28, v12;
	v54 =	vadd.f32 v4, v30;
	v42 =	vadd.f32 v50, v42  }
0x81: {  	v60 =	vmul.f32 v26, v26;
	v13 =	vld.idx.msk [tilespmem:v57+s12+$0x0], $0xffff;
	v38 =	vadd.f32 v52, v51;
	v51 =	vor.u32 $0x20, v1  }
0x82: {  	v0 =	vadd.f32 v0, v54;
	v29 =	vld.idx.msk [tilespmem:v57+s13+$0x0], $0xffff;
	v50 =	vmul.f32 v35, v35;
	v42 =	vadd.f32 v55, v42  }
0x83: {  	v18 =	vld.idx.msk [tilespmem:v47+s12+$0x0], $0xffff;
	v61 =	vmul.f32 v11, v11;
	v62 =	vmul.f32 v27, v27;
	v59 =	vadd.f32 v56, v38  }
0x84: {  	v0 =	vadd.f32 v20, v0;
	v42 =	vadd.f32 v58, v42;
	v4 =	vld.idx.msk [tilespmem:v63+s12+$0x0], $0xffff;
	v58 =	vor.u32 $0x22, v1  }
0x85: {  	v52 =	vmul.f32 v12, v12;
	v20 =	vor.u32 $0x23, v1;
	v30 =	vld.idx.msk [tilespmem:v63+s13+$0x0], $0xffff;
	v36 =	vadd.f32 v60, v59  }
0x86: {  	v55 =	vor.u32 $0x24, v1;
	v0 =	vadd.f32 v3, v0;
	v56 =	vmul.f32 v13, v13;
	v5 =	vld.idx.msk [tilespmem:v51+s12+$0x0], $0xffff  }
0x87: {  	v57 =	vmul.f32 v29, v29;
	v42 =	vadd.f32 v61, v42;
	v31 =	vld.idx.msk [tilespmem:v51+s13+$0x0], $0xffff;
	v37 =	vadd.f32 v62, v36  }
0x88: {  	v59 =	vmul.f32 v18, v18;
	v0 =	vadd.f32 v14, v0;
	v29 =	vmul.f32 v29, v13;
	v36 =	vld.idx.msk [tilespmem:v47+s13+$0x0], $0xffff  }
0x89: {  	v42 =	vadd.f32 v49, v42;
	v37 =	vadd.f32 v50, v37;
	v62 =	vmul.f32 v4, v4;
	v3 =	vld.idx.msk [tilespmem:v58+s12+$0x0], $0xffff  }
0x8a: {  	v49 =	vor.u32 $0x25, v1;
	v63 =	vmul.f32 v30, v30;
	v50 =	vmul.f32 v22, v6;
	v6 =	vld.idx.msk [tilespmem:v20+s12+$0x0], $0xffff  }
0x8b: {  	v22 =	vld.idx.msk [tilespmem:v20+s13+$0x0], $0xffff;
	v30 =	vmul.f32 v30, v4;
	v19 =	vadd.f32 v52, v42;
	v37 =	vadd.f32 v53, v37  }
0x8c: {  	v47 =	vmul.f32 v5, v5;
	v48 =	vmul.f32 v31, v31;
	v0 =	vadd.f32 v50, v0  }
0x8d: {  	v20 =	vld.idx.msk [tilespmem:v55+s12+$0x0], $0xffff;
	v53 =	vor.u32 $0x26, v1;
	v31 =	vmul.f32 v31, v5;
	v42 =	vadd.f32 v56, v19  }
0x8e: {  	v61 =	vmul.f32 v36, v36;
	v19 =	vld.idx.msk [tilespmem:v40+s12+$0x0], $0xffff;
	v60 =	vadd.f32 v57, v37;
	v0 =	vadd.f32 v7, v0  }
0x8f: {  	v37 =	vld.idx.msk [tilespmem:v40+s13+$0x0], $0xffff;
	v21 =	vadd.f32 v59, v42;
	v54 =	vmul.f32 v3, v3;
	v56 =	vmul.f32 v6, v6  }
0x90: {  	v59 =	vor.u32 $0x28, v1;
	v6 =	vmul.f32 v22, v6;
	v38 =	vadd.f32 v61, v60  }
0x91: {  	v0 =	vadd.f32 v15, v0;
	v60 =	vmul.f32 v24, v8;
	v46 =	vadd.f32 v62, v21;
	v21 =	vld.idx.msk [tilespmem:v58+s13+$0x0], $0xffff  }
0x92: {  	v61 =	vmul.f32 v20, v20;
	v58 =	vmul.f32 v22, v22;
	v8 =	vld.idx.msk [tilespmem:v53+s12+$0x0], $0xffff;
	v38 =	vadd.f32 v63, v38  }
0x93: {  	v24 =	vld.idx.msk [tilespmem:v53+s13+$0x0], $0xffff;
	v51 =	vmul.f32 v19, v19;
	v0 =	vadd.f32 v60, v0;
	v63 =	vor.u32 $0x2A, v1  }
0x94: {  	v7 =	vld.idx.msk [tilespmem:v49+s12+$0x0], $0xffff;
	v60 =	vmul.f32 v27, v11;
	v40 =	vadd.f32 v47, v46;
	v52 =	vmul.f32 v37, v37  }
0x95: {  	v46 =	vor.u32 $0x2E, v1;
	v39 =	vadd.f32 v48, v38;
	v38 =	vld.idx.msk [tilespmem:v55+s13+$0x0], $0xffff;
	v48 =	vmul.f32 v25, v9  }
0x96: {  	v37 =	vmul.f32 v37, v19;
	v9 =	vld.idx.msk [tilespmem:v32+s12+$0x0], $0xffff;
	v23 =	vadd.f32 v51, v40;
	v51 =	vor.u32 $0x2C, v1  }
0x97: {  	v25 =	vld.idx.msk [tilespmem:v32+s13+$0x0], $0xffff;
	v39 =	vadd.f32 v52, v39;
	v55 =	vmul.f32 v21, v21;
	v0 =	vadd.f32 v48, v0  }
0x98: {  	v52 =	vmul.f32 v8, v8;
	v8 =	vmul.f32 v24, v8;
	v40 =	vadd.f32 v54, v23;
	v23 =	vld.idx.msk [tilespmem:v49+s13+$0x0], $0xffff  }
0x99: {  	v49 =	vmul.f32 v7, v7;
	v54 =	vmul.f32 v24, v24;
	v57 =	vadd.f32 v55, v39  }
0x9a: {  	v0 =	vadd.f32 v16, v0;
	v55 =	vor.u32 $0x2B, v1;
	v40 =	vadd.f32 v56, v40  }
0x9b: {  	v32 =	vld.idx.msk [tilespmem:v59+s13+$0x0], $0xffff;
	v62 =	vmul.f32 v38, v38;
	v56 =	vmul.f32 v26, v10;
	v14 =	vadd.f32 v58, v57  }
0x9c: {  	v10 =	vld.idx.msk [tilespmem:v33+s12+$0x0], $0xffff;
	v20 =	vmul.f32 v38, v20;
	v57 =	vmul.f32 v9, v9;
	v40 =	vadd.f32 v61, v40  }
0x9d: {  	v58 =	vmul.f32 v25, v25;
	v39 =	vadd.f32 v62, v14;
	v50 =	vmul.f32 v23, v23;
	v14 =	vld.idx.msk [tilespmem:v59+s12+$0x0], $0xffff  }
0x9e: {  	v26 =	vld.idx.msk [tilespmem:v33+s13+$0x0], $0xffff;
	v9 =	vmul.f32 v25, v9;
	v0 =	vadd.f32 v56, v0;
	v40 =	vadd.f32 v49, v40  }
0x9f: {  	v11 =	vld.idx.msk [tilespmem:v63+s12+$0x0], $0xffff;
	v56 =	vmul.f32 v36, v18;
	v59 =	vor.u32 $0x2D, v1;
	v53 =	vadd.f32 v50, v39  }
0xa0: {  	v27 =	vld.idx.msk [tilespmem:v63+s13+$0x0], $0xffff;
	v62 =	vmul.f32 v32, v32;
	v7 =	vmul.f32 v23, v7;
	v40 =	vadd.f32 v52, v40  }
0xa1: {  	v63 =	vadd.f32 v60, v0;
	v49 =	vor.u32 $0x2F, v1;
	v15 =	vadd.f32 v54, v53  }
0xa2: {  	v12 =	vld.idx.msk [tilespmem:v51+s12+$0x0], $0xffff;
	v60 =	vor.u32 $0x31, v1;
	v40 =	vadd.f32 v57, v40;
	v61 =	vmul.f32 v14, v14  }
0xa3: {  	v0 =	vld.idx.msk [tilespmem:v55+s12+$0x0], $0xffff;
	v47 =	vmul.f32 v10, v10;
	v48 =	vmul.f32 v26, v26;
	v15 =	vadd.f32 v58, v15  }
0xa4: {  	v18 =	vld.idx.msk [tilespmem:v46+s13+$0x0], $0xffff;
	v50 =	vmul.f32 v11, v11;
	v10 =	vmul.f32 v26, v10;
	v40 =	vadd.f32 v61, v40  }
0xa5: {  	v16 =	vld.idx.msk [tilespmem:v55+s13+$0x0], $0xffff;
	v11 =	vmul.f32 v27, v11;
	v41 =	vadd.f32 v17, v63;
	v15 =	vadd.f32 v62, v15  }
0xa6: {  	v17 =	vld.idx.msk [tilespmem:v51+s13+$0x0], $0xffff;
	v51 =	vmul.f32 v27, v27;
	v63 =	vor.u32 $0x32, v1;
	v40 =	vadd.f32 v47, v40  }
0xa7: {  	v53 =	vor.u32 $0x30, v1;
	v52 =	vadd.f32 v28, v41;
	v13 =	vld.idx.msk [tilespmem:v59+s12+$0x0], $0xffff;
	v15 =	vadd.f32 v48, v15  }
0xa8: {  	v28 =	vld.idx.msk [tilespmem:v59+s13+$0x0], $0xffff;
	v57 =	vor.u32 $0x33, v1;
	v54 =	vmul.f32 v0, v0;
	v40 =	vadd.f32 v50, v40  }
0xa9: {  	v14 =	vmul.f32 v32, v14;
	v29 =	vadd.f32 v29, v52;
	v33 =	vadd.f32 v51, v15;
	v15 =	vld.idx.msk [tilespmem:v46+s12+$0x0], $0xffff  }
0xaa: {  	v55 =	vmul.f32 v16, v16;
	v58 =	vmul.f32 v12, v12;
	v4 =	vld.idx.msk [tilespmem:v49+s12+$0x0], $0xffff;
	v40 =	vadd.f32 v54, v40  }
0xab: {  	v0 =	vmul.f32 v16, v0;
	v59 =	vmul.f32 v17, v17;
	v34 =	vadd.f32 v56, v29;
	v29 =	vld.idx.msk [tilespmem:v49+s13+$0x0], $0xffff  }
0xac: {  	v5 =	vld.idx.msk [tilespmem:v53+s12+$0x0], $0xffff;
	v61 =	vmul.f32 v13, v13;
	v33 =	vadd.f32 v55, v33;
	v40 =	vadd.f32 v58, v40  }
0xad: {  	v19 =	vld.idx.msk [tilespmem:v60+s12+$0x0], $0xffff;
	v52 =	vmul.f32 v21, v3;
	v62 =	vmul.f32 v28, v28;
	v34 =	vadd.f32 v30, v34  }
0xae: {  	v3 =	vld.idx.msk [tilespmem:v63+s12+$0x0], $0xffff;
	v33 =	vadd.f32 v59, v33;
	v40 =	vadd.f32 v61, v40;
	v46 =	vmul.f32 v15, v15  }
0xaf: {  	v47 =	vmul.f32 v18, v18;
	v30 =	vld.idx.msk [tilespmem:v53+s13+$0x0], $0xffff;
	v49 =	vmul.f32 v4, v4;
	v34 =	vadd.f32 v31, v34  }
0xb0: {  	v21 =	vld.idx.msk [tilespmem:v63+s13+$0x0], $0xffff;
	v51 =	vor.u32 $0x34, v1;
	v33 =	vadd.f32 v62, v33;
	v40 =	vadd.f32 v46, v40  }
0xb1: {  	v31 =	vld.idx.msk [tilespmem:v60+s13+$0x0], $0xffff;
	v50 =	vmul.f32 v29, v29;
	v53 =	vmul.f32 v5, v5;
	v34 =	vadd.f32 v37, v34  }
0xb2: {  	v22 =	vld.idx.msk [tilespmem:v57+s12+$0x0], $0xffff;
	v55 =	vor.u32 $0x35, v1;
	v33 =	vadd.f32 v47, v33;
	v40 =	vadd.f32 v49, v40  }
0xb3: {  	v48 =	vor.u32 $0x36, v1;
	v56 =	vmul.f32 v19, v19;
	v34 =	vadd.f32 v52, v34  }
0xb4: {  	v36 =	vld.idx.msk [tilespmem:v57+s13+$0x0], $0xffff;
	v54 =	vmul.f32 v30, v30;
	v33 =	vadd.f32 v50, v33;
	v40 =	vadd.f32 v53, v40  }
0xb5: {  	v58 =	vor.u32 $0x37, v1;
	v59 =	vmul.f32 v3, v3;
	v38 =	vld.idx.msk [tilespmem:v51+s12+$0x0], $0xffff;
	v6 =	vadd.f32 v6, v34  }
0xb6: {  	v37 =	vld.idx.msk [tilespmem:v51+s13+$0x0], $0xffff;
	v57 =	vmul.f32 v31, v31;
	v33 =	vadd.f32 v54, v33;
	v40 =	vadd.f32 v56, v40  }
0xb7: {  	v60 =	vmul.f32 v21, v21;
	v61 =	vmul.f32 v22, v22;
	v23 =	vld.idx.msk [tilespmem:v55+s12+$0x0], $0xffff;
	v6 =	vadd.f32 v20, v6  }
0xb8: {  	v24 =	vld.idx.msk [tilespmem:v48+s12+$0x0], $0xffff;
	v20 =	vor.u32 $0x38, v1;
	v33 =	vadd.f32 v57, v33;
	v40 =	vadd.f32 v59, v40  }
0xb9: {  	v63 =	vor.u32 $0x39, v1;
	v62 =	vmul.f32 v36, v36;
	v39 =	vld.idx.msk [tilespmem:v55+s13+$0x0], $0xffff;
	v6 =	vadd.f32 v7, v6  }
0xba: {  	v41 =	vld.idx.msk [tilespmem:v48+s13+$0x0], $0xffff;
	v46 =	vmul.f32 v38, v38;
	v33 =	vadd.f32 v60, v33;
	v40 =	vadd.f32 v61, v40  }
0xbb: {  	v48 =	vor.u32 $0x3A, v1;
	v35 =	vld.idx.msk [tilespmem:v58+s12+$0x0], $0xffff;
	v47 =	vmul.f32 v37, v37;
	v6 =	vadd.f32 v8, v6  }
0xbc: {  	v34 =	vld.idx.msk [tilespmem:v58+s13+$0x0], $0xffff;
	v49 =	vmul.f32 v23, v23;
	v33 =	vadd.f32 v62, v33;
	v40 =	vadd.f32 v46, v40  }
0xbd: {  	v51 =	vor.u32 $0x3C, v1;
	v52 =	vmul.f32 v24, v24;
	v32 =	vld.idx.msk [tilespmem:v20+s12+$0x0], $0xffff;
	v6 =	vadd.f32 v9, v6  }
0xbe: {  	v50 =	vmul.f32 v39, v39;
	v20 =	vld.idx.msk [tilespmem:v20+s13+$0x0], $0xffff;
	v8 =	vadd.f32 v47, v33;
	v40 =	vadd.f32 v49, v40  }
0xbf: {  	v58 =	vor.u32 $0x3E, v1;
	v53 =	vmul.f32 v41, v41;
	v6 =	vadd.f32 v14, v6;
	v14 =	vld.idx.msk [tilespmem:v63+s12+$0x0], $0xffff  }
0xc0: {  	v7 =	vld.idx.msk [tilespmem:v63+s13+$0x0], $0xffff;
	v54 =	vmul.f32 v35, v35;
	v8 =	vadd.f32 v50, v8;
	v40 =	vadd.f32 v52, v40  }
0xc1: {  	v55 =	vmul.f32 v34, v34;
	v56 =	vor.u32 $0x3D, v1;
	v6 =	vadd.f32 v10, v6;
	v10 =	vld.idx.msk [tilespmem:v48+s12+$0x0], $0xffff  }
0xc2: {  	v27 =	vld.idx.msk [tilespmem:v2+s12+$0x0], $0xffff;
	v57 =	vmul.f32 v32, v32;
	v8 =	vadd.f32 v53, v8;
	v26 =	vadd.f32 v54, v40  }
0xc3: {  	v25 =	vld.idx.msk [tilespmem:v48+s13+$0x0], $0xffff;
	v1 =	vor.u32 $0x3F, v1;
	v59 =	vmul.f32 v20, v20;
	v6 =	vadd.f32 v11, v6  }
0xc4: {  	v16 =	vld.idx.msk [tilespmem:v51+s12+$0x0], $0xffff;
	v60 =	vmul.f32 v14, v14;
	v8 =	vadd.f32 v55, v8;
	v26 =	vadd.f32 v57, v26  }
0xc5: {  	v2 =	vld.idx.msk [tilespmem:v2+s13+$0x0], $0xffff;
	v61 =	vmul.f32 v7, v7;
	v62 =	vmul.f32 v17, v12;
	v0 =	vadd.f32 v0, v6  }
0xc6: {  	v9 =	vld.idx.msk [tilespmem:v51+s13+$0x0], $0xffff;
	v40 =	vmul.f32 v10, v10;
	v8 =	vadd.f32 v59, v8;
	v63 =	vadd.f32 v60, v26  }
0xc7: {  	v44 =	vmul.f32 v27, v27;
	v13 =	vmul.f32 v28, v13;
	v12 =	vld.idx.msk [tilespmem:v56+s12+$0x0], $0xffff;
	v0 =	vadd.f32 v62, v0  }
0xc8: {  	v43 =	vmul.f32 v25, v25;
	v46 =	vld.idx.msk [tilespmem:v56+s13+$0x0], $0xffff;
	v8 =	vadd.f32 v61, v8;
	v11 =	vadd.f32 v40, v63  }
0xc9: {  	v15 =	vmul.f32 v18, v15;
	v18 =	vmul.f32 v16, v16;
	v6 =	vld.idx.msk [tilespmem:v58+s12+$0x0], $0xffff;
	v0 =	vadd.f32 v13, v0  }
0xca: {  	v48 =	vmul.f32 v2, v2;
	v47 =	vld.idx.msk [tilespmem:v1+s12+$0x0], $0xffff;
	v8 =	vadd.f32 v43, v8;
	v11 =	vadd.f32 v44, v11  }
0xcb: {  	v4 =	vmul.f32 v29, v4;
	v33 =	vld.idx.msk [tilespmem:v58+s13+$0x0], $0xffff;
	v49 =	vmul.f32 v9, v9;
	v0 =	vadd.f32 v15, v0  }
0xcc: {  	v50 =	vmul.f32 v12, v12;
	v8 =	vadd.f32 v48, v8;
	v11 =	vadd.f32 v18, v11  }
0xcd: {  	v1 =	vld.idx.msk [tilespmem:v1+s13+$0x0], $0xffff;
	v51 =	vmul.f32 v46, v46;
	v53 =	vmul.f32 v30, v5;
	v0 =	vadd.f32 v4, v0  }
0xce: {  	v52 =	vmul.f32 v6, v6;
	v8 =	vadd.f32 v49, v8;
	v54 =	vadd.f32 v50, v11  }
0xcf: {  	v56 =	vmul.f32 v47, v47;
	v57 =	vmul.f32 v31, v19;
	v0 =	vadd.f32 v53, v0  }
0xd0: {  	v55 =	vmul.f32 v33, v33;
	v8 =	vadd.f32 v51, v8;
	v5 =	vadd.f32 v52, v54  }
0xd1: {  	v3 =	vmul.f32 v21, v3;
	v0 =	vadd.f32 v57, v0  }
0xd2: {  	v58 =	vmul.f32 v1, v1;
	v8 =	vadd.f32 v55, v8;
	v59 =	vadd.f32 v56, v5  }
0xd3: {  	v60 =	vmul.f32 v36, v22  }
0xd4: {  	v0 =	vadd.f32 v3, v0;
	v3 =	vadd.f32 v58, v8;
	v4 =	vmax.f32 v59, $9.999999820e-15  }
0xd5: {  	v61 =	vmul.f32 v37, v38;
	v62 =	vshra.s32 v4, $0x1;
	v4 =	vmul.f32 $5.000000000e-01, v4  }
0xd6: {  	v0 =	vadd.f32 v60, v0;
	v3 =	vmax.f32 v3, $9.999999820e-15;
	v63 =	vsub.s32 $0x5F3759DF, v62  }
0xd7: {  	v29 =	vshra.s32 v3, $0x1;
	v3 =	vmul.f32 $5.000000000e-01, v3;
	v11 =	vmul.f32 v63, v4  }
0xd8: {  	v30 =	vmul.f32 v39, v23;
	v0 =	vadd.f32 v61, v0;
	v13 =	vsub.s32 $0x5F3759DF, v29  }
0xd9: {  	v31 =	vmul.f32 v13, v3;
	v11 =	vmul.f32 v63, v11  }
0xda: {  	v36 =	vmul.f32 v41, v24;
	v0 =	vadd.f32 v30, v0  }
0xdb: {  	v15 =	vmul.f32 v13, v31;
	v11 =	vsub.f32 $1.500000000e+00, v11  }
0xdc: {  	v37 =	vmul.f32 v34, v35;
	v0 =	vadd.f32 v36, v0  }
0xdd: {  	v38 =	vsub.f32 $1.500000000e+00, v15;
	v5 =	vmul.f32 v63, v11  }
0xde: {  	v39 =	vmul.f32 v20, v32;
	v0 =	vadd.f32 v37, v0  }
0xdf: {  	v11 =	vmul.f32 v13, v38;
	v40 =	vmul.f32 v5, v4  }
0xe0: {  	v7 =	vmul.f32 v7, v14;
	v0 =	vadd.f32 v39, v0  }
0xe1: {  	v13 =	vmul.f32 v11, v3;
	v41 =	vmul.f32 v40, v5  }
0xe2: {  	v42 =	vmul.f32 v25, v10;
	v0 =	vadd.f32 v7, v0  }
0xe3: {  	v43 =	vmul.f32 v13, v11;
	v8 =	vsub.f32 $1.500000000e+00, v41  }
0xe4: {  	v2 =	vmul.f32 v2, v27;
	v0 =	vadd.f32 v42, v0  }
0xe5: {  	v44 =	vsub.f32 $1.500000000e+00, v43;
	v5 =	vmul.f32 v8, v5  }
0xe6: {  	v0 =	vadd.f32 v2, v0;
	v2 =	vmul.f32 v9, v16  }
0xe7: {  	v7 =	vmul.f32 v44, v11;
	v4 =	vmul.f32 v5, v4  }
0xe8: {  	v0 =	vadd.f32 v2, v0;
	v2 =	vmul.f32 v46, v12  }
0xe9: {  	v3 =	vmul.f32 v7, v3;
	v4 =	vmul.f32 v4, v5  }
0xea: {  	v0 =	vadd.f32 v2, v0;
	v2 =	vmul.f32 v33, v6  }
0xeb: {  	v3 =	vmul.f32 v3, v7;
	v4 =	vsub.f32 $1.500000000e+00, v4  }
0xec: {  	v1 =	vmul.f32 v1, v47;
	v0 =	vadd.f32 v2, v0  }
0xed: {  	v3 =	vsub.f32 $1.500000000e+00, v3;
	v2 =	vmul.f32 v4, v5  }
0xee: {  	v0 =	vadd.f32 v1, v0  }
0xef: {  	v1 =	vmin.f32 v2, $1.000000000e+00;
	v2 =	vmul.f32 v3, v7  }
0xf0: {  	v0 =	vmul.f32 v1, v0  }
0xf1: {  	v1 =	vmin.f32 v2, $1.000000000e+00  }
0xf2: {  	v0 =	vmul.f32 v1, v0;
	_ =	sdelay $0x1  }
0xf3: {  	v0 =	vsub.f32 $0.0e+00, v0;
	_ =	sdelay $0x1  }
0xf4: {  	v0 =	vmul.f32 $1.442695020e+00, v0;
	_ =	sdelay $0x1  }
0xf5: {  	(erf) = vpow2.f32 v0;
	_ =	sdelay $0x8  }
0xf6: {  	v0 =	vpop (erf)  }
0xf7: {  	v0 =	vadd.f32 $1.000000000e+00, v0;
	_ =	sdelay $0x1  }
0xf8: {  	(erf) = vrcp.f32 v0;
	_ =	sdelay $0x1  }
0xf9: {  	s29 =	simm.s32 $0x10  }
0xfa: {  	v0 =	vmov s29  }
0xfb: {  	v0 =	vshll.u32 v0, $0x6  }
0xfc: {  	v1 =	vor.u32 v45, v0  }
0xfd: {  	v0 =	vor.u32 $0x1, v1;
	_ =	sdelay $0x2  }
0xfe: {  	v2 =	vpop (erf)  }
0xff: {  	v46 =	vor.u32 $0x4, v1;
	[tilespmem:s26+$0x0] =	vst v2  }
0x100: {  	v3 =	vld.idx.msk [tilespmem:v0+s13+$0x0], $0xffff  }
0x101: {  	v51 =	vor.u32 $0x7, v1;
	v4 =	vld.idx.msk [tilespmem:v0+s12+$0x0], $0xffff  }
0x102: {  	v5 =	vld.idx.msk [tilespmem:v1+s12+$0x0], $0xffff  }
0x103: {  	v2 =	vor.u32 $0x2, v1;
	v6 =	vld.idx.msk [tilespmem:v1+s13+$0x0], $0xffff  }
0x104: {  	v21 =	vld.idx.msk [tilespmem:v46+s12+$0x0], $0xffff  }
0x105: {  	v0 =	vor.u32 $0x3, v1;
	v7 =	vld.idx.msk [tilespmem:v46+s13+$0x0], $0xffff  }
0x106: {  	v34 =	vld.idx.msk [tilespmem:v51+s12+$0x0], $0xffff  }
0x107: {  	v35 =	vld.idx.msk [tilespmem:v51+s13+$0x0], $0xffff  }
0x108: {  	v58 =	vor.u32 $0xA, v1;
	v14 =	vld.idx.msk [tilespmem:v2+s12+$0x0], $0xffff  }
0x109: {  	v18 =	vld.idx.msk [tilespmem:v2+s13+$0x0], $0xffff;
	v2 =	vor.u32 $0x5, v1  }
0x10a: {  	v39 =	vor.u32 $0xD, v1;
	v46 =	vor.u32 $0xE, v1;
	v19 =	vld.idx.msk [tilespmem:v0+s12+$0x0], $0xffff;
	v47 =	vmul.f32 v5, v5  }
0x10b: {  	v20 =	vld.idx.msk [tilespmem:v0+s13+$0x0], $0xffff;
	v0 =	vor.u32 $0x6, v1;
	v48 =	vmul.f32 v4, v4;
	v49 =	vmul.f32 v6, v6  }
0x10c: {  	v51 =	vor.u32 $0x10, v1;
	v50 =	vmul.f32 v3, v3;
	v56 =	vmul.f32 v21, v21  }
0x10d: {  	v31 =	vld.idx.msk [tilespmem:v58+s13+$0x0], $0xffff;
	v57 =	vmul.f32 v7, v7;
	v8 =	vadd.f32 v48, v47;
	v52 =	vmul.f32 v14, v14  }
0x10e: {  	v63 =	vmul.f32 v34, v34;
	v10 =	vadd.f32 v50, v49;
	v28 =	vld.idx.msk [tilespmem:v2+s12+$0x0], $0xffff;
	v53 =	vmul.f32 v18, v18  }
0x10f: {  	v29 =	vld.idx.msk [tilespmem:v2+s13+$0x0], $0xffff;
	v2 =	vor.u32 $0x8, v1;
	v54 =	vmul.f32 v19, v19;
	v8 =	vadd.f32 v52, v8  }
0x110: {  	v38 =	vmul.f32 v35, v35;
	v30 =	vld.idx.msk [tilespmem:v0+s12+$0x0], $0xffff;
	v55 =	vmul.f32 v20, v20;
	v10 =	vadd.f32 v53, v10  }
0x111: {  	v5 =	vmul.f32 v6, v5;
	v33 =	vld.idx.msk [tilespmem:v0+s13+$0x0], $0xffff;
	v0 =	vor.u32 $0x9, v1;
	v8 =	vadd.f32 v54, v8  }
0x112: {  	v12 =	vld.idx.msk [tilespmem:v39+s12+$0x0], $0xffff;
	v3 =	vmul.f32 v3, v4;
	v7 =	vmul.f32 v7, v21;
	v10 =	vadd.f32 v55, v10  }
0x113: {  	v24 =	vld.idx.msk [tilespmem:v39+s13+$0x0], $0xffff;
	v34 =	vmul.f32 v35, v34;
	v59 =	vmul.f32 v28, v28;
	v9 =	vadd.f32 v56, v8  }
0x114: {  	v48 =	vor.u32 $0xF, v1;
	v60 =	vmul.f32 v29, v29;
	v8 =	vld.idx.msk [tilespmem:v2+s12+$0x0], $0xffff;
	v10 =	vadd.f32 v57, v10  }
0x115: {  	v36 =	vld.idx.msk [tilespmem:v2+s13+$0x0], $0xffff;
	v2 =	vor.u32 $0xB, v1;
	v61 =	vmul.f32 v30, v30;
	v9 =	vadd.f32 v59, v9  }
0x116: {  	v5 =	vadd.f32 $0.0e+00, v5;
	v15 =	vld.idx.msk [tilespmem:v0+s12+$0x0], $0xffff;
	v62 =	vmul.f32 v33, v33;
	v10 =	vadd.f32 v60, v10  }
0x117: {  	v49 =	vmul.f32 v31, v31;
	v37 =	vld.idx.msk [tilespmem:v0+s13+$0x0], $0xffff;
	v0 =	vor.u32 $0xC, v1;
	v13 =	vadd.f32 v61, v9  }
0x118: {  	v5 =	vadd.f32 v3, v5;
	v14 =	vmul.f32 v18, v14;
	v9 =	vld.idx.msk [tilespmem:v58+s12+$0x0], $0xffff;
	v11 =	vadd.f32 v62, v10  }
0x119: {  	v25 =	vld.idx.msk [tilespmem:v46+s13+$0x0], $0xffff;
	v19 =	vmul.f32 v20, v19;
	v41 =	vmul.f32 v8, v8;
	v40 =	vadd.f32 v63, v13  }
0x11a: {  	v55 =	vor.u32 $0x11, v1;
	v43 =	vmul.f32 v36, v36;
	v10 =	vld.idx.msk [tilespmem:v2+s12+$0x0], $0xffff;
	v42 =	vadd.f32 v38, v11  }
0x11b: {  	v5 =	vadd.f32 v14, v5;
	v22 =	vld.idx.msk [tilespmem:v2+s13+$0x0], $0xffff;
	v44 =	vmul.f32 v15, v15;
	v2 =	vadd.f32 v41, v40  }
0x11c: {  	v28 =	vmul.f32 v29, v28;
	v47 =	vmul.f32 v37, v37;
	v23 =	vld.idx.msk [tilespmem:v0+s13+$0x0], $0xffff;
	v16 =	vadd.f32 v43, v42  }
0x11d: {  	v56 =	vmul.f32 v12, v12;
	v11 =	vld.idx.msk [tilespmem:v0+s12+$0x0], $0xffff;
	v0 =	vadd.f32 v44, v2;
	v2 =	vmul.f32 v9, v9  }
0x11e: {  	v26 =	vld.idx.msk [tilespmem:v51+s13+$0x0], $0xffff;
	v57 =	vmul.f32 v24, v24;
	v58 =	vor.u32 $0x12, v1;
	v16 =	vadd.f32 v47, v16  }
0x11f: {  	v27 =	vld.idx.msk [tilespmem:v55+s13+$0x0], $0xffff;
	v63 =	vor.u32 $0x13, v1;
	v0 =	vadd.f32 v2, v0;
	v2 =	vmul.f32 v10, v10  }
0x120: {  	v30 =	vmul.f32 v33, v30;
	v50 =	vmul.f32 v22, v22;
	v17 =	vadd.f32 v49, v16;
	v16 =	vld.idx.msk [tilespmem:v46+s12+$0x0], $0xffff  }
0x121: {  	v62 =	vmul.f32 v25, v25;
	v54 =	vmul.f32 v23, v23;
	v2 =	vadd.f32 v2, v0;
	v0 =	vld.idx.msk [tilespmem:v48+s12+$0x0], $0xffff  }
0x122: {  	v52 =	vmul.f32 v11, v11;
	v53 =	vadd.f32 v50, v17;
	v17 =	vld.idx.msk [tilespmem:v48+s13+$0x0], $0xffff;
	v48 =	vor.u32 $0x14, v1  }
0x123: {  	v36 =	vmul.f32 v36, v8;
	v37 =	vmul.f32 v37, v15;
	v43 =	vor.u32 $0x3A, v1;
	v3 =	vld.idx.msk [tilespmem:v58+s12+$0x0], $0xffff  }
0x124: {  	v4 =	vld.idx.msk [tilespmem:v63+s12+$0x0], $0xffff;
	v38 =	vadd.f32 v52, v2;
	v13 =	vadd.f32 v54, v53;
	v53 =	vor.u32 $0x16, v1  }
0x125: {  	v31 =	vmul.f32 v31, v9;
	v2 =	vld.idx.msk [tilespmem:v51+s12+$0x0], $0xffff;
	v52 =	vadd.f32 v19, v5;
	v60 =	vmul.f32 v16, v16  }
0x126: {  	v59 =	vadd.f32 v56, v38;
	v61 =	vadd.f32 v57, v13;
	v13 =	vld.idx.msk [tilespmem:v55+s12+$0x0], $0xffff;
	v55 =	vor.u32 $0x17, v1  }
0x127: {  	v7 =	vadd.f32 v7, v52;
	v46 =	vmul.f32 v0, v0;
	v47 =	vmul.f32 v17, v17;
	v5 =	vld.idx.msk [tilespmem:v48+s12+$0x0], $0xffff  }
0x128: {  	v19 =	vld.idx.msk [tilespmem:v48+s13+$0x0], $0xffff;
	v44 =	vadd.f32 v60, v59;
	v32 =	vadd.f32 v62, v61;
	v61 =	vor.u32 $0x19, v1  }
0x129: {  	v49 =	vor.u32 $0x15, v1;
	v50 =	vmul.f32 v26, v26;
	v7 =	vadd.f32 v28, v7;
	v28 =	vld.idx.msk [tilespmem:v53+s13+$0x0], $0xffff  }
0x12a: {  	v18 =	vmul.f32 v2, v2;
	v6 =	vadd.f32 v46, v44;
	v38 =	vadd.f32 v47, v32;
	v32 =	vld.idx.msk [tilespmem:v58+s13+$0x0], $0xffff  }
0x12b: {  	v21 =	vmul.f32 v3, v3;
	v58 =	vor.u32 $0x18, v1;
	v30 =	vadd.f32 v30, v7;
	v7 =	vld.idx.msk [tilespmem:v55+s12+$0x0], $0xffff  }
0x12c: {  	v51 =	vmul.f32 v27, v27;
	v20 =	vmul.f32 v13, v13;
	v6 =	vadd.f32 v18, v6;
	v18 =	vld.idx.msk [tilespmem:v63+s13+$0x0], $0xffff  }
0x12d: {  	v25 =	vmul.f32 v25, v16;
	v44 =	vor.u32 $0x1A, v1;
	v30 =	vadd.f32 v34, v30;
	v15 =	vld.idx.msk [tilespmem:v61+s12+$0x0], $0xffff  }
0x12e: {  	v56 =	vmul.f32 v4, v4;
	v14 =	vadd.f32 v50, v38;
	v20 =	vadd.f32 v20, v6;
	v6 =	vld.idx.msk [tilespmem:v49+s12+$0x0], $0xffff  }
0x12f: {  	v48 =	vor.u32 $0x1B, v1;
	v17 =	vmul.f32 v17, v0;
	v36 =	vadd.f32 v36, v30;
	v30 =	vld.idx.msk [tilespmem:v61+s13+$0x0], $0xffff  }
0x130: {  	v14 =	vadd.f32 v51, v14;
	v54 =	vmul.f32 v32, v32;
	v8 =	vld.idx.msk [tilespmem:v58+s12+$0x0], $0xffff;
	v21 =	vadd.f32 v21, v20  }
0x131: {  	v59 =	vmul.f32 v5, v5;
	v60 =	vmul.f32 v19, v19;
	v51 =	vor.u32 $0x1C, v1;
	v20 =	vld.idx.msk [tilespmem:v49+s13+$0x0], $0xffff  }
0x132: {  	v9 =	vld.idx.msk [tilespmem:v44+s12+$0x0], $0xffff;
	v38 =	vadd.f32 v54, v14;
	v57 =	vmul.f32 v18, v18;
	v21 =	vadd.f32 v56, v21  }
0x133: {  	v52 =	vor.u32 $0x1D, v1;
	v47 =	vmul.f32 v28, v28;
	v32 =	vmul.f32 v32, v3;
	v14 =	vld.idx.msk [tilespmem:v53+s12+$0x0], $0xffff  }
0x134: {  	v49 =	vmul.f32 v7, v7;
	v38 =	vadd.f32 v57, v38;
	v29 =	vadd.f32 v59, v21;
	v21 =	vld.idx.msk [tilespmem:v55+s13+$0x0], $0xffff  }
0x135: {  	v36 =	vadd.f32 v37, v36;
	v56 =	vmul.f32 v15, v15;
	v55 =	vmul.f32 v22, v10;
	v10 =	vld.idx.msk [tilespmem:v48+s12+$0x0], $0xffff  }
0x136: {  	v62 =	vmul.f32 v6, v6;
	v22 =	vld.idx.msk [tilespmem:v48+s13+$0x0], $0xffff;
	v38 =	vadd.f32 v60, v38;
	v63 =	vmul.f32 v20, v20  }
0x137: {  	v31 =	vadd.f32 v31, v36;
	v57 =	vmul.f32 v30, v30;
	v59 =	vmul.f32 v23, v11;
	v11 =	vld.idx.msk [tilespmem:v51+s12+$0x0], $0xffff  }
0x138: {  	v35 =	vadd.f32 v62, v29;
	v29 =	vld.idx.msk [tilespmem:v58+s13+$0x0], $0xffff;
	v58 =	vor.u32 $0x1E, v1;
	v38 =	vadd.f32 v63, v38  }
0x139: {  	v53 =	vmul.f32 v8, v8;
	v23 =	vld.idx.msk [tilespmem:v51+s13+$0x0], $0xffff;
	v31 =	vadd.f32 v55, v31;
	v62 =	vor.u32 $0x1F, v1  }
0x13a: {  	v63 =	vmul.f32 v24, v12;
	v12 =	vld.idx.msk [tilespmem:v52+s12+$0x0], $0xffff;
	v33 =	vadd.f32 v47, v38;
	v50 =	vmul.f32 v21, v21  }
0x13b: {  	v51 =	vor.u32 $0x21, v1;
	v60 =	vmul.f32 v9, v9;
	v46 =	vmul.f32 v14, v14;
	v24 =	vld.idx.msk [tilespmem:v52+s13+$0x0], $0xffff  }
0x13c: {  	v55 =	vmul.f32 v26, v2;
	v31 =	vadd.f32 v59, v31;
	v38 =	vadd.f32 v50, v33;
	v33 =	vld.idx.msk [tilespmem:v44+s13+$0x0], $0xffff  }
0x13d: {  	v35 =	vadd.f32 v46, v35;
	v59 =	vor.u32 $0x23, v1;
	v46 =	vmul.f32 v22, v22;
	v16 =	vld.idx.msk [tilespmem:v58+s12+$0x0], $0xffff  }
0x13e: {  	v47 =	vor.u32 $0x20, v1;
	v48 =	vmul.f32 v11, v11;
	v39 =	vadd.f32 v63, v31;
	v31 =	vld.idx.msk [tilespmem:v58+s13+$0x0], $0xffff  }
0x13f: {  	v11 =	vmul.f32 v23, v11;
	v35 =	vadd.f32 v49, v35;
	v49 =	vmul.f32 v23, v23;
	v0 =	vld.idx.msk [tilespmem:v62+s12+$0x0], $0xffff  }
0x140: {  	v63 =	vor.u32 $0x25, v1;
	v54 =	vmul.f32 v29, v29;
	v58 =	vmul.f32 v27, v13;
	v13 =	vld.idx.msk [tilespmem:v51+s12+$0x0], $0xffff  }
0x141: {  	v44 =	vmul.f32 v10, v10;
	v27 =	vld.idx.msk [tilespmem:v51+s13+$0x0], $0xffff;
	v51 =	vmul.f32 v19, v5;
	v35 =	vadd.f32 v53, v35  }
0x142: {  	v50 =	vadd.f32 v25, v39;
	v52 =	vmul.f32 v12, v12;
	v25 =	vld.idx.msk [tilespmem:v62+s13+$0x0], $0xffff;
	v53 =	vmul.f32 v24, v24  }
0x143: {  	v62 =	vor.u32 $0x24, v1;
	v12 =	vmul.f32 v24, v12;
	v34 =	vadd.f32 v54, v38;
	v2 =	vld.idx.msk [tilespmem:v47+s12+$0x0], $0xffff  }
0x144: {  	v54 =	vor.u32 $0x22, v1;
	v35 =	vadd.f32 v56, v35;
	v17 =	vadd.f32 v17, v50;
	v26 =	vld.idx.msk [tilespmem:v47+s13+$0x0], $0xffff  }
0x145: {  	v47 =	vmul.f32 v18, v4;
	v4 =	vld.idx.msk [tilespmem:v59+s12+$0x0], $0xffff;
	v50 =	vor.u32 $0x26, v1;
	v34 =	vadd.f32 v57, v34  }
0x146: {  	v18 =	vld.idx.msk [tilespmem:v59+s13+$0x0], $0xffff;
	v61 =	vmul.f32 v33, v33;
	v35 =	vadd.f32 v60, v35;
	v56 =	vmul.f32 v16, v16  }
0x147: {  	v57 =	vmul.f32 v31, v31;
	v17 =	vadd.f32 v55, v17;
	v55 =	vmul.f32 v20, v6;
	v6 =	vld.idx.msk [tilespmem:v63+s12+$0x0], $0xffff  }
0x148: {  	v59 =	vor.u32 $0x28, v1;
	v60 =	vmul.f32 v0, v0;
	v20 =	vld.idx.msk [tilespmem:v63+s13+$0x0], $0xffff;
	v63 =	vmul.f32 v21, v7  }
0x149: {  	v31 =	vmul.f32 v31, v16;
	v5 =	vld.idx.msk [tilespmem:v62+s12+$0x0], $0xffff;
	v34 =	vadd.f32 v61, v34;
	v35 =	vadd.f32 v44, v35  }
0x14a: {  	v19 =	vld.idx.msk [tilespmem:v62+s13+$0x0], $0xffff;
	v62 =	vor.u32 $0x29, v1;
	v61 =	vmul.f32 v25, v25;
	v17 =	vadd.f32 v58, v17  }
0x14b: {  	v3 =	vld.idx.msk [tilespmem:v54+s12+$0x0], $0xffff;
	v58 =	vmul.f32 v28, v14;
	v34 =	vadd.f32 v46, v34;
	v35 =	vadd.f32 v48, v35  }
0x14c: {  	v25 =	vmul.f32 v25, v0;
	v44 =	vmul.f32 v2, v2;
	v17 =	vadd.f32 v32, v17  }
0x14d: {  	v28 =	vld.idx.msk [tilespmem:v50+s13+$0x0], $0xffff;
	v46 =	vmul.f32 v26, v26;
	v34 =	vadd.f32 v49, v34;
	v35 =	vadd.f32 v52, v35  }
0x14e: {  	v48 =	vmul.f32 v13, v13;
	v26 =	vmul.f32 v26, v2;
	v17 =	vadd.f32 v47, v17  }
0x14f: {  	v49 =	vmul.f32 v27, v27;
	v34 =	vadd.f32 v53, v34;
	v35 =	vadd.f32 v56, v35  }
0x150: {  	v27 =	vmul.f32 v27, v13;
	v52 =	vmul.f32 v3, v3;
	v17 =	vadd.f32 v51, v17  }
0x151: {  	v56 =	vmul.f32 v4, v4;
	v34 =	vadd.f32 v57, v34;
	v35 =	vadd.f32 v60, v35  }
0x152: {  	v14 =	vld.idx.msk [tilespmem:v50+s12+$0x0], $0xffff;
	v50 =	vmul.f32 v28, v28;
	v51 =	vmul.f32 v30, v15;
	v17 =	vadd.f32 v55, v17  }
0x153: {  	v4 =	vmul.f32 v18, v4;
	v36 =	vadd.f32 v61, v34;
	v34 =	vld.idx.msk [tilespmem:v54+s13+$0x0], $0xffff;
	v35 =	vadd.f32 v44, v35  }
0x154: {  	v47 =	vor.u32 $0x2A, v1;
	v57 =	vmul.f32 v18, v18;
	v60 =	vmul.f32 v5, v5  }
0x155: {  	v30 =	vld.idx.msk [tilespmem:v62+s13+$0x0], $0xffff;
	v54 =	vor.u32 $0x27, v1;
	v17 =	vadd.f32 v58, v17;
	v35 =	vadd.f32 v48, v35  }
0x156: {  	v55 =	vor.u32 $0x2C, v1;
	v5 =	vmul.f32 v19, v5;
	v32 =	vadd.f32 v46, v36  }
0x157: {  	v61 =	vmul.f32 v19, v19;
	v17 =	vadd.f32 v63, v17;
	v35 =	vadd.f32 v52, v35  }
0x158: {  	v48 =	vmul.f32 v29, v8;
	v32 =	vadd.f32 v49, v32;
	v53 =	vmul.f32 v34, v34  }
0x159: {  	v15 =	vld.idx.msk [tilespmem:v62+s12+$0x0], $0xffff;
	v44 =	vmul.f32 v6, v6;
	v6 =	vmul.f32 v20, v6;
	v35 =	vadd.f32 v56, v35  }
0x15a: {  	v62 =	vmul.f32 v30, v30;
	v17 =	vadd.f32 v48, v17;
	v7 =	vld.idx.msk [tilespmem:v54+s12+$0x0], $0xffff;
	v32 =	vadd.f32 v53, v32  }
0x15b: {  	v46 =	vmul.f32 v20, v20;
	v8 =	vld.idx.msk [tilespmem:v59+s12+$0x0], $0xffff;
	v52 =	vor.u32 $0x2B, v1;
	v35 =	vadd.f32 v60, v35  }
0x15c: {  	v29 =	vld.idx.msk [tilespmem:v59+s13+$0x0], $0xffff;
	v17 =	vadd.f32 v51, v17;
	v56 =	vmul.f32 v33, v9;
	v32 =	vadd.f32 v57, v32  }
0x15d: {  	v63 =	vor.u32 $0x2E, v1;
	v49 =	vmul.f32 v14, v14;
	v21 =	vld.idx.msk [tilespmem:v54+s13+$0x0], $0xffff;
	v35 =	vadd.f32 v44, v35  }
0x15e: {  	v17 =	vadd.f32 v56, v17;
	v60 =	vmul.f32 v22, v10;
	v32 =	vadd.f32 v61, v32  }
0x15f: {  	v9 =	vld.idx.msk [tilespmem:v47+s12+$0x0], $0xffff;
	v57 =	vor.u32 $0x2D, v1;
	v53 =	vmul.f32 v7, v7;
	v35 =	vadd.f32 v49, v35  }
0x160: {  	v33 =	vld.idx.msk [tilespmem:v47+s13+$0x0], $0xffff;
	v39 =	vadd.f32 v60, v17;
	v60 =	vor.u32 $0x32, v1;
	v32 =	vadd.f32 v46, v32  }
0x161: {  	v34 =	vmul.f32 v34, v3;
	v58 =	vmul.f32 v8, v8;
	v10 =	vld.idx.msk [tilespmem:v52+s12+$0x0], $0xffff;
	v35 =	vadd.f32 v53, v35  }
0x162: {  	v59 =	vmul.f32 v29, v29;
	v22 =	vld.idx.msk [tilespmem:v52+s13+$0x0], $0xffff;
	v54 =	vmul.f32 v21, v21;
	v32 =	vadd.f32 v50, v32  }
0x163: {  	v8 =	vmul.f32 v29, v8;
	v17 =	vld.idx.msk [tilespmem:v55+s12+$0x0], $0xffff;
	v61 =	vmul.f32 v15, v15;
	v35 =	vadd.f32 v58, v35  }
0x164: {  	v7 =	vmul.f32 v21, v7;
	v49 =	vadd.f32 v11, v39;
	v11 =	vld.idx.msk [tilespmem:v57+s12+$0x0], $0xffff;
	v32 =	vadd.f32 v54, v32  }
0x165: {  	v46 =	vmul.f32 v9, v9;
	v50 =	vor.u32 $0x2F, v1;
	v3 =	vld.idx.msk [tilespmem:v60+s12+$0x0], $0xffff;
	v23 =	vadd.f32 v61, v35  }
0x166: {  	v48 =	vmul.f32 v33, v33;
	v9 =	vmul.f32 v33, v9;
	v39 =	vld.idx.msk [tilespmem:v60+s13+$0x0], $0xffff;
	v38 =	vadd.f32 v59, v32  }
0x167: {  	v52 =	vmul.f32 v10, v10;
	v54 =	vor.u32 $0x30, v1;
	v32 =	vld.idx.msk [tilespmem:v55+s13+$0x0], $0xffff;
	v51 =	vadd.f32 v46, v23  }
0x168: {  	v53 =	vmul.f32 v22, v22;
	v47 =	vadd.f32 v62, v38;
	v38 =	vadd.f32 v12, v49;
	v12 =	vld.idx.msk [tilespmem:v63+s12+$0x0], $0xffff  }
0x169: {  	v55 =	vmul.f32 v17, v17;
	v23 =	vld.idx.msk [tilespmem:v57+s13+$0x0], $0xffff;
	v57 =	vor.u32 $0x31, v1;
	v24 =	vadd.f32 v52, v51  }
0x16a: {  	v10 =	vmul.f32 v22, v10;
	v60 =	vor.u32 $0x38, v1;
	v0 =	vld.idx.msk [tilespmem:v50+s12+$0x0], $0xffff;
	v36 =	vadd.f32 v48, v47  }
0x16b: {  	v16 =	vld.idx.msk [tilespmem:v63+s13+$0x0], $0xffff;
	v58 =	vmul.f32 v11, v11;
	v31 =	vadd.f32 v31, v38;
	v35 =	vadd.f32 v55, v24  }
0x16c: {  	v63 =	vor.u32 $0x33, v1;
	v2 =	vld.idx.msk [tilespmem:v54+s12+$0x0], $0xffff;
	v56 =	vmul.f32 v32, v32;
	v36 =	vadd.f32 v53, v36  }
0x16d: {  	v24 =	vld.idx.msk [tilespmem:v50+s13+$0x0], $0xffff;
	v31 =	vadd.f32 v25, v31;
	v35 =	vadd.f32 v58, v35;
	v61 =	vmul.f32 v12, v12  }
0x16e: {  	v47 =	vor.u32 $0x34, v1;
	v59 =	vmul.f32 v23, v23;
	v13 =	vld.idx.msk [tilespmem:v57+s12+$0x0], $0xffff;
	v36 =	vadd.f32 v56, v36  }
0x16f: {  	v25 =	vld.idx.msk [tilespmem:v54+s13+$0x0], $0xffff;
	v44 =	vmul.f32 v0, v0;
	v31 =	vadd.f32 v26, v31;
	v35 =	vadd.f32 v61, v35  }
0x170: {  	v62 =	vmul.f32 v16, v16;
	v48 =	vor.u32 $0x35, v1;
	v36 =	vadd.f32 v59, v36  }
0x171: {  	v26 =	vld.idx.msk [tilespmem:v57+s13+$0x0], $0xffff;
	v49 =	vmul.f32 v2, v2;
	v27 =	vadd.f32 v27, v31;
	v35 =	vadd.f32 v44, v35  }
0x172: {  	v53 =	vor.u32 $0x36, v1;
	v18 =	vld.idx.msk [tilespmem:v63+s12+$0x0], $0xffff;
	v46 =	vmul.f32 v24, v24;
	v36 =	vadd.f32 v62, v36  }
0x173: {  	v51 =	vmul.f32 v13, v13;
	v27 =	vadd.f32 v34, v27;
	v35 =	vadd.f32 v49, v35  }
0x174: {  	v54 =	vmul.f32 v3, v3;
	v19 =	vld.idx.msk [tilespmem:v47+s12+$0x0], $0xffff;
	v50 =	vmul.f32 v25, v25;
	v36 =	vadd.f32 v46, v36  }
0x175: {  	v40 =	vld.idx.msk [tilespmem:v63+s13+$0x0], $0xffff;
	v56 =	vor.u32 $0x37, v1;
	v4 =	vadd.f32 v4, v27;
	v35 =	vadd.f32 v51, v35  }
0x176: {  	v55 =	vmul.f32 v39, v39;
	v20 =	vld.idx.msk [tilespmem:v48+s12+$0x0], $0xffff;
	v52 =	vmul.f32 v26, v26;
	v34 =	vadd.f32 v50, v36  }
0x177: {  	v31 =	vld.idx.msk [tilespmem:v47+s13+$0x0], $0xffff;
	v57 =	vmul.f32 v18, v18;
	v4 =	vadd.f32 v5, v4;
	v35 =	vadd.f32 v54, v35  }
0x178: {  	v63 =	vor.u32 $0x39, v1;
	v59 =	vmul.f32 v28, v14;
	v28 =	vld.idx.msk [tilespmem:v53+s12+$0x0], $0xffff;
	v34 =	vadd.f32 v52, v34  }
0x179: {  	v38 =	vld.idx.msk [tilespmem:v48+s13+$0x0], $0xffff;
	v61 =	vmul.f32 v19, v19;
	v4 =	vadd.f32 v6, v4;
	v35 =	vadd.f32 v57, v35  }
0x17a: {  	v17 =	vmul.f32 v32, v17;
	v58 =	vmul.f32 v40, v40;
	v21 =	vld.idx.msk [tilespmem:v56+s12+$0x0], $0xffff;
	v34 =	vadd.f32 v55, v34  }
0x17b: {  	v27 =	vld.idx.msk [tilespmem:v53+s13+$0x0], $0xffff;
	v41 =	vmul.f32 v20, v20;
	v4 =	vadd.f32 v59, v4;
	v35 =	vadd.f32 v61, v35  }
0x17c: {  	v29 =	vld.idx.msk [tilespmem:v60+s12+$0x0], $0xffff;
	v48 =	vor.u32 $0x3B, v1;
	v62 =	vmul.f32 v31, v31;
	v34 =	vadd.f32 v58, v34  }
0x17d: {  	v5 =	vld.idx.msk [tilespmem:v56+s13+$0x0], $0xffff;
	v44 =	vmul.f32 v28, v28;
	v4 =	vadd.f32 v7, v4;
	v35 =	vadd.f32 v41, v35  }
0x17e: {  	v47 =	vmul.f32 v30, v15;
	v30 =	vld.idx.msk [tilespmem:v63+s12+$0x0], $0xffff;
	v42 =	vmul.f32 v38, v38;
	v34 =	vadd.f32 v62, v34  }
0x17f: {  	v14 =	vld.idx.msk [tilespmem:v60+s13+$0x0], $0xffff;
	v49 =	vmul.f32 v21, v21;
	v4 =	vadd.f32 v8, v4;
	v35 =	vadd.f32 v44, v35  }
0x180: {  	v37 =	vld.idx.msk [tilespmem:v43+s12+$0x0], $0xffff;
	v51 =	vor.u32 $0x3C, v1;
	v46 =	vmul.f32 v27, v27;
	v34 =	vadd.f32 v42, v34  }
0x181: {  	v53 =	vmul.f32 v29, v29;
	v6 =	vld.idx.msk [tilespmem:v63+s13+$0x0], $0xffff;
	v4 =	vadd.f32 v47, v4;
	v35 =	vadd.f32 v49, v35  }
0x182: {  	v22 =	vld.idx.msk [tilespmem:v48+s12+$0x0], $0xffff;
	v52 =	vor.u32 $0x3D, v1;
	v50 =	vmul.f32 v5, v5;
	v34 =	vadd.f32 v46, v34  }
0x183: {  	v55 =	vmul.f32 v30, v30;
	v7 =	vld.idx.msk [tilespmem:v43+s13+$0x0], $0xffff;
	v4 =	vadd.f32 v9, v4;
	v35 =	vadd.f32 v53, v35  }
0x184: {  	v15 =	vld.idx.msk [tilespmem:v48+s13+$0x0], $0xffff;
	v54 =	vmul.f32 v14, v14;
	v57 =	vor.u32 $0x3E, v1;
	v34 =	vadd.f32 v50, v34  }
0x185: {  	v1 =	vor.u32 $0x3F, v1;
	v4 =	vadd.f32 v10, v4;
	v58 =	vadd.f32 v55, v35;
	v35 =	vld.idx.msk [tilespmem:v51+s12+$0x0], $0xffff  }
0x186: {  	v59 =	vmul.f32 v37, v37;
	v56 =	vmul.f32 v6, v6;
	v8 =	vld.idx.msk [tilespmem:v51+s13+$0x0], $0xffff;
	v9 =	vadd.f32 v54, v34  }
0x187: {  	v11 =	vmul.f32 v23, v11;
	v60 =	vmul.f32 v22, v22;
	v4 =	vadd.f32 v17, v4;
	v17 =	vld.idx.msk [tilespmem:v52+s12+$0x0], $0xffff  }
0x188: {  	v33 =	vld.idx.msk [tilespmem:v52+s13+$0x0], $0xffff;
	v23 =	vmul.f32 v7, v7;
	v10 =	vadd.f32 v59, v58;
	v9 =	vadd.f32 v56, v9  }
0x189: {  	v12 =	vmul.f32 v16, v12;
	v61 =	vmul.f32 v15, v15;
	v16 =	vld.idx.msk [tilespmem:v57+s12+$0x0], $0xffff;
	v4 =	vadd.f32 v11, v4  }
0x18a: {  	v32 =	vld.idx.msk [tilespmem:v57+s13+$0x0], $0xffff;
	v10 =	vadd.f32 v60, v10;
	v9 =	vadd.f32 v23, v9;
	v23 =	vmul.f32 v35, v35  }
0x18b: {  	v0 =	vmul.f32 v24, v0;
	v62 =	vmul.f32 v8, v8;
	v4 =	vadd.f32 v12, v4;
	v12 =	vld.idx.msk [tilespmem:v1+s12+$0x0], $0xffff  }
0x18c: {  	v9 =	vadd.f32 v61, v9;
	v10 =	vadd.f32 v23, v10;
	v23 =	vmul.f32 v17, v17  }
0x18d: {  	v2 =	vmul.f32 v25, v2;
	v63 =	vmul.f32 v33, v33;
	v1 =	vld.idx.msk [tilespmem:v1+s13+$0x0], $0xffff;
	v0 =	vadd.f32 v0, v4  }
0x18e: {  	v25 =	vmul.f32 v16, v16;
	v9 =	vadd.f32 v62, v9;
	v24 =	vadd.f32 v23, v10  }
0x18f: {  	v34 =	vmul.f32 v32, v32;
	v0 =	vadd.f32 v2, v0;
	v2 =	vmul.f32 v26, v13  }
0x190: {  	v36 =	vmul.f32 v12, v12;
	v9 =	vadd.f32 v63, v9;
	v4 =	vadd.f32 v25, v24  }
0x191: {  	v0 =	vadd.f32 v2, v0;
	v2 =	vmul.f32 v39, v3  }
0x192: {  	v39 =	vmul.f32 v1, v1;
	v9 =	vadd.f32 v34, v9;
	v3 =	vadd.f32 v36, v4  }
0x193: {  	v41 =	vmul.f32 v40, v18  }
0x194: {  	v0 =	vadd.f32 v2, v0;
	v2 =	vadd.f32 v39, v9;
	v3 =	vmax.f32 v3, $9.999999820e-15  }
0x195: {  	v42 =	vmul.f32 v31, v19;
	v43 =	vshra.s32 v3, $0x1;
	v3 =	vmul.f32 $5.000000000e-01, v3  }
0x196: {  	v0 =	vadd.f32 v41, v0;
	v9 =	vsub.s32 $0x5F3759DF, v43;
	v2 =	vmax.f32 v2, $9.999999820e-15  }
0x197: {  	v44 =	vmul.f32 v9, v3;
	v46 =	vshra.s32 v2, $0x1;
	v2 =	vmul.f32 $5.000000000e-01, v2  }
0x198: {  	v47 =	vmul.f32 v38, v20;
	v0 =	vadd.f32 v42, v0;
	v11 =	vsub.s32 $0x5F3759DF, v46  }
0x199: {  	v10 =	vmul.f32 v9, v44;
	v48 =	vmul.f32 v11, v2  }
0x19a: {  	v49 =	vmul.f32 v27, v28;
	v0 =	vadd.f32 v47, v0  }
0x19b: {  	v10 =	vsub.f32 $1.500000000e+00, v10;
	v13 =	vmul.f32 v11, v48  }
0x19c: {  	v50 =	vmul.f32 v5, v21;
	v0 =	vadd.f32 v49, v0  }
0x19d: {  	v51 =	vmul.f32 v9, v10;
	v52 =	vsub.f32 $1.500000000e+00, v13  }
0x19e: {  	v53 =	vmul.f32 v14, v29;
	v0 =	vadd.f32 v50, v0  }
0x19f: {  	v9 =	vmul.f32 v11, v52;
	v10 =	vmul.f32 v51, v3  }
0x1a0: {  	v54 =	vmul.f32 v6, v30;
	v0 =	vadd.f32 v53, v0  }
0x1a1: {  	v55 =	vmul.f32 v10, v51;
	v56 =	vmul.f32 v9, v2  }
0x1a2: {  	v57 =	vmul.f32 v7, v37;
	v0 =	vadd.f32 v54, v0  }
0x1a3: {  	v6 =	vsub.f32 $1.500000000e+00, v55;
	v58 =	vmul.f32 v56, v9  }
0x1a4: {  	v59 =	vmul.f32 v15, v22;
	v0 =	vadd.f32 v57, v0  }
0x1a5: {  	v5 =	vmul.f32 v6, v51;
	v60 =	vsub.f32 $1.500000000e+00, v58  }
0x1a6: {  	v61 =	vmul.f32 v8, v35;
	v0 =	vadd.f32 v59, v0  }
0x1a7: {  	v6 =	vmul.f32 v60, v9;
	v3 =	vmul.f32 v5, v3  }
0x1a8: {  	v62 =	vmul.f32 v33, v17;
	v0 =	vadd.f32 v61, v0  }
0x1a9: {  	v3 =	vmul.f32 v3, v5;
	v2 =	vmul.f32 v6, v2  }
0x1aa: {  	v63 =	vmul.f32 v32, v16;
	v0 =	vadd.f32 v62, v0  }
0x1ab: {  	v3 =	vsub.f32 $1.500000000e+00, v3;
	v2 =	vmul.f32 v2, v6  }
0x1ac: {  	v1 =	vmul.f32 v1, v12;
	v0 =	vadd.f32 v63, v0  }
0x1ad: {  	v3 =	vmul.f32 v3, v5;
	v2 =	vsub.f32 $1.500000000e+00, v2  }
0x1ae: {  	v0 =	vadd.f32 v1, v0  }
0x1af: {  	v1 =	vmul.f32 v2, v6;
	v2 =	vmin.f32 v3, $1.000000000e+00  }
0x1b0: {  	v0 =	vmul.f32 v2, v0  }
0x1b1: {  	v1 =	vmin.f32 v1, $1.000000000e+00  }
0x1b2: {  	v0 =	vmul.f32 v1, v0;
	_ =	sdelay $0x1  }
0x1b3: {  	v0 =	vsub.f32 $0.0e+00, v0;
	_ =	sdelay $0x1  }
0x1b4: {  	v0 =	vmul.f32 $1.442695020e+00, v0;
	_ =	sdelay $0x1  }
0x1b5: {  	(erf) = vpow2.f32 v0;
	_ =	sdelay $0x8  }
0x1b6: {  	v0 =	vpop (erf)  }
0x1b7: {  	v0 =	vadd.f32 $1.000000000e+00, v0  }
0x1b8: {  	s29 =	simm.s32 $0x20  }
0x1b9: {  	v1 =	vmov s29;
	(erf) = vrcp.f32 v0  }
0x1ba: {  	v1 =	vshll.u32 v1, $0x6  }
0x1bb: {  	v1 =	vor.u32 v45, v1  }
0x1bc: {  	s30 =	simm.s32 $0x30;
	s29 =	simm.s32 $0x10400;
	v20 =	vor.u32 $0xF, v1  }
.LBB2_2:
0x1bd: {  	v3 =	vor.u32 $0x3D, v1  }
0x1be: {  	[tilespmem:$0x1FFC0] =	vst v3;
	v3 =	vor.u32 $0x38, v1  }
0x1bf: {  	[tilespmem:$0x1FF70] =	vst v3;
	v3 =	vor.u32 $0x39, v1  }
0x1c0: {  	[tilespmem:$0x1FF80] =	vst v3;
	v3 =	vor.u32 $0x3A, v1  }
0x1c1: {  	[tilespmem:$0x1FF90] =	vst v3;
	v3 =	vor.u32 $0x36, v1  }
0x1c2: {  	v0 =	vor.u32 $0x1, v1;
	s29 =	sadd.s32 $0x10, s29;
	v2 =	vpop (erf);
	[tilespmem:$0x1FF50] =	vst v3  }
0x1c3: {  	v3 =	vor.u32 $0x37, v1;
	[tilespmem:s29+$0x0] =	vst v2  }
0x1c4: {  	[tilespmem:$0x1FF60] =	vst v3;
	v3 =	vor.u32 $0x33, v1  }
0x1c5: {  	[tilespmem:$0x1FF20] =	vst v3;
	v3 =	vor.u32 $0x34, v1  }
0x1c6: {  	v8 =	vor.u32 $0xB, v1;
	v30 =	vld.idx.msk [tilespmem:v20+s12+$0x0], $0xffff;
	[tilespmem:$0x1FF30] =	vst v3;
	v3 =	vor.u32 $0x35, v1  }
0x1c7: {  	v16 =	vor.u32 $0xC, v1;
	v40 =	vld.idx.msk [tilespmem:v0+s13+$0x0], $0xffff;
	[tilespmem:$0x1FF40] =	vst v3;
	v3 =	vor.u32 $0x31, v1  }
0x1c8: {  	v2 =	vor.u32 $0x2, v1;
	v42 =	vld.idx.msk [tilespmem:v0+s12+$0x0], $0xffff;
	[tilespmem:$0x1FF00] =	vst v3;
	v3 =	vor.u32 $0x32, v1  }
0x1c9: {  	v7 =	vor.u32 $0x3E, v1;
	v6 =	vor.u32 $0x3F, v1;
	v13 =	vld.idx.msk [tilespmem:v1+s12+$0x0], $0xffff;
	[tilespmem:$0x1FF10] =	vst v3;
	v3 =	vor.u32 $0x2E, v1  }
0x1ca: {  	v5 =	vor.u32 $0x3B, v1;
	v0 =	vor.u32 $0x3, v1;
	v12 =	vld.idx.msk [tilespmem:v1+s13+$0x0], $0xffff;
	[tilespmem:$0x1FED0] =	vst v3;
	v3 =	vor.u32 $0x2F, v1  }
0x1cb: {  	v4 =	vor.u32 $0x3C, v1;
	v32 =	vor.u32 $0x2C, v1;
	v23 =	vld.idx.msk [tilespmem:v8+s13+$0x0], $0xffff;
	[tilespmem:$0x1FEE0] =	vst v3;
	v3 =	vor.u32 $0x30, v1  }
0x1cc: {  	v33 =	vor.u32 $0x2D, v1;
	v34 =	vor.u32 $0x29, v1;
	v22 =	vld.idx.msk [tilespmem:v16+s13+$0x0], $0xffff;
	[tilespmem:$0x1FEF0] =	vst v3;
	v3 =	vor.u32 $0x4, v1  }
0x1cd: {  	v35 =	vor.u32 $0x2A, v1;
	v36 =	vor.u32 $0x2B, v1;
	v26 =	vor.u32 $0x27, v1;
	v43 =	vld.idx.msk [tilespmem:v2+s12+$0x0], $0xffff  }
0x1ce: {  	v37 =	vor.u32 $0x28, v1;
	v29 =	vor.u32 $0x24, v1;
	v57 =	vld.idx.msk [tilespmem:v2+s13+$0x0], $0xffff;
	v2 =	vor.u32 $0x5, v1  }
0x1cf: {  	v28 =	vor.u32 $0x25, v1;
	v27 =	vor.u32 $0x26, v1;
	v31 =	vor.u32 $0x23, v1;
	v44 =	vld.idx.msk [tilespmem:v0+s12+$0x0], $0xffff  }
0x1d0: {  	v58 =	vld.idx.msk [tilespmem:v0+s13+$0x0], $0xffff;
	v0 =	vor.u32 $0x6, v1;
	v38 =	vmul.f32 v13, v13;
	v39 =	vmul.f32 v42, v42  }
0x1d1: {  	v25 =	vor.u32 $0xD, v1;
	v41 =	vmul.f32 v12, v12;
	v48 =	vmul.f32 v40, v40;
	v45 =	vld.idx.msk [tilespmem:v3+s12+$0x0], $0xffff  }
0x1d2: {  	[tilespmem:$0x1FFB0] =	vst v4;
	v4 =	vadd.f32 v39, v38;
	v49 =	vmul.f32 v43, v43;
	v59 =	vld.idx.msk [tilespmem:v3+s13+$0x0], $0xffff;
	v3 =	vor.u32 $0x7, v1  }
0x1d3: {  	v19 =	vor.u32 $0x16, v1;
	[tilespmem:$0x1FFE0] =	vst v6;
	v6 =	vadd.f32 v48, v41;
	v46 =	vld.idx.msk [tilespmem:v2+s12+$0x0], $0xffff;
	v50 =	vmul.f32 v57, v57  }
0x1d4: {  	v60 =	vld.idx.msk [tilespmem:v2+s13+$0x0], $0xffff;
	v2 =	vor.u32 $0x8, v1;
	v51 =	vmul.f32 v44, v44;
	v4 =	vadd.f32 v49, v4  }
0x1d5: {  	[tilespmem:$0x1FEB0] =	vst v32;
	v32 =	vor.u32 $0x22, v1;
	v47 =	vld.idx.msk [tilespmem:v0+s12+$0x0], $0xffff;
	v52 =	vmul.f32 v58, v58;
	v6 =	vadd.f32 v50, v6  }
0x1d6: {  	v61 =	vld.idx.msk [tilespmem:v0+s13+$0x0], $0xffff;
	v0 =	vor.u32 $0x9, v1;
	v4 =	vadd.f32 v51, v4;
	v53 =	vmul.f32 v45, v45  }
0x1d7: {  	[tilespmem:$0x1FEC0] =	vst v33;
	v33 =	vor.u32 $0x21, v1;
	v6 =	vadd.f32 v52, v6;
	v48 =	vld.idx.msk [tilespmem:v3+s12+$0x0], $0xffff;
	v54 =	vmul.f32 v59, v59  }
0x1d8: {  	v55 =	vmul.f32 v46, v46;
	v62 =	vld.idx.msk [tilespmem:v3+s13+$0x0], $0xffff;
	v3 =	vor.u32 $0xA, v1;
	v4 =	vadd.f32 v53, v4  }
0x1d9: {  	[tilespmem:$0x1FE90] =	vst v35;
	v35 =	vor.u32 $0x20, v1;
	v49 =	vld.idx.msk [tilespmem:v2+s12+$0x0], $0xffff;
	v56 =	vmul.f32 v60, v60;
	v6 =	vadd.f32 v54, v6  }
0x1da: {  	[tilespmem:$0x1FEA0] =	vst v36;
	v36 =	vor.u32 $0x1F, v1;
	v63 =	vld.idx.msk [tilespmem:v2+s13+$0x0], $0xffff;
	v9 =	vmul.f32 v47, v47;
	v2 =	vadd.f32 v55, v4  }
0x1db: {  	[tilespmem:$0x1FE70] =	vst v37;
	v37 =	vor.u32 $0x1E, v1;
	v50 =	vld.idx.msk [tilespmem:v0+s12+$0x0], $0xffff;
	v11 =	vmul.f32 v61, v61;
	v10 =	vadd.f32 v56, v6  }
0x1dc: {  	v42 =	vmul.f32 v40, v42;
	v14 =	vld.idx.msk [tilespmem:v0+s13+$0x0], $0xffff;
	v0 =	vadd.f32 v9, v2;
	v2 =	vmul.f32 v48, v48  }
0x1dd: {  	v38 =	vor.u32 $0x1D, v1;
	v52 =	vld.idx.msk [tilespmem:v3+s12+$0x0], $0xffff;
	v24 =	vmul.f32 v62, v62;
	v17 =	vadd.f32 v11, v10  }
0x1de: {  	v39 =	vor.u32 $0x1C, v1;
	v41 =	vmul.f32 v49, v49;
	v21 =	vld.idx.msk [tilespmem:v3+s13+$0x0], $0xffff;
	v0 =	vadd.f32 v2, v0  }
0x1df: {  	[tilespmem:$0x1FE80] =	vst v34;
	v53 =	vld.idx.msk [tilespmem:v8+s12+$0x0], $0xffff;
	v34 =	vmul.f32 v63, v63;
	v8 =	vor.u32 $0xE, v1;
	v4 =	vadd.f32 v24, v17  }
0x1e0: {  	v20 =	vld.idx.msk [tilespmem:v20+s13+$0x0], $0xffff;
	v55 =	vmul.f32 v50, v50;
	v6 =	vor.u32 $0x11, v1;
	v41 =	vadd.f32 v41, v0  }
0x1e1: {  	[tilespmem:$0x1FFA0] =	vst v5;
	v51 =	vor.u32 $0x1B, v1;
	v54 =	vld.idx.msk [tilespmem:v16+s12+$0x0], $0xffff;
	v56 =	vmul.f32 v14, v14;
	v5 =	vadd.f32 v34, v4  }
0x1e2: {  	[tilespmem:$0x1FFD0] =	vst v7;
	v3 =	vor.u32 $0x10, v1;
	v24 =	vld.idx.msk [tilespmem:v25+s13+$0x0], $0xffff;
	v7 =	vadd.f32 v55, v41;
	v41 =	vmul.f32 v52, v52  }
0x1e3: {  	v15 =	vmul.f32 v21, v21;
	v4 =	vor.u32 $0x13, v1;
	v55 =	vld.idx.msk [tilespmem:v25+s12+$0x0], $0xffff;
	v34 =	vadd.f32 v56, v5  }
0x1e4: {  	v16 =	vor.u32 $0x17, v1;
	v5 =	vmul.f32 v53, v53;
	v56 =	vld.idx.msk [tilespmem:v8+s12+$0x0], $0xffff;
	v7 =	vadd.f32 v41, v7  }
0x1e5: {  	v11 =	vor.u32 $0x1A, v1;
	v17 =	vmul.f32 v23, v23;
	v25 =	vld.idx.msk [tilespmem:v6+s12+$0x0], $0xffff;
	v34 =	vadd.f32 v15, v34  }
0x1e6: {  	v18 =	vmul.f32 v54, v54;
	v15 =	vld.idx.msk [tilespmem:v8+s13+$0x0], $0xffff;
	v8 =	vor.u32 $0x12, v1;
	v7 =	vadd.f32 v5, v7  }
0x1e7: {  	v10 =	vor.u32 $0x19, v1;
	v41 =	vld.idx.msk [tilespmem:v3+s12+$0x0], $0xffff;
	v34 =	vadd.f32 v17, v34;
	v17 =	vmul.f32 v22, v22  }
0x1e8: {  	v9 =	vor.u32 $0x18, v1;
	v40 =	vld.idx.msk [tilespmem:v4+s12+$0x0], $0xffff;
	v2 =	vmul.f32 v55, v55;
	v7 =	vadd.f32 v18, v7  }
0x1e9: {  	v0 =	vmul.f32 v24, v24;
	v5 =	vor.u32 $0x15, v1;
	v17 =	vadd.f32 v17, v34;
	v34 =	vld.idx.msk [tilespmem:v3+s13+$0x0], $0xffff  }
0x1ea: {  	v3 =	vor.u32 $0x14, v1;
	v1 =	vmul.f32 v12, v13;
	v12 =	vld.idx.msk [tilespmem:v6+s13+$0x0], $0xffff;
	v2 =	vadd.f32 v2, v7  }
0x1eb: {  	v18 =	vld.idx.msk [tilespmem:v8+s12+$0x0], $0xffff;
	v7 =	vmul.f32 v56, v56;
	v13 =	vadd.f32 v0, v17;
	v17 =	vmul.f32 v15, v15  }
0x1ec: {  	v0 =	vmul.f32 v30, v30;
	v6 =	vadd.f32 $0.0e+00, v1;
	v1 =	vld.idx.msk [tilespmem:v8+s13+$0x0], $0xffff;
	v8 =	vmul.f32 v57, v43  }
0x1ed: {  	v57 =	vld.idx.msk [tilespmem:v4+s13+$0x0], $0xffff;
	v2 =	vadd.f32 v7, v2;
	v7 =	vadd.f32 v17, v13;
	v13 =	vmul.f32 v20, v20  }
0x1ee: {  	v43 =	vld.idx.msk [tilespmem:v5+s12+$0x0], $0xffff;
	v17 =	vmul.f32 v41, v41;
	v6 =	vadd.f32 v42, v6  }
0x1ef: {  	v42 =	vld.idx.msk [tilespmem:v3+s12+$0x0], $0xffff;
	v0 =	vadd.f32 v0, v2;
	v2 =	vadd.f32 v13, v7;
	v7 =	vmul.f32 v34, v34  }
0x1f0: {  	v13 =	vmul.f32 v25, v25;
	v4 =	vadd.f32 v8, v6;
	v6 =	vmul.f32 v58, v44;
	v58 =	vld.idx.msk [tilespmem:v3+s13+$0x0], $0xffff  }
0x1f1: {  	v44 =	vld.idx.msk [tilespmem:v19+s12+$0x0], $0xffff;
	v0 =	vadd.f32 v17, v0;
	v2 =	vadd.f32 v7, v2;
	v17 =	vmul.f32 v12, v12  }
0x1f2: {  	v8 =	vmul.f32 v18, v18;
	v3 =	vadd.f32 v6, v4;
	v4 =	vmul.f32 v59, v45;
	v59 =	vld.idx.msk [tilespmem:v5+s13+$0x0], $0xffff  }
0x1f3: {  	v45 =	vld.idx.msk [tilespmem:v16+s12+$0x0], $0xffff;
	v0 =	vadd.f32 v13, v0;
	v2 =	vadd.f32 v17, v2;
	v17 =	vmul.f32 v1, v1  }
0x1f4: {  	v7 =	vmul.f32 v40, v40;
	v3 =	vadd.f32 v4, v3;
	v13 =	vmul.f32 v60, v46;
	v60 =	vld.idx.msk [tilespmem:v19+s13+$0x0], $0xffff  }
0x1f5: {  	v46 =	vld.idx.msk [tilespmem:v9+s12+$0x0], $0xffff;
	v0 =	vadd.f32 v8, v0;
	v2 =	vadd.f32 v17, v2;
	v17 =	vmul.f32 v57, v57  }
0x1f6: {  	v6 =	vmul.f32 v42, v42;
	v19 =	vld [tilespmem:$0x1FE70];
	v3 =	vadd.f32 v13, v3;
	v13 =	vmul.f32 v61, v47  }
0x1f7: {  	v61 =	vld.idx.msk [tilespmem:v16+s13+$0x0], $0xffff;
	v0 =	vadd.f32 v7, v0;
	v2 =	vadd.f32 v17, v2;
	v17 =	vmul.f32 v58, v58  }
0x1f8: {  	v47 =	vld.idx.msk [tilespmem:v10+s12+$0x0], $0xffff;
	v16 =	vmul.f32 v59, v59;
	v3 =	vadd.f32 v13, v3;
	v13 =	vmul.f32 v62, v48  }
0x1f9: {  	v7 =	vmul.f32 v43, v43;
	v62 =	vld.idx.msk [tilespmem:v9+s13+$0x0], $0xffff;
	v0 =	vadd.f32 v6, v0;
	v2 =	vadd.f32 v17, v2  }
0x1fa: {  	v9 =	vmul.f32 v63, v49;
	v48 =	vld.idx.msk [tilespmem:v11+s12+$0x0], $0xffff;
	v17 =	vmul.f32 v44, v44;
	v3 =	vadd.f32 v13, v3  }
0x1fb: {  	v63 =	vld.idx.msk [tilespmem:v10+s13+$0x0], $0xffff;
	v13 =	vmul.f32 v60, v60;
	v0 =	vadd.f32 v7, v0;
	v2 =	vadd.f32 v16, v2  }
0x1fc: {  	v49 =	vld.idx.msk [tilespmem:v51+s12+$0x0], $0xffff;
	v3 =	vadd.f32 v9, v3;
	v16 =	vmul.f32 v14, v50  }
0x1fd: {  	v9 =	vld.idx.msk [tilespmem:v11+s13+$0x0], $0xffff;
	v0 =	vadd.f32 v17, v0;
	v2 =	vadd.f32 v13, v2;
	v17 =	vmul.f32 v61, v61  }
0x1fe: {  	v7 =	vmul.f32 v45, v45;
	v50 =	vld.idx.msk [tilespmem:v39+s12+$0x0], $0xffff;
	v3 =	vadd.f32 v16, v3;
	v13 =	vmul.f32 v21, v52  }
0x1ff: {  	v6 =	vmul.f32 v46, v46;
	v14 =	vmul.f32 v62, v62;
	v5 =	vadd.f32 v17, v2;
	v2 =	vld.idx.msk [tilespmem:v51+s13+$0x0], $0xffff  }
0x200: {  	v0 =	vadd.f32 v7, v0;
	v4 =	vadd.f32 v13, v3;
	v17 =	vmul.f32 v23, v53;
	v51 =	vld.idx.msk [tilespmem:v38+s12+$0x0], $0xffff  }
0x201: {  	v16 =	vmul.f32 v47, v47;
	v52 =	vmul.f32 v63, v63;
	v3 =	vld.idx.msk [tilespmem:v39+s13+$0x0], $0xffff;
	v5 =	vadd.f32 v14, v5  }
0x202: {  	v13 =	vmul.f32 v22, v54;
	v39 =	vld.idx.msk [tilespmem:v37+s12+$0x0], $0xffff;
	v0 =	vadd.f32 v6, v0;
	v10 =	vadd.f32 v17, v4  }
0x203: {  	v53 =	vmul.f32 v48, v48;
	v14 =	vmul.f32 v9, v9;
	v4 =	vld.idx.msk [tilespmem:v38+s13+$0x0], $0xffff;
	v5 =	vadd.f32 v52, v5  }
0x204: {  	v17 =	vmul.f32 v24, v55;
	v38 =	vld.idx.msk [tilespmem:v36+s12+$0x0], $0xffff;
	v0 =	vadd.f32 v16, v0;
	v10 =	vadd.f32 v13, v10  }
0x205: {  	v16 =	vmul.f32 v49, v49;
	v24 =	vmul.f32 v2, v2;
	v6 =	vadd.f32 v14, v5;
	v5 =	vld.idx.msk [tilespmem:v37+s13+$0x0], $0xffff  }
0x206: {  	v54 =	vmul.f32 v3, v3;
	v0 =	vadd.f32 v53, v0;
	v10 =	vadd.f32 v17, v10;
	v37 =	vld.idx.msk [tilespmem:v35+s12+$0x0], $0xffff  }
0x207: {  	v53 =	vmul.f32 v15, v56;
	v56 =	vmul.f32 v20, v30;
	v30 =	vld.idx.msk [tilespmem:v33+s12+$0x0], $0xffff;
	v7 =	vadd.f32 v24, v6  }
0x208: {  	v52 =	vmul.f32 v50, v50;
	v0 =	vadd.f32 v16, v0;
	v6 =	vld.idx.msk [tilespmem:v36+s13+$0x0], $0xffff  }
0x209: {  	v10 =	vadd.f32 v53, v10;
	v8 =	vadd.f32 v54, v7;
	v7 =	vld.idx.msk [tilespmem:v35+s13+$0x0], $0xffff  }
0x20a: {  	v55 =	vmul.f32 v51, v51;
	v24 =	vmul.f32 v4, v4;
	v0 =	vadd.f32 v52, v0;
	v35 =	vld.idx.msk [tilespmem:v32+s12+$0x0], $0xffff  }
0x20b: {  	v10 =	vadd.f32 v56, v10;
	v52 =	vmul.f32 v34, v41;
	v41 =	vmul.f32 v57, v40;
	v40 =	vld.idx.msk [tilespmem:v26+s13+$0x0], $0xffff  }
0x20c: {  	v36 =	vmul.f32 v39, v39;
	v0 =	vadd.f32 v55, v0;
	v13 =	vadd.f32 v24, v8;
	v8 =	vld.idx.msk [tilespmem:v33+s13+$0x0], $0xffff  }
0x20d: {  	v33 =	vld.idx.msk [tilespmem:v31+s12+$0x0], $0xffff  }
0x20e: {  	v10 =	vadd.f32 v52, v10;
	v55 =	vmul.f32 v12, v25;
	v56 =	vadd.f32 v36, v0;
	v0 =	vld.idx.msk [tilespmem:v32+s13+$0x0], $0xffff  }
0x20f: {  	v32 =	vmul.f32 v1, v18;
	v1 =	vld.idx.msk [tilespmem:v29+s12+$0x0], $0xffff  }
0x210: {  	v54 =	vmul.f32 v38, v38;
	v11 =	vadd.f32 v55, v10;
	v10 =	vld.idx.msk [tilespmem:v31+s13+$0x0], $0xffff  }
0x211: {  	v31 =	vld.idx.msk [tilespmem:v28+s12+$0x0], $0xffff  }
0x212: {  	v25 =	vmul.f32 v37, v37;
	v18 =	vld [tilespmem:$0x1FE80];
	v12 =	vadd.f32 v54, v56  }
0x213: {  	v53 =	vmul.f32 v5, v5;
	v11 =	vadd.f32 v32, v11;
	v32 =	vld.idx.msk [tilespmem:v29+s13+$0x0], $0xffff  }
0x214: {  	v36 =	vmul.f32 v30, v30;
	v29 =	vld.idx.msk [tilespmem:v27+s12+$0x0], $0xffff;
	v12 =	vadd.f32 v25, v12  }
0x215: {  	v24 =	vmul.f32 v6, v6;
	v13 =	vadd.f32 v53, v13;
	v11 =	vadd.f32 v41, v11;
	v41 =	vld.idx.msk [tilespmem:v19+s13+$0x0], $0xffff  }
0x216: {  	v12 =	vadd.f32 v36, v12;
	v36 =	vld.idx.msk [tilespmem:v27+s13+$0x0], $0xffff  }
0x217: {  	v34 =	vmul.f32 v7, v7;
	v13 =	vadd.f32 v24, v13;
	v27 =	vld.idx.msk [tilespmem:v19+s12+$0x0], $0xffff  }
0x218: {  	v19 =	vld [tilespmem:$0x1FE90]  }
0x219: {  	v13 =	vadd.f32 v34, v13;
	v34 =	vld.idx.msk [tilespmem:v28+s13+$0x0], $0xffff  }
0x21a: {  	v57 =	vmul.f32 v59, v43;
	v28 =	vld.idx.msk [tilespmem:v26+s12+$0x0], $0xffff  }
0x21b: {  	v53 =	vmul.f32 v35, v35;
	v52 =	vmul.f32 v8, v8;
	v26 =	vld.idx.msk [tilespmem:v18+s12+$0x0], $0xffff  }
0x21c: {  	v54 =	vmul.f32 v58, v42;
	v56 =	vmul.f32 v33, v33;
	v42 =	vld.idx.msk [tilespmem:v18+s13+$0x0], $0xffff  }
0x21d: {  	v55 =	vmul.f32 v0, v0;
	v13 =	vadd.f32 v52, v13;
	v12 =	vadd.f32 v53, v12;
	v18 =	vld [tilespmem:$0x1FEA0]  }
0x21e: {  	v58 =	vmul.f32 v10, v10;
	v59 =	vmul.f32 v1, v1;
	v11 =	vadd.f32 v54, v11  }
0x21f: {  	v52 =	vmul.f32 v60, v44;
	v13 =	vadd.f32 v55, v13;
	v12 =	vadd.f32 v56, v12  }
0x220: {  	v54 =	vmul.f32 v31, v31;
	v44 =	vmul.f32 v9, v48;
	v11 =	vadd.f32 v57, v11;
	v25 =	vld.idx.msk [tilespmem:v19+s12+$0x0], $0xffff  }
0x221: {  	v53 =	vmul.f32 v32, v32;
	v13 =	vadd.f32 v58, v13;
	v12 =	vadd.f32 v59, v12;
	v43 =	vld.idx.msk [tilespmem:v19+s13+$0x0], $0xffff  }
0x222: {  	v55 =	vmul.f32 v61, v45;
	v57 =	vmul.f32 v29, v29;
	v11 =	vadd.f32 v52, v11;
	v19 =	vld [tilespmem:$0x1FEB0]  }
0x223: {  	v56 =	vmul.f32 v34, v34;
	v13 =	vadd.f32 v53, v13;
	v12 =	vadd.f32 v54, v12  }
0x224: {  	v60 =	vmul.f32 v28, v28;
	v58 =	vmul.f32 v62, v46;
	v11 =	vadd.f32 v55, v11  }
0x225: {  	v59 =	vmul.f32 v36, v36;
	v13 =	vadd.f32 v56, v13;
	v12 =	vadd.f32 v57, v12;
	v24 =	vld.idx.msk [tilespmem:v18+s12+$0x0], $0xffff  }
0x226: {  	v61 =	vmul.f32 v63, v47;
	v62 =	vmul.f32 v40, v40;
	v11 =	vadd.f32 v58, v11;
	v9 =	vld.idx.msk [tilespmem:v18+s13+$0x0], $0xffff  }
0x227: {  	v63 =	vmul.f32 v27, v27;
	v13 =	vadd.f32 v59, v13;
	v18 =	vld [tilespmem:$0x1FEC0];
	v12 =	vadd.f32 v60, v12  }
0x228: {  	v11 =	vadd.f32 v61, v11;
	v59 =	vld [tilespmem:$0x1FEF0]  }
0x229: {  	v46 =	vmul.f32 v41, v41;
	v13 =	vadd.f32 v62, v13;
	v12 =	vadd.f32 v63, v12;
	v63 =	vld [tilespmem:$0x1FF00]  }
0x22a: {  	v48 =	vmul.f32 v2, v49;
	v11 =	vadd.f32 v44, v11;
	v23 =	vld.idx.msk [tilespmem:v19+s12+$0x0], $0xffff  }
0x22b: {  	v49 =	vmul.f32 v42, v42;
	v13 =	vadd.f32 v46, v13;
	v2 =	vld.idx.msk [tilespmem:v19+s13+$0x0], $0xffff  }
0x22c: {  	v53 =	vmul.f32 v3, v50;
	v11 =	vadd.f32 v48, v11;
	v19 =	vld [tilespmem:$0x1FED0]  }
0x22d: {  	v13 =	vadd.f32 v49, v13;
	v49 =	vld [tilespmem:$0x1FF10]  }
0x22e: {  	v11 =	vadd.f32 v53, v11;
	v53 =	vld [tilespmem:$0x1FF20]  }
0x22f: {  	v22 =	vld.idx.msk [tilespmem:v18+s12+$0x0], $0xffff  }
0x230: {  	v3 =	vld.idx.msk [tilespmem:v18+s13+$0x0], $0xffff  }
0x231: {  	v56 =	vmul.f32 v4, v51;
	v18 =	vld [tilespmem:$0x1FEE0]  }
0x232: {  	v62 =	vmul.f32 v6, v38;
	v6 =	vld.idx.msk [tilespmem:v59+s13+$0x0], $0xffff  }
0x233: {  	v11 =	vadd.f32 v56, v11;
	v56 =	vld [tilespmem:$0x1FF30]  }
0x234: {  	v16 =	vld.idx.msk [tilespmem:v63+s13+$0x0], $0xffff  }
0x235: {  	v21 =	vld.idx.msk [tilespmem:v19+s12+$0x0], $0xffff  }
0x236: {  	v47 =	vmul.f32 v26, v26;
	v4 =	vld.idx.msk [tilespmem:v19+s13+$0x0], $0xffff  }
0x237: {  	v19 =	vld.idx.msk [tilespmem:v59+s12+$0x0], $0xffff  }
0x238: {  	v5 =	vmul.f32 v5, v39;
	v52 =	vmul.f32 v25, v25;
	v12 =	vadd.f32 v47, v12;
	v17 =	vld.idx.msk [tilespmem:v49+s12+$0x0], $0xffff  }
0x239: {  	v54 =	vmul.f32 v43, v43;
	v59 =	vld [tilespmem:$0x1FF40]  }
0x23a: {  	v55 =	vmul.f32 v24, v24;
	v12 =	vadd.f32 v52, v12;
	v5 =	vadd.f32 v5, v11;
	v20 =	vld.idx.msk [tilespmem:v18+s12+$0x0], $0xffff  }
0x23b: {  	v7 =	vmul.f32 v7, v37;
	v57 =	vmul.f32 v9, v9;
	v13 =	vadd.f32 v54, v13;
	v39 =	vld.idx.msk [tilespmem:v18+s13+$0x0], $0xffff  }
0x23c: {  	v12 =	vadd.f32 v55, v12;
	v58 =	vmul.f32 v23, v23;
	v5 =	vadd.f32 v62, v5;
	v18 =	vld.idx.msk [tilespmem:v63+s12+$0x0], $0xffff  }
0x23d: {  	v30 =	vmul.f32 v8, v30;
	v13 =	vadd.f32 v57, v13;
	v60 =	vmul.f32 v2, v2;
	v63 =	vld [tilespmem:$0x1FF50]  }
0x23e: {  	v61 =	vmul.f32 v22, v22;
	v12 =	vadd.f32 v58, v12;
	v7 =	vadd.f32 v7, v5;
	v5 =	vld.idx.msk [tilespmem:v53+s12+$0x0], $0xffff  }
0x23f: {  	v13 =	vadd.f32 v60, v13;
	v46 =	vmul.f32 v3, v3;
	v8 =	vld.idx.msk [tilespmem:v49+s13+$0x0], $0xffff  }
0x240: {  	v0 =	vmul.f32 v0, v35;
	v14 =	vld.idx.msk [tilespmem:v53+s13+$0x0], $0xffff;
	v48 =	vadd.f32 v61, v12;
	v30 =	vadd.f32 v30, v7  }
0x241: {  	v50 =	vadd.f32 v46, v13;
	v7 =	vld.idx.msk [tilespmem:v56+s12+$0x0], $0xffff;
	v47 =	vmul.f32 v21, v21;
	v51 =	vmul.f32 v4, v4  }
0x242: {  	v10 =	vmul.f32 v10, v33;
	v15 =	vld.idx.msk [tilespmem:v56+s13+$0x0], $0xffff;
	v30 =	vadd.f32 v0, v30;
	v52 =	vmul.f32 v20, v20  }
0x243: {  	v11 =	vadd.f32 v47, v48;
	v12 =	vadd.f32 v51, v50;
	v54 =	vmul.f32 v39, v39;
	v51 =	vld [tilespmem:$0x1FF60]  }
0x244: {  	v62 =	vmul.f32 v32, v1;
	v57 =	vmul.f32 v6, v6;
	v10 =	vadd.f32 v10, v30;
	v0 =	vld.idx.msk [tilespmem:v59+s12+$0x0], $0xffff  }
0x245: {  	v55 =	vmul.f32 v19, v19;
	v11 =	vadd.f32 v52, v11;
	v12 =	vadd.f32 v54, v12;
	v1 =	vld.idx.msk [tilespmem:v63+s12+$0x0], $0xffff  }
0x246: {  	v31 =	vmul.f32 v34, v31;
	v60 =	vmul.f32 v16, v16;
	v50 =	vadd.f32 v62, v10;
	v30 =	vld.idx.msk [tilespmem:v63+s13+$0x0], $0xffff  }
0x247: {  	v58 =	vmul.f32 v18, v18;
	v63 =	vld [tilespmem:$0x1FF90];
	v11 =	vadd.f32 v55, v11;
	v12 =	vadd.f32 v57, v12  }
0x248: {  	v54 =	vmul.f32 v36, v29;
	v31 =	vadd.f32 v31, v50;
	v55 =	vld [tilespmem:$0x1FF70]  }
0x249: {  	v61 =	vmul.f32 v17, v17;
	v11 =	vadd.f32 v58, v11;
	v13 =	vadd.f32 v60, v12;
	v12 =	vld.idx.msk [tilespmem:v59+s13+$0x0], $0xffff  }
0x24a: {  	v31 =	vadd.f32 v54, v31;
	v58 =	vmul.f32 v40, v28;
	v59 =	vld [tilespmem:$0x1FF80]  }
0x24b: {  	v49 =	vmul.f32 v5, v5;
	v11 =	vadd.f32 v61, v11;
	v10 =	vld.idx.msk [tilespmem:v51+s12+$0x0], $0xffff  }
0x24c: {  	v48 =	vmul.f32 v8, v8;
	v62 =	vmul.f32 v41, v27;
	v29 =	vld.idx.msk [tilespmem:v51+s13+$0x0], $0xffff;
	v34 =	vadd.f32 v58, v31  }
0x24d: {  	v35 =	vadd.f32 v49, v11;
	v49 =	vld [tilespmem:$0x1FFA0]  }
0x24e: {  	v52 =	vmul.f32 v14, v14;
	v13 =	vadd.f32 v48, v13;
	v34 =	vadd.f32 v62, v34;
	v62 =	vld [tilespmem:$0x1FFE0]  }
0x24f: {  	v53 =	vmul.f32 v7, v7;
	v27 =	vld.idx.msk [tilespmem:v63+s12+$0x0], $0xffff  }
0x250: {  	v56 =	vmul.f32 v15, v15;
	v32 =	vadd.f32 v52, v13;
	v11 =	vld.idx.msk [tilespmem:v55+s12+$0x0], $0xffff  }
0x251: {  	v57 =	vmul.f32 v0, v0;
	v33 =	vadd.f32 v53, v35;
	v28 =	vld.idx.msk [tilespmem:v55+s13+$0x0], $0xffff  }
0x252: {  	v48 =	vmul.f32 v42, v26;
	v60 =	vmul.f32 v12, v12;
	v32 =	vadd.f32 v56, v32;
	v53 =	vld [tilespmem:$0x1FFB0]  }
0x253: {  	v61 =	vmul.f32 v1, v1;
	v46 =	vmul.f32 v30, v30;
	v56 =	vld [tilespmem:$0x1FFC0];
	v33 =	vadd.f32 v57, v33  }
0x254: {  	v52 =	vmul.f32 v43, v25;
	v34 =	vadd.f32 v48, v34;
	v13 =	vld.idx.msk [tilespmem:v59+s12+$0x0], $0xffff;
	v32 =	vadd.f32 v60, v32  }
0x255: {  	v24 =	vmul.f32 v9, v24;
	v47 =	vmul.f32 v10, v10;
	v31 =	vld.idx.msk [tilespmem:v59+s13+$0x0], $0xffff;
	v33 =	vadd.f32 v61, v33  }
0x256: {  	v50 =	vmul.f32 v29, v29;
	v34 =	vadd.f32 v52, v34;
	v59 =	vld [tilespmem:$0x1FFD0];
	v32 =	vadd.f32 v46, v32  }
0x257: {  	v2 =	vmul.f32 v2, v23;
	v40 =	vld.idx.msk [tilespmem:v63+s13+$0x0], $0xffff;
	v51 =	vmul.f32 v11, v11;
	v33 =	vadd.f32 v47, v33  }
0x258: {  	v24 =	vadd.f32 v24, v34;
	v54 =	vmul.f32 v28, v28;
	v26 =	vld.idx.msk [tilespmem:v49+s12+$0x0], $0xffff;
	v32 =	vadd.f32 v50, v32  }
0x259: {  	v3 =	vmul.f32 v3, v22;
	v41 =	vld.idx.msk [tilespmem:v49+s13+$0x0], $0xffff;
	v55 =	vmul.f32 v13, v13;
	v33 =	vadd.f32 v51, v33  }
0x25a: {  	v2 =	vadd.f32 v2, v24;
	v57 =	vmul.f32 v31, v31;
	v25 =	vld.idx.msk [tilespmem:v53+s12+$0x0], $0xffff;
	v32 =	vadd.f32 v54, v32  }
0x25b: {  	v58 =	vmul.f32 v27, v27;
	v38 =	vld.idx.msk [tilespmem:v53+s13+$0x0], $0xffff;
	v23 =	vadd.f32 v55, v33  }
0x25c: {  	v60 =	vmul.f32 v40, v40;
	v9 =	vld.idx.msk [tilespmem:v56+s12+$0x0], $0xffff;
	v2 =	vadd.f32 v3, v2;
	v32 =	vadd.f32 v57, v32  }
0x25d: {  	v37 =	vld.idx.msk [tilespmem:v56+s13+$0x0], $0xffff;
	v3 =	vmul.f32 v4, v21;
	v61 =	vmul.f32 v26, v26;
	v22 =	vadd.f32 v58, v23  }
0x25e: {  	v33 =	vld.idx.msk [tilespmem:v59+s12+$0x0], $0xffff;
	v44 =	vmul.f32 v41, v41;
	v63 =	vadd.f32 v60, v32  }
0x25f: {  	v47 =	vld.idx.msk [tilespmem:v59+s13+$0x0], $0xffff;
	v2 =	vadd.f32 v3, v2;
	v46 =	vmul.f32 v25, v25;
	v48 =	vadd.f32 v61, v22  }
0x260: {  	v3 =	vmul.f32 v39, v20;
	v23 =	vld.idx.msk [tilespmem:v62+s12+$0x0], $0xffff;
	v21 =	vadd.f32 v44, v63;
	v22 =	vmul.f32 v38, v38  }
0x261: {  	v50 =	vld.idx.msk [tilespmem:v62+s13+$0x0], $0xffff;
	v49 =	vmul.f32 v9, v9;
	v4 =	vadd.f32 v46, v48  }
0x262: {  	v2 =	vadd.f32 v3, v2;
	v3 =	vmul.f32 v6, v19;
	v20 =	vadd.f32 v22, v21  }
0x263: {  	v21 =	vmul.f32 v37, v37;
	v22 =	vmul.f32 v33, v33;
	v4 =	vadd.f32 v49, v4  }
0x264: {  	v2 =	vadd.f32 v3, v2;
	v3 =	vmul.f32 v16, v18;
	v19 =	vmul.f32 v47, v47  }
0x265: {  	v51 =	vadd.f32 v21, v20;
	v20 =	vmul.f32 v23, v23;
	v4 =	vadd.f32 v22, v4  }
0x266: {  	v52 =	vmul.f32 v50, v50;
	v2 =	vadd.f32 v3, v2  }
0x267: {  	v3 =	vmul.f32 v8, v17;
	v6 =	vadd.f32 v19, v51;
	v4 =	vadd.f32 v20, v4  }
0x268: {  	v5 =	vmul.f32 v14, v5  }
0x269: {  	v2 =	vadd.f32 v3, v2;
	v3 =	vadd.f32 v52, v6;
	v4 =	vmax.f32 v4, $9.999999820e-15  }
0x26a: {  	v53 =	vmul.f32 v15, v7;
	v54 =	vshra.s32 v4, $0x1;
	v4 =	vmul.f32 $5.000000000e-01, v4  }
0x26b: {  	v2 =	vadd.f32 v5, v2;
	v3 =	vmax.f32 v3, $9.999999820e-15;
	v55 =	vsub.s32 $0x5F3759DF, v54  }
0x26c: {  	v56 =	vshra.s32 v3, $0x1;
	v3 =	vmul.f32 $5.000000000e-01, v3;
	v7 =	vmul.f32 v55, v4  }
0x26d: {  	v0 =	vmul.f32 v12, v0;
	v2 =	vadd.f32 v53, v2;
	v57 =	vsub.s32 $0x5F3759DF, v56  }
0x26e: {  	v8 =	vmul.f32 v57, v3;
	v7 =	vmul.f32 v55, v7  }
0x26f: {  	v1 =	vmul.f32 v30, v1;
	v0 =	vadd.f32 v0, v2  }
0x270: {  	v58 =	vmul.f32 v57, v8;
	v2 =	vsub.f32 $1.500000000e+00, v7  }
0x271: {  	v0 =	vadd.f32 v1, v0;
	v1 =	vmul.f32 v29, v10  }
0x272: {  	v59 =	vsub.f32 $1.500000000e+00, v58;
	v2 =	vmul.f32 v55, v2  }
0x273: {  	v0 =	vadd.f32 v1, v0;
	v1 =	vmul.f32 v28, v11  }
0x274: {  	v5 =	vmul.f32 v57, v59;
	v60 =	vmul.f32 v2, v4  }
0x275: {  	v0 =	vadd.f32 v1, v0;
	v1 =	vmul.f32 v31, v13  }
0x276: {  	v62 =	vmul.f32 v5, v3;
	v61 =	vmul.f32 v60, v2  }
0x277: {  	v0 =	vadd.f32 v1, v0;
	v1 =	vmul.f32 v40, v27  }
0x278: {  	v7 =	vmul.f32 v62, v5;
	v6 =	vsub.f32 $1.500000000e+00, v61  }
0x279: {  	v0 =	vadd.f32 v1, v0;
	v1 =	vmul.f32 v41, v26  }
0x27a: {  	v63 =	vsub.f32 $1.500000000e+00, v7;
	v2 =	vmul.f32 v6, v2  }
0x27b: {  	v0 =	vadd.f32 v1, v0;
	v1 =	vmul.f32 v38, v25  }
0x27c: {  	v5 =	vmul.f32 v63, v5;
	v4 =	vmul.f32 v2, v4  }
0x27d: {  	v0 =	vadd.f32 v1, v0;
	v1 =	vmul.f32 v37, v9  }
0x27e: {  	v3 =	vmul.f32 v5, v3;
	v4 =	vmul.f32 v4, v2  }
0x27f: {  	v0 =	vadd.f32 v1, v0;
	v1 =	vmul.f32 v47, v33  }
0x280: {  	v3 =	vmul.f32 v3, v5;
	v4 =	vsub.f32 $1.500000000e+00, v4  }
0x281: {  	v0 =	vadd.f32 v1, v0;
	v1 =	vmul.f32 v50, v23  }
0x282: {  	v3 =	vsub.f32 $1.500000000e+00, v3;
	v2 =	vmul.f32 v4, v2  }
0x283: {  	v0 =	vadd.f32 v1, v0  }
0x284: {  	v1 =	vmin.f32 v2, $1.000000000e+00;
	v2 =	vmul.f32 v3, v5  }
0x285: {  	v0 =	vmul.f32 v1, v0  }
0x286: {  	v1 =	vmin.f32 v2, $1.000000000e+00  }
0x287: {  	v0 =	vmul.f32 v1, v0;
	_ =	sdelay $0x1  }
0x288: {  	v0 =	vsub.f32 $0.0e+00, v0;
	_ =	sdelay $0x1  }
0x289: {  	v0 =	vmul.f32 $1.442695020e+00, v0;
	_ =	sdelay $0x1  }
0x28a: {  	(erf) = vpow2.f32 v0;
	_ =	sdelay $0x8  }
0x28b: {  	v45 =	vld [tilespmem:$0x1FFF0];
	v0 =	vpop (erf)  }
0x28c: {  	p0 =	sne.s32 s30, $0x1F0;
	v0 =	vadd.f32 $1.000000000e+00, v0  }
.Ltmp0:
0x28d: {  	_ = 	snop;
	(pc) =	sbr.rel @p0 .LBB2_2-.Ltmp0, $4  }
0x28e: {  	(erf) = vrcp.f32 v0;
	v0 =	vmov s30  }
0x28f: {  	v0 =	vshll.u32 v0, $0x6  }
0x290: {  	v1 =	vor.u32 v45, v0  }
0x291: {  	s30 =	sadd.s32 $0x10, s30;
	v20 =	vor.u32 $0xF, v1  }
0x292: {  	_ =	sdelay $0x1  }
0x293: {  	v0 =	vor.u32 $0x1, v1;
	_ =	sdelay $0x2  }
0x294: {  	s29 =	sadd.s32 $0x10, s29;
	v2 =	vpop (erf)  }
0x295: {  	v39 =	vor.u32 $0x2, v1;
	[tilespmem:s29+$0x0] =	vst v2  }
0x296: {  	v3 =	vld.idx.msk [tilespmem:v0+s13+$0x0], $0xffff  }
0x297: {  	v40 =	vor.u32 $0x3, v1;
	v4 =	vld.idx.msk [tilespmem:v0+s12+$0x0], $0xffff  }
0x298: {  	v5 =	vld.idx.msk [tilespmem:v1+s12+$0x0], $0xffff  }
0x299: {  	v7 =	vor.u32 $0x4, v1;
	v6 =	vld.idx.msk [tilespmem:v1+s13+$0x0], $0xffff  }
0x29a: {  	v14 =	vld.idx.msk [tilespmem:v39+s12+$0x0], $0xffff  }
0x29b: {  	v41 =	vor.u32 $0x5, v1;
	v15 =	vld.idx.msk [tilespmem:v39+s13+$0x0], $0xffff  }
0x29c: {  	v16 =	vld.idx.msk [tilespmem:v40+s12+$0x0], $0xffff  }
0x29d: {  	v42 =	vor.u32 $0x6, v1;
	v18 =	vld.idx.msk [tilespmem:v40+s13+$0x0], $0xffff  }
0x29e: {  	v19 =	vld.idx.msk [tilespmem:v7+s12+$0x0], $0xffff  }
0x29f: {  	v12 =	vor.u32 $0x7, v1;
	v7 =	vld.idx.msk [tilespmem:v7+s13+$0x0], $0xffff  }
0x2a0: {  	v21 =	vld.idx.msk [tilespmem:v41+s12+$0x0], $0xffff  }
0x2a1: {  	v46 =	vor.u32 $0x8, v1;
	v49 =	vor.u32 $0x9, v1;
	v28 =	vld.idx.msk [tilespmem:v41+s13+$0x0], $0xffff  }
0x2a2: {  	v52 =	vor.u32 $0xA, v1;
	v29 =	vld.idx.msk [tilespmem:v42+s12+$0x0], $0xffff;
	v8 =	vmul.f32 v5, v5;
	v9 =	vmul.f32 v4, v4  }
0x2a3: {  	v54 =	vor.u32 $0xB, v1;
	v33 =	vld.idx.msk [tilespmem:v42+s13+$0x0], $0xffff;
	v10 =	vmul.f32 v6, v6;
	v11 =	vmul.f32 v3, v3  }
0x2a4: {  	v57 =	vor.u32 $0xC, v1;
	v35 =	vld.idx.msk [tilespmem:v12+s12+$0x0], $0xffff;
	v43 =	vmul.f32 v14, v14;
	v8 =	vadd.f32 v9, v8  }
0x2a5: {  	v24 =	vor.u32 $0xD, v1;
	v36 =	vld.idx.msk [tilespmem:v12+s13+$0x0], $0xffff;
	v44 =	vmul.f32 v15, v15;
	v10 =	vadd.f32 v11, v10  }
0x2a6: {  	v63 =	vor.u32 $0xE, v1;
	v37 =	vld.idx.msk [tilespmem:v46+s13+$0x0], $0xffff;
	v47 =	vmul.f32 v16, v16;
	v8 =	vadd.f32 v43, v8  }
0x2a7: {  	v27 =	vor.u32 $0x10, v1;
	v30 =	vld.idx.msk [tilespmem:v49+s12+$0x0], $0xffff;
	v48 =	vmul.f32 v18, v18;
	v10 =	vadd.f32 v44, v10  }
0x2a8: {  	v38 =	vld.idx.msk [tilespmem:v49+s13+$0x0], $0xffff;
	v50 =	vmul.f32 v19, v19;
	v51 =	vmul.f32 v7, v7;
	v8 =	vadd.f32 v47, v8  }
0x2a9: {  	v13 =	vmul.f32 v21, v21;
	v53 =	vmul.f32 v28, v28;
	v10 =	vadd.f32 v48, v10  }
0x2aa: {  	v31 =	vld.idx.msk [tilespmem:v52+s13+$0x0], $0xffff;
	v55 =	vmul.f32 v29, v29;
	v56 =	vmul.f32 v33, v33;
	v9 =	vadd.f32 v50, v8  }
0x2ab: {  	v17 =	vmul.f32 v35, v35;
	v22 =	vmul.f32 v36, v36;
	v8 =	vld.idx.msk [tilespmem:v46+s12+$0x0], $0xffff;
	v10 =	vadd.f32 v51, v10  }
0x2ac: {  	v23 =	vmul.f32 v37, v37;
	v5 =	vmul.f32 v6, v5;
	v9 =	vadd.f32 v13, v9  }
0x2ad: {  	v12 =	vld.idx.msk [tilespmem:v24+s12+$0x0], $0xffff;
	v62 =	vmul.f32 v30, v30;
	v25 =	vmul.f32 v38, v38;
	v10 =	vadd.f32 v53, v10  }
0x2ae: {  	v24 =	vld.idx.msk [tilespmem:v24+s13+$0x0], $0xffff;
	v3 =	vmul.f32 v3, v4;
	v5 =	vadd.f32 $0.0e+00, v5;
	v13 =	vadd.f32 v55, v9  }
0x2af: {  	v40 =	vmul.f32 v31, v31;
	v14 =	vmul.f32 v15, v14;
	v9 =	vld.idx.msk [tilespmem:v52+s12+$0x0], $0xffff;
	v11 =	vadd.f32 v56, v10  }
0x2b0: {  	v5 =	vadd.f32 v3, v5;
	v10 =	vld.idx.msk [tilespmem:v54+s12+$0x0], $0xffff;
	v59 =	vmul.f32 v8, v8;
	v58 =	vadd.f32 v17, v13  }
0x2b1: {  	v16 =	vmul.f32 v18, v16;
	v60 =	vadd.f32 v22, v11;
	v22 =	vld.idx.msk [tilespmem:v54+s13+$0x0], $0xffff;
	v54 =	vor.u32 $0x14, v1  }
0x2b2: {  	v7 =	vmul.f32 v7, v19;
	v5 =	vadd.f32 v14, v5;
	v61 =	vadd.f32 v59, v58  }
0x2b3: {  	v21 =	vmul.f32 v28, v21;
	v35 =	vmul.f32 v36, v35;
	v11 =	vld.idx.msk [tilespmem:v57+s12+$0x0], $0xffff;
	v17 =	vadd.f32 v23, v60  }
0x2b4: {  	v16 =	vadd.f32 v16, v5;
	v23 =	vld.idx.msk [tilespmem:v57+s13+$0x0], $0xffff;
	v39 =	vmul.f32 v9, v9;
	v34 =	vadd.f32 v62, v61  }
0x2b5: {  	v44 =	vmul.f32 v12, v12;
	v46 =	vmul.f32 v24, v24;
	v17 =	vadd.f32 v25, v17;
	v25 =	vld.idx.msk [tilespmem:v63+s13+$0x0], $0xffff  }
0x2b6: {  	v7 =	vadd.f32 v7, v16;
	v41 =	vmul.f32 v10, v10;
	v5 =	vld.idx.msk [tilespmem:v54+s12+$0x0], $0xffff;
	v0 =	vadd.f32 v39, v34  }
0x2b7: {  	v26 =	vmul.f32 v22, v22;
	v17 =	vadd.f32 v40, v17;
	v34 =	vld.idx.msk [tilespmem:v63+s12+$0x0], $0xffff;
	v39 =	vor.u32 $0x11, v1  }
0x2b8: {  	v55 =	vor.u32 $0x15, v1;
	v40 =	vor.u32 $0x12, v1;
	v2 =	vadd.f32 v41, v0;
	v0 =	vld.idx.msk [tilespmem:v20+s12+$0x0], $0xffff  }
0x2b9: {  	v32 =	vmul.f32 v11, v11;
	v43 =	vmul.f32 v23, v23;
	v42 =	vadd.f32 v26, v17;
	v17 =	vld.idx.msk [tilespmem:v20+s13+$0x0], $0xffff  }
0x2ba: {  	v7 =	vadd.f32 v21, v7;
	v37 =	vmul.f32 v37, v8;
	v60 =	vor.u32 $0x16, v1;
	v26 =	vld.idx.msk [tilespmem:v27+s13+$0x0], $0xffff  }
0x2bb: {  	v31 =	vmul.f32 v31, v9;
	v32 =	vadd.f32 v32, v2;
	v13 =	vadd.f32 v43, v42;
	v2 =	vld.idx.msk [tilespmem:v27+s12+$0x0], $0xffff  }
0x2bc: {  	v41 =	vmul.f32 v25, v25;
	v42 =	vor.u32 $0x13, v1;
	v48 =	vmul.f32 v34, v34;
	v27 =	vld.idx.msk [tilespmem:v39+s13+$0x0], $0xffff  }
0x2bd: {  	v3 =	vld.idx.msk [tilespmem:v40+s12+$0x0], $0xffff;
	v25 =	vmul.f32 v25, v34;
	v47 =	vadd.f32 v44, v32;
	v49 =	vadd.f32 v46, v13  }
0x2be: {  	v19 =	vld.idx.msk [tilespmem:v54+s13+$0x0], $0xffff;
	v63 =	vor.u32 $0x17, v1;
	v51 =	vmul.f32 v0, v0;
	v53 =	vmul.f32 v17, v17  }
0x2bf: {  	v13 =	vld.idx.msk [tilespmem:v39+s12+$0x0], $0xffff;
	v57 =	vmul.f32 v26, v26;
	v50 =	vadd.f32 v48, v47;
	v52 =	vadd.f32 v41, v49  }
0x2c0: {  	v32 =	vld.idx.msk [tilespmem:v40+s13+$0x0], $0xffff;
	v17 =	vmul.f32 v17, v0;
	v49 =	vmul.f32 v33, v29;
	v41 =	vor.u32 $0x3B, v1  }
0x2c1: {  	v28 =	vld.idx.msk [tilespmem:v60+s13+$0x0], $0xffff;
	v56 =	vmul.f32 v2, v2;
	v6 =	vadd.f32 v51, v50;
	v20 =	vadd.f32 v53, v52  }
0x2c2: {  	v4 =	vld.idx.msk [tilespmem:v42+s12+$0x0], $0xffff;
	v59 =	vmul.f32 v27, v27;
	v61 =	vmul.f32 v3, v3;
	v50 =	vor.u32 $0x18, v1  }
0x2c3: {  	v18 =	vld.idx.msk [tilespmem:v42+s13+$0x0], $0xffff;
	v52 =	vmul.f32 v5, v5;
	v53 =	vmul.f32 v19, v19;
	v54 =	vadd.f32 v49, v7  }
0x2c4: {  	v7 =	vld.idx.msk [tilespmem:v63+s12+$0x0], $0xffff;
	v58 =	vmul.f32 v13, v13;
	v6 =	vadd.f32 v56, v6;
	v14 =	vadd.f32 v57, v20  }
0x2c5: {  	v62 =	vmul.f32 v32, v32;
	v32 =	vmul.f32 v32, v3;
	v20 =	vld.idx.msk [tilespmem:v55+s13+$0x0], $0xffff;
	v35 =	vadd.f32 v35, v54  }
0x2c6: {  	v40 =	vadd.f32 v58, v6;
	v14 =	vadd.f32 v59, v14;
	v6 =	vld.idx.msk [tilespmem:v55+s12+$0x0], $0xffff;
	v55 =	vor.u32 $0x19, v1  }
0x2c7: {  	v21 =	vld.idx.msk [tilespmem:v63+s13+$0x0], $0xffff;
	v54 =	vmul.f32 v23, v11;
	v46 =	vmul.f32 v4, v4;
	v58 =	vor.u32 $0x1A, v1  }
0x2c8: {  	v8 =	vld.idx.msk [tilespmem:v50+s12+$0x0], $0xffff;
	v44 =	vadd.f32 v61, v40;
	v47 =	vadd.f32 v62, v14;
	v62 =	vor.u32 $0x1B, v1  }
0x2c9: {  	v48 =	vmul.f32 v18, v18;
	v35 =	vadd.f32 v37, v35;
	v63 =	vmul.f32 v7, v7;
	v14 =	vld.idx.msk [tilespmem:v60+s12+$0x0], $0xffff  }
0x2ca: {  	v29 =	vld.idx.msk [tilespmem:v50+s13+$0x0], $0xffff;
	v50 =	vmul.f32 v22, v10;
	v60 =	vmul.f32 v28, v28;
	v51 =	vadd.f32 v46, v44  }
0x2cb: {  	v61 =	vmul.f32 v38, v30;
	v15 =	vadd.f32 v48, v47;
	v46 =	vor.u32 $0x1C, v1;
	v30 =	vld.idx.msk [tilespmem:v55+s13+$0x0], $0xffff  }
0x2cc: {  	v57 =	vmul.f32 v20, v20;
	v56 =	vmul.f32 v6, v6;
	v9 =	vld.idx.msk [tilespmem:v58+s12+$0x0], $0xffff;
	v33 =	vadd.f32 v52, v51  }
0x2cd: {  	v44 =	vmul.f32 v21, v21;
	v35 =	vadd.f32 v61, v35;
	v15 =	vadd.f32 v53, v15;
	v10 =	vld.idx.msk [tilespmem:v62+s12+$0x0], $0xffff  }
0x2ce: {  	v47 =	vor.u32 $0x1D, v1;
	v59 =	vmul.f32 v14, v14;
	v22 =	vld.idx.msk [tilespmem:v62+s13+$0x0], $0xffff;
	v33 =	vadd.f32 v56, v33  }
0x2cf: {  	v61 =	vor.u32 $0x20, v1;
	v31 =	vadd.f32 v31, v35;
	v16 =	vadd.f32 v57, v15;
	v15 =	vld.idx.msk [tilespmem:v55+s12+$0x0], $0xffff  }
0x2d0: {  	v48 =	vmul.f32 v8, v8;
	v57 =	vor.u32 $0x1F, v1;
	v11 =	vld.idx.msk [tilespmem:v46+s12+$0x0], $0xffff;
	v33 =	vadd.f32 v59, v33  }
0x2d1: {  	v49 =	vmul.f32 v29, v29;
	v53 =	vor.u32 $0x1E, v1;
	v31 =	vadd.f32 v50, v31;
	v23 =	vld.idx.msk [tilespmem:v46+s13+$0x0], $0xffff  }
0x2d2: {  	v16 =	vadd.f32 v60, v16;
	v52 =	vmul.f32 v30, v30;
	v36 =	vadd.f32 v63, v33;
	v33 =	vld.idx.msk [tilespmem:v58+s13+$0x0], $0xffff  }
0x2d3: {  	v55 =	vmul.f32 v9, v9;
	v31 =	vadd.f32 v54, v31;
	v58 =	vmul.f32 v24, v12;
	v12 =	vld.idx.msk [tilespmem:v47+s12+$0x0], $0xffff  }
0x2d4: {  	v16 =	vadd.f32 v44, v16;
	v59 =	vmul.f32 v10, v10;
	v24 =	vld.idx.msk [tilespmem:v47+s13+$0x0], $0xffff;
	v60 =	vmul.f32 v22, v22  }
0x2d5: {  	v44 =	vor.u32 $0x21, v1;
	v51 =	vmul.f32 v15, v15;
	v0 =	vld.idx.msk [tilespmem:v57+s12+$0x0], $0xffff;
	v36 =	vadd.f32 v48, v36  }
0x2d6: {  	v16 =	vadd.f32 v49, v16;
	v39 =	vadd.f32 v58, v31;
	v62 =	vmul.f32 v11, v11;
	v31 =	vld.idx.msk [tilespmem:v53+s13+$0x0], $0xffff  }
0x2d7: {  	v63 =	vmul.f32 v23, v23;
	v48 =	vor.u32 $0x22, v1;
	v49 =	vmul.f32 v26, v2;
	v2 =	vld.idx.msk [tilespmem:v61+s12+$0x0], $0xffff  }
0x2d8: {  	v26 =	vld.idx.msk [tilespmem:v61+s13+$0x0], $0xffff;
	v11 =	vmul.f32 v23, v11;
	v36 =	vadd.f32 v51, v36;
	v16 =	vadd.f32 v52, v16  }
0x2d9: {  	v39 =	vadd.f32 v25, v39;
	v25 =	vld.idx.msk [tilespmem:v57+s13+$0x0], $0xffff;
	v52 =	vmul.f32 v27, v13;
	v56 =	vmul.f32 v33, v33  }
0x2da: {  	v57 =	vor.u32 $0x25, v1;
	v46 =	vmul.f32 v12, v12;
	v47 =	vmul.f32 v24, v24;
	v13 =	vld.idx.msk [tilespmem:v44+s12+$0x0], $0xffff  }
0x2db: {  	v27 =	vld.idx.msk [tilespmem:v44+s13+$0x0], $0xffff;
	v44 =	vmul.f32 v19, v5;
	v12 =	vmul.f32 v24, v12;
	v36 =	vadd.f32 v55, v36  }
0x2dc: {  	v17 =	vadd.f32 v17, v39;
	v54 =	vmul.f32 v0, v0;
	v35 =	vadd.f32 v56, v16  }
0x2dd: {  	v16 =	vld.idx.msk [tilespmem:v53+s12+$0x0], $0xffff;
	v51 =	vmul.f32 v31, v31;
	v53 =	vor.u32 $0x23, v1;
	v56 =	vor.u32 $0x24, v1  }
0x2de: {  	v58 =	vmul.f32 v2, v2;
	v36 =	vadd.f32 v59, v36;
	v59 =	vmul.f32 v26, v26  }
0x2df: {  	v3 =	vld.idx.msk [tilespmem:v48+s12+$0x0], $0xffff;
	v17 =	vadd.f32 v49, v17;
	v49 =	vmul.f32 v20, v6;
	v26 =	vmul.f32 v26, v2  }
0x2e0: {  	v35 =	vadd.f32 v60, v35;
	v55 =	vmul.f32 v25, v25;
	v60 =	vmul.f32 v18, v4;
	v6 =	vld.idx.msk [tilespmem:v57+s12+$0x0], $0xffff  }
0x2e1: {  	v20 =	vld.idx.msk [tilespmem:v57+s13+$0x0], $0xffff;
	v57 =	vmul.f32 v21, v7;
	v25 =	vmul.f32 v25, v0;
	v36 =	vadd.f32 v62, v36  }
0x2e2: {  	v17 =	vadd.f32 v52, v17;
	v61 =	vmul.f32 v13, v13;
	v62 =	vmul.f32 v27, v27  }
0x2e3: {  	v52 =	vmul.f32 v28, v14;
	v27 =	vmul.f32 v27, v13;
	v35 =	vadd.f32 v63, v35;
	v4 =	vld.idx.msk [tilespmem:v53+s12+$0x0], $0xffff  }
0x2e4: {  	v36 =	vadd.f32 v46, v36;
	v50 =	vmul.f32 v16, v16;
	v17 =	vadd.f32 v32, v17;
	v18 =	vld.idx.msk [tilespmem:v53+s13+$0x0], $0xffff  }
0x2e5: {  	v63 =	vor.u32 $0x26, v1;
	v5 =	vld.idx.msk [tilespmem:v56+s12+$0x0], $0xffff;
	v46 =	vmul.f32 v3, v3;
	v35 =	vadd.f32 v47, v35  }
0x2e6: {  	v19 =	vld.idx.msk [tilespmem:v56+s13+$0x0], $0xffff;
	v53 =	vor.u32 $0x28, v1;
	v36 =	vadd.f32 v50, v36;
	v17 =	vadd.f32 v60, v17  }
0x2e7: {  	v56 =	vor.u32 $0x29, v1;
	v31 =	vmul.f32 v31, v16;
	v34 =	vadd.f32 v51, v35  }
0x2e8: {  	v60 =	vor.u32 $0x2A, v1;
	v36 =	vadd.f32 v54, v36;
	v17 =	vadd.f32 v44, v17  }
0x2e9: {  	v44 =	vmul.f32 v30, v15;
	v35 =	vadd.f32 v55, v34;
	v50 =	vmul.f32 v4, v4  }
0x2ea: {  	v34 =	vld.idx.msk [tilespmem:v48+s13+$0x0], $0xffff;
	v51 =	vmul.f32 v18, v18;
	v54 =	vmul.f32 v5, v5;
	v36 =	vadd.f32 v58, v36  }
0x2eb: {  	v14 =	vld.idx.msk [tilespmem:v63+s12+$0x0], $0xffff;
	v48 =	vor.u32 $0x27, v1;
	v55 =	vmul.f32 v19, v19;
	v4 =	vmul.f32 v18, v4  }
0x2ec: {  	v28 =	vld.idx.msk [tilespmem:v63+s13+$0x0], $0xffff;
	v5 =	vmul.f32 v19, v5;
	v17 =	vadd.f32 v49, v17;
	v36 =	vadd.f32 v61, v36  }
0x2ed: {  	v30 =	vld.idx.msk [tilespmem:v56+s13+$0x0], $0xffff;
	v58 =	vmul.f32 v6, v6;
	v49 =	vor.u32 $0x2C, v1;
	v32 =	vadd.f32 v59, v35  }
0x2ee: {  	v6 =	vmul.f32 v20, v6;
	v59 =	vmul.f32 v20, v20;
	v36 =	vadd.f32 v46, v36  }
0x2ef: {  	v17 =	vadd.f32 v52, v17;
	v32 =	vadd.f32 v62, v32;
	v47 =	vmul.f32 v34, v34  }
0x2f0: {  	v61 =	vmul.f32 v29, v8;
	v8 =	vld.idx.msk [tilespmem:v53+s12+$0x0], $0xffff;
	v62 =	vmul.f32 v14, v14;
	v36 =	vadd.f32 v50, v36  }
0x2f1: {  	v63 =	vmul.f32 v28, v28;
	v7 =	vld.idx.msk [tilespmem:v48+s12+$0x0], $0xffff;
	v17 =	vadd.f32 v57, v17;
	v32 =	vadd.f32 v47, v32  }
0x2f2: {  	v15 =	vld.idx.msk [tilespmem:v56+s12+$0x0], $0xffff;
	v46 =	vor.u32 $0x2B, v1;
	v56 =	vmul.f32 v30, v30;
	v36 =	vadd.f32 v54, v36  }
0x2f3: {  	v29 =	vld.idx.msk [tilespmem:v53+s13+$0x0], $0xffff;
	v57 =	vor.u32 $0x2E, v1;
	v17 =	vadd.f32 v61, v17;
	v32 =	vadd.f32 v51, v32  }
0x2f4: {  	v21 =	vld.idx.msk [tilespmem:v48+s13+$0x0], $0xffff;
	v34 =	vmul.f32 v34, v3;
	v50 =	vmul.f32 v33, v9;
	v36 =	vadd.f32 v58, v36  }
0x2f5: {  	v9 =	vld.idx.msk [tilespmem:v60+s12+$0x0], $0xffff;
	v52 =	vmul.f32 v8, v8;
	v17 =	vadd.f32 v44, v17;
	v32 =	vadd.f32 v55, v32  }
0x2f6: {  	v33 =	vld.idx.msk [tilespmem:v60+s13+$0x0], $0xffff;
	v51 =	vor.u32 $0x2D, v1;
	v47 =	vmul.f32 v7, v7;
	v36 =	vadd.f32 v62, v36  }
0x2f7: {  	v54 =	vmul.f32 v22, v10;
	v10 =	vld.idx.msk [tilespmem:v46+s12+$0x0], $0xffff;
	v17 =	vadd.f32 v50, v17;
	v32 =	vadd.f32 v59, v32  }
0x2f8: {  	v53 =	vmul.f32 v29, v29;
	v8 =	vmul.f32 v29, v8;
	v22 =	vld.idx.msk [tilespmem:v46+s13+$0x0], $0xffff;
	v36 =	vadd.f32 v47, v36  }
0x2f9: {  	v48 =	vmul.f32 v21, v21;
	v16 =	vld.idx.msk [tilespmem:v57+s13+$0x0], $0xffff;
	v39 =	vadd.f32 v54, v17;
	v32 =	vadd.f32 v63, v32  }
0x2fa: {  	v55 =	vmul.f32 v15, v15;
	v17 =	vld.idx.msk [tilespmem:v49+s12+$0x0], $0xffff;
	v54 =	vor.u32 $0x32, v1;
	v35 =	vadd.f32 v52, v36  }
0x2fb: {  	v7 =	vmul.f32 v21, v7;
	v23 =	vld.idx.msk [tilespmem:v51+s13+$0x0], $0xffff;
	v62 =	vadd.f32 v11, v39;
	v32 =	vadd.f32 v48, v32  }
0x2fc: {  	v59 =	vmul.f32 v9, v9;
	v63 =	vor.u32 $0x2F, v1;
	v11 =	vld.idx.msk [tilespmem:v51+s12+$0x0], $0xffff;
	v58 =	vadd.f32 v55, v35  }
0x2fd: {  	v51 =	vor.u32 $0x31, v1;
	v38 =	vadd.f32 v12, v62;
	v12 =	vld.idx.msk [tilespmem:v57+s12+$0x0], $0xffff;
	v37 =	vadd.f32 v53, v32  }
0x2fe: {  	v46 =	vmul.f32 v10, v10;
	v48 =	vor.u32 $0x30, v1;
	v32 =	vld.idx.msk [tilespmem:v49+s13+$0x0], $0xffff;
	v44 =	vadd.f32 v59, v58  }
0x2ff: {  	v61 =	vmul.f32 v33, v33;
	v9 =	vmul.f32 v33, v9;
	v3 =	vld.idx.msk [tilespmem:v54+s12+$0x0], $0xffff;
	v60 =	vadd.f32 v56, v37  }
0x300: {  	v47 =	vmul.f32 v22, v22;
	v39 =	vld.idx.msk [tilespmem:v54+s13+$0x0], $0xffff;
	v49 =	vmul.f32 v17, v17;
	v24 =	vadd.f32 v46, v44  }
0x301: {  	v10 =	vmul.f32 v22, v10;
	v31 =	vadd.f32 v31, v38;
	v0 =	vld.idx.msk [tilespmem:v63+s12+$0x0], $0xffff;
	v36 =	vadd.f32 v61, v60  }
0x302: {  	v57 =	vor.u32 $0x33, v1;
	v52 =	vmul.f32 v11, v11;
	v13 =	vld.idx.msk [tilespmem:v51+s12+$0x0], $0xffff;
	v35 =	vadd.f32 v49, v24  }
0x303: {  	v31 =	vadd.f32 v25, v31;
	v2 =	vld.idx.msk [tilespmem:v48+s12+$0x0], $0xffff;
	v50 =	vmul.f32 v32, v32;
	v36 =	vadd.f32 v47, v36  }
0x304: {  	v54 =	vor.u32 $0x38, v1;
	v55 =	vmul.f32 v12, v12;
	v24 =	vld.idx.msk [tilespmem:v63+s13+$0x0], $0xffff;
	v35 =	vadd.f32 v52, v35  }
0x305: {  	v53 =	vmul.f32 v23, v23;
	v31 =	vadd.f32 v26, v31;
	v36 =	vadd.f32 v50, v36  }
0x306: {  	v25 =	vld.idx.msk [tilespmem:v48+s13+$0x0], $0xffff;
	v60 =	vor.u32 $0x34, v1;
	v58 =	vmul.f32 v0, v0;
	v35 =	vadd.f32 v55, v35  }
0x307: {  	v56 =	vmul.f32 v16, v16;
	v61 =	vor.u32 $0x35, v1;
	v36 =	vadd.f32 v53, v36  }
0x308: {  	v26 =	vld.idx.msk [tilespmem:v51+s13+$0x0], $0xffff;
	v27 =	vadd.f32 v27, v31;
	v62 =	vmul.f32 v2, v2;
	v35 =	vadd.f32 v58, v35  }
0x309: {  	v18 =	vld.idx.msk [tilespmem:v57+s12+$0x0], $0xffff;
	v44 =	vmul.f32 v13, v13;
	v59 =	vmul.f32 v24, v24;
	v36 =	vadd.f32 v56, v36  }
0x30a: {  	v47 =	vor.u32 $0x36, v1;
	v27 =	vadd.f32 v34, v27;
	v35 =	vadd.f32 v62, v35  }
0x30b: {  	v48 =	vmul.f32 v3, v3;
	v63 =	vmul.f32 v25, v25;
	v19 =	vld.idx.msk [tilespmem:v60+s12+$0x0], $0xffff;
	v36 =	vadd.f32 v59, v36  }
0x30c: {  	v40 =	vld.idx.msk [tilespmem:v57+s13+$0x0], $0xffff;
	v50 =	vor.u32 $0x37, v1;
	v4 =	vadd.f32 v4, v27;
	v35 =	vadd.f32 v44, v35  }
0x30d: {  	v57 =	vor.u32 $0x39, v1;
	v46 =	vmul.f32 v26, v26;
	v20 =	vld.idx.msk [tilespmem:v61+s12+$0x0], $0xffff;
	v34 =	vadd.f32 v63, v36  }
0x30e: {  	v51 =	vmul.f32 v18, v18;
	v31 =	vld.idx.msk [tilespmem:v60+s13+$0x0], $0xffff;
	v4 =	vadd.f32 v5, v4;
	v35 =	vadd.f32 v48, v35  }
0x30f: {  	v49 =	vmul.f32 v39, v39;
	v53 =	vmul.f32 v28, v14;
	v28 =	vld.idx.msk [tilespmem:v47+s12+$0x0], $0xffff;
	v34 =	vadd.f32 v46, v34  }
0x310: {  	v38 =	vld.idx.msk [tilespmem:v61+s13+$0x0], $0xffff;
	v4 =	vadd.f32 v6, v4;
	v55 =	vmul.f32 v19, v19;
	v35 =	vadd.f32 v51, v35  }
0x311: {  	v17 =	vmul.f32 v32, v17;
	v52 =	vmul.f32 v40, v40;
	v21 =	vld.idx.msk [tilespmem:v50+s12+$0x0], $0xffff;
	v34 =	vadd.f32 v49, v34  }
0x312: {  	v27 =	vld.idx.msk [tilespmem:v47+s13+$0x0], $0xffff;
	v58 =	vmul.f32 v20, v20;
	v4 =	vadd.f32 v53, v4;
	v35 =	vadd.f32 v55, v35  }
0x313: {  	v29 =	vld.idx.msk [tilespmem:v54+s12+$0x0], $0xffff;
	v60 =	vor.u32 $0x3A, v1;
	v56 =	vmul.f32 v31, v31;
	v34 =	vadd.f32 v52, v34  }
0x314: {  	v5 =	vld.idx.msk [tilespmem:v50+s13+$0x0], $0xffff;
	v61 =	vmul.f32 v28, v28;
	v4 =	vadd.f32 v7, v4;
	v35 =	vadd.f32 v58, v35  }
0x315: {  	v59 =	vmul.f32 v38, v38;
	v63 =	vmul.f32 v30, v15;
	v30 =	vld.idx.msk [tilespmem:v57+s12+$0x0], $0xffff;
	v34 =	vadd.f32 v56, v34  }
0x316: {  	v14 =	vld.idx.msk [tilespmem:v54+s13+$0x0], $0xffff;
	v42 =	vmul.f32 v21, v21;
	v4 =	vadd.f32 v8, v4;
	v35 =	vadd.f32 v61, v35  }
0x317: {  	v6 =	vld.idx.msk [tilespmem:v57+s13+$0x0], $0xffff;
	v62 =	vmul.f32 v27, v27;
	v44 =	vor.u32 $0x3C, v1;
	v34 =	vadd.f32 v59, v34  }
0x318: {  	v47 =	vmul.f32 v29, v29;
	v37 =	vld.idx.msk [tilespmem:v60+s12+$0x0], $0xffff;
	v4 =	vadd.f32 v63, v4;
	v35 =	vadd.f32 v42, v35  }
0x319: {  	v43 =	vmul.f32 v5, v5;
	v46 =	vor.u32 $0x3D, v1;
	v7 =	vld.idx.msk [tilespmem:v60+s13+$0x0], $0xffff;
	v34 =	vadd.f32 v62, v34  }
0x31a: {  	v22 =	vld.idx.msk [tilespmem:v41+s12+$0x0], $0xffff;
	v49 =	vmul.f32 v30, v30;
	v4 =	vadd.f32 v9, v4;
	v35 =	vadd.f32 v47, v35  }
0x31b: {  	v15 =	vld.idx.msk [tilespmem:v41+s13+$0x0], $0xffff;
	v48 =	vmul.f32 v14, v14;
	v51 =	vor.u32 $0x3E, v1;
	v34 =	vadd.f32 v43, v34  }
0x31c: {  	v53 =	vor.u32 $0x3F, v1;
	v4 =	vadd.f32 v10, v4;
	v52 =	vadd.f32 v49, v35;
	v35 =	vld.idx.msk [tilespmem:v44+s12+$0x0], $0xffff  }
0x31d: {  	v50 =	vmul.f32 v6, v6;
	v54 =	vmul.f32 v37, v37;
	v8 =	vld.idx.msk [tilespmem:v44+s13+$0x0], $0xffff;
	v9 =	vadd.f32 v48, v34  }
0x31e: {  	v11 =	vmul.f32 v23, v11;
	v55 =	vmul.f32 v7, v7;
	v4 =	vadd.f32 v17, v4;
	v17 =	vld.idx.msk [tilespmem:v46+s12+$0x0], $0xffff  }
0x31f: {  	v33 =	vld.idx.msk [tilespmem:v46+s13+$0x0], $0xffff;
	v56 =	vmul.f32 v22, v22;
	v9 =	vadd.f32 v50, v9;
	v10 =	vadd.f32 v54, v52  }
0x320: {  	v12 =	vmul.f32 v16, v12;
	v57 =	vmul.f32 v15, v15;
	v16 =	vld.idx.msk [tilespmem:v51+s12+$0x0], $0xffff;
	v4 =	vadd.f32 v11, v4  }
0x321: {  	v32 =	vld.idx.msk [tilespmem:v51+s13+$0x0], $0xffff;
	v9 =	vadd.f32 v55, v9;
	v10 =	vadd.f32 v56, v10;
	v58 =	vmul.f32 v35, v35  }
0x322: {  	v0 =	vmul.f32 v24, v0;
	v59 =	vmul.f32 v8, v8;
	v4 =	vadd.f32 v12, v4;
	v12 =	vld.idx.msk [tilespmem:v53+s12+$0x0], $0xffff  }
0x323: {  	v60 =	vmul.f32 v17, v17;
	v9 =	vadd.f32 v57, v9;
	v10 =	vadd.f32 v58, v10  }
0x324: {  	v2 =	vmul.f32 v25, v2;
	v1 =	vld.idx.msk [tilespmem:v53+s13+$0x0], $0xffff;
	v61 =	vmul.f32 v33, v33;
	v0 =	vadd.f32 v0, v4  }
0x325: {  	v63 =	vmul.f32 v16, v16;
	v9 =	vadd.f32 v59, v9;
	v62 =	vadd.f32 v60, v10  }
0x326: {  	v13 =	vmul.f32 v26, v13;
	v23 =	vmul.f32 v32, v32;
	v0 =	vadd.f32 v2, v0  }
0x327: {  	v24 =	vmul.f32 v12, v12;
	v9 =	vadd.f32 v61, v9;
	v4 =	vadd.f32 v63, v62  }
0x328: {  	v25 =	vmul.f32 v39, v3;
	v0 =	vadd.f32 v13, v0  }
0x329: {  	v34 =	vmul.f32 v1, v1;
	v9 =	vadd.f32 v23, v9;
	v26 =	vadd.f32 v24, v4  }
0x32a: {  	v36 =	vmul.f32 v40, v18  }
0x32b: {  	v0 =	vadd.f32 v25, v0;
	v39 =	vadd.f32 v34, v9;
	v3 =	vmax.f32 v26, $9.999999820e-15  }
0x32c: {  	v40 =	vmul.f32 v31, v19;
	v41 =	vshra.s32 v3, $0x1;
	v3 =	vmul.f32 $5.000000000e-01, v3  }
0x32d: {  	v0 =	vadd.f32 v36, v0;
	v2 =	vmax.f32 v39, $9.999999820e-15;
	v9 =	vsub.s32 $0x5F3759DF, v41  }
0x32e: {  	v43 =	vshra.s32 v2, $0x1;
	v2 =	vmul.f32 $5.000000000e-01, v2;
	v42 =	vmul.f32 v9, v3  }
0x32f: {  	v44 =	vmul.f32 v38, v20;
	v0 =	vadd.f32 v40, v0;
	v11 =	vsub.s32 $0x5F3759DF, v43  }
0x330: {  	v46 =	vmul.f32 v11, v2;
	v10 =	vmul.f32 v9, v42  }
0x331: {  	v47 =	vmul.f32 v27, v28;
	v0 =	vadd.f32 v44, v0  }
0x332: {  	v13 =	vmul.f32 v11, v46;
	v10 =	vsub.f32 $1.500000000e+00, v10  }
0x333: {  	v48 =	vmul.f32 v5, v21;
	v0 =	vadd.f32 v47, v0  }
0x334: {  	v50 =	vsub.f32 $1.500000000e+00, v13;
	v49 =	vmul.f32 v9, v10  }
0x335: {  	v51 =	vmul.f32 v14, v29;
	v0 =	vadd.f32 v48, v0  }
0x336: {  	v9 =	vmul.f32 v11, v50;
	v10 =	vmul.f32 v49, v3  }
0x337: {  	v52 =	vmul.f32 v6, v30;
	v0 =	vadd.f32 v51, v0  }
0x338: {  	v54 =	vmul.f32 v9, v2;
	v53 =	vmul.f32 v10, v49  }
0x339: {  	v55 =	vmul.f32 v7, v37;
	v0 =	vadd.f32 v52, v0  }
0x33a: {  	v56 =	vmul.f32 v54, v9;
	v6 =	vsub.f32 $1.500000000e+00, v53  }
0x33b: {  	v57 =	vmul.f32 v15, v22;
	v0 =	vadd.f32 v55, v0  }
0x33c: {  	v58 =	vsub.f32 $1.500000000e+00, v56;
	v5 =	vmul.f32 v6, v49  }
0x33d: {  	v59 =	vmul.f32 v8, v35;
	v0 =	vadd.f32 v57, v0  }
0x33e: {  	v6 =	vmul.f32 v58, v9;
	v3 =	vmul.f32 v5, v3  }
0x33f: {  	v60 =	vmul.f32 v33, v17;
	v0 =	vadd.f32 v59, v0  }
0x340: {  	v2 =	vmul.f32 v6, v2;
	v3 =	vmul.f32 v3, v5  }
0x341: {  	v61 =	vmul.f32 v32, v16;
	v0 =	vadd.f32 v60, v0  }
0x342: {  	v2 =	vmul.f32 v2, v6;
	v3 =	vsub.f32 $1.500000000e+00, v3  }
0x343: {  	v1 =	vmul.f32 v1, v12;
	v0 =	vadd.f32 v61, v0  }
0x344: {  	v2 =	vsub.f32 $1.500000000e+00, v2;
	v3 =	vmul.f32 v3, v5  }
0x345: {  	v0 =	vadd.f32 v1, v0  }
0x346: {  	v62 =	vmul.f32 v2, v6;
	v63 =	vmin.f32 v3, $1.000000000e+00  }
0x347: {  	v0 =	vmul.f32 v63, v0  }
0x348: {  	v1 =	vmin.f32 v62, $1.000000000e+00  }
0x349: {  	v0 =	vmul.f32 v1, v0;
	_ =	sdelay $0x1  }
0x34a: {  	v0 =	vsub.f32 $0.0e+00, v0;
	_ =	sdelay $0x1  }
0x34b: {  	v0 =	vmul.f32 $1.442695020e+00, v0;
	_ =	sdelay $0x1  }
0x34c: {  	(erf) = vpow2.f32 v0;
	_ =	sdelay $0x8  }
0x34d: {  	v0 =	vpop (erf)  }
0x34e: {  	v0 =	vadd.f32 $1.000000000e+00, v0;
	_ =	sdelay $0x1  }
0x34f: {  	(erf) = vrcp.f32 v0;
	_ =	sdelay $0x7  }
0x350: {  	s28 =	sadd.s32 $0x1, s28  }
0x351: {  	p0 =	sne.s32 s28, s8;
	s29 =	sadd.s32 $0x10, s29;
	v0 =	vpop (erf)  }
.Ltmp1:
0x352: {  	[tilespmem:s29+$0x0] =	vst v0;
	(pc) =	sbr.rel @p0 .LBB2_1-.Ltmp1, $4  }
0x353: {  	[hbm4b:s7+s1] =	stream.linear.scatter [tilespmem:s26], [sflag:$0x2], $0x200, $0x38;
	[tilespmem:$0x10600] =	vst v63  }
0x354: {  	_ =	swait.ge [sflag:s9], $0x200  }
0x355: {  	[sflag:s9] =	ssyncset.done $0x0  }
0x356: {  	[sflag:s9] =	ssyncadd.s32 $0xFFFFFE00  }
0x357: {  	_ =	sfence.sel $0x180000  }
0x358: {  	[bflag:$0x0] =	sbarrier.arrive $0xFFFF  }
0x359: {  	p0 =	sne.s32 s2, $0x0;
	_ =	strace $0x90000047  }
0x35a: {  	s0 =	sadd.s32 @!p0 $0x100000, s0;
	[bflag:$0x2] =	sbarrier.arrive $0xFFFF  }
0x35b: {  	[sflag:s0] =	ssyncadd.tile.s32 @!p0 $0x1;
	_ =	shalt  }
.Lfunc_end2:
_tile_overlayer_lowered:
.L_overlay_start_2:
0x35c: {  	(tag) =	ssettag $0x2  }
0x35d: {  	s0 =	rddreg [dreg:$0x0];
	s2 =	stileid.u32  }
0x35e: {  	s1 =	rddreg [dreg:$0x1];
	p0 =	sne.s32 s2, $0x0  }
0x35f: {  	s3 =	rddreg [dreg:$0x2];
	[bflag:$0x3] =	sbarrier.arrive $0xFFFF;
	s2 =	simm.s32 @!p0 $0x1C02  }
0x360: {  	[timem:s3], [sflag:s2] =	dma.local @!p0 [hbm:s0], s1  }
0x361: {  	s0 =	simm.s32 @!p0 $0x2  }
0x362: {  	_ =	swait.ge @!p0 [sflag:s0], s1  }
0x363: {  	s1 =	ssub.s32 @!p0 $0x0, s1;
	[sflag:s0] =	ssyncset.done @!p0 $0x0  }
0x364: {  	[sflag:s0] =	ssyncadd.s32 @!p0 s1  }
0x365: {  	[bflag:$0x3] =	sbarrier.arrive $0xFFFF  }
0x366: {  	_ =	shalt  }

</sc_bundles>
